<compile_context>
chip_gen: v7x
topology: tpu7x:2x2x1
jax: 0.10.2.dev20260603
libtpu: 0.0.44.dev20260713+nightly
codegen_flags: <defaults>
</compile_context>

<pallas_src>
import functools

import jax
import jax.numpy as jnp
from jax import lax
from jax.experimental import pallas as pl
from jax.experimental.pallas import tpu as pltpu
from jax.experimental.pallas import tpu_sc as plsc

N = 10000
E = 320000
D = 128
DE = 16
MSG = 128

NC = 2
NS = 16
NW = NC * NS

CHUNK = 128
EH = E // 2
NCHUNK = EH // CHUNK
ITERS = (NCHUNK + NW - 1) // NW
EPAD = NW * ITERS * CHUNK

NPAD = 10240
ROWS_PER_TILE = NPAD // NS

_sc_mesh = lambda: plsc.VectorSubcoreMesh(core_axis_name="c", subcore_axis_name="s")


def _make_diff_gather():
    @functools.partial(
        pl.kernel,
        out_type=jax.ShapeDtypeStruct((EH, D), jnp.float32),
        mesh=_sc_mesh(),
        scratch_types=[
            pltpu.VMEM((ITERS, CHUNK), jnp.int32),
            pltpu.VMEM((ITERS, CHUNK), jnp.int32),
            [pltpu.VMEM((CHUNK, D), jnp.float32)] * 2,
            [pltpu.VMEM((CHUNK, D), jnp.float32)] * 2,
            [pltpu.VMEM((CHUNK, D), jnp.float32)] * 2,
            [pltpu.SemaphoreType.DMA] * 2,
            [pltpu.SemaphoreType.DMA] * 2,
            [pltpu.SemaphoreType.DMA] * 2,
        ],
    )
    def diff_gather(state_hbm, src_hbm, dst_hbm, out_hbm,
                    sidx, didx, rows_a, rows_b, rows_o,
                    sem_a, sem_b, sem_o):
        c = lax.axis_index("c")
        s = lax.axis_index("s")
        wid = s * NC + c

        pltpu.sync_copy(src_hbm.at[wid], sidx)
        pltpu.sync_copy(dst_hbm.at[wid], didx)

        def start(i, b):
            chunk = wid * ITERS + i

            @pl.when(jnp.logical_and(i < ITERS, chunk < NCHUNK))
            def _():
                pltpu.async_copy(state_hbm.at[sidx.at[i]], rows_a[b],
                                 sem_a[b])
                pltpu.async_copy(state_hbm.at[didx.at[i]], rows_b[b],
                                 sem_b[b])

        def finish(i, b):
            chunk = wid * ITERS + i

            @pl.when(jnp.logical_and(i < ITERS, chunk < NCHUNK))
            def _():
                base = chunk * CHUNK
                pltpu.make_async_copy(state_hbm.at[sidx.at[i]], rows_a[b],
                                      sem_a[b]).wait()
                pltpu.make_async_copy(state_hbm.at[didx.at[i]], rows_b[b],
                                      sem_b[b]).wait()

                @pl.when(i >= 2)
                def _wait_prev_store():
                    pltpu.make_async_copy(
                        rows_o[b], out_hbm.at[pl.ds(0, CHUNK)], sem_o[b]
                    ).wait()

                def sub_row(r, carry2):
                    def sub_vec(j, carry3):
                        off = j * 16
                        rows_o[b][r, pl.ds(off, 16)] = (
                            rows_a[b][r, pl.ds(off, 16)]
                            - rows_b[b][r, pl.ds(off, 16)]
                        )
                        return carry3
                    return lax.fori_loop(0, D // 16, sub_vec, carry2,
                                         unroll=8)

                lax.fori_loop(0, CHUNK, sub_row, 0)
                pltpu.async_copy(rows_o[b], out_hbm.at[pl.ds(base, CHUNK)],
                                 sem_o[b])

        start(0, 0)

        @pl.loop(0, ITERS + 1, step=2)
        def _loop(i0):
            start(i0 + 1, 1)
            finish(i0, 0)
            start(i0 + 2, 0)
            finish(i0 + 1, 1)

        for b in range(2):
            pltpu.make_async_copy(rows_o[b], out_hbm.at[pl.ds(0, CHUNK)],
                                  sem_o[b]).wait()

    return diff_gather


def _make_scatter_add():
    @functools.partial(
        pl.kernel,
        out_type=jax.ShapeDtypeStruct((NC, NPAD, D), jnp.float32),
        mesh=_sc_mesh(),
        scratch_types=[
            [pltpu.VMEM((CHUNK,), jnp.int32)] * 2,
            [pltpu.VMEM((CHUNK, D), jnp.float32)] * 2,
            [pltpu.SemaphoreType.DMA] * 2,
            [pltpu.SemaphoreType.DMA] * 2,
            pltpu.VMEM_SHARED((NPAD, D), jnp.float32),
        ],
    )
    def scatter_add(msg_hbm, dst_hbm, zeros_hbm, out_hbm,
                    didx, rows, sem_i, sem_m, acc):
        c = lax.axis_index("c")
        s = lax.axis_index("s")
        wid = s * NC + c
        slab = s * ROWS_PER_TILE

        pltpu.sync_copy(zeros_hbm, acc.at[pl.ds(slab, ROWS_PER_TILE)])
        plsc.subcore_barrier()

        def start(i, b):
            chunk = wid + i * NW

            @pl.when(chunk < NCHUNK)
            def _():
                base = chunk * CHUNK
                pltpu.async_copy(dst_hbm.at[pl.ds(base, CHUNK)], didx[b],
                                 sem_i[b])
                pltpu.async_copy(msg_hbm.at[pl.ds(base, CHUNK)], rows[b],
                                 sem_m[b])

        def finish(i, b):
            chunk = wid + i * NW

            @pl.when(chunk < NCHUNK)
            def _():
                base = chunk * CHUNK
                pltpu.make_async_copy(dst_hbm.at[pl.ds(base, CHUNK)], didx[b],
                                      sem_i[b]).wait()
                pltpu.make_async_copy(msg_hbm.at[pl.ds(base, CHUNK)], rows[b],
                                      sem_m[b]).wait()
                pltpu.sync_copy(rows[b], acc.at[didx[b]], add=True)

        start(0, 0)

        @pl.loop(0, ITERS + 1, step=2)
        def _loop(i0):
            start(i0 + 1, 1)
            finish(i0, 0)
            start(i0 + 2, 0)
            finish(i0 + 1, 1)

        plsc.subcore_barrier()
        pltpu.sync_copy(acc.at[pl.ds(slab, ROWS_PER_TILE)],
                        out_hbm.at[c, pl.ds(slab, ROWS_PER_TILE)])

    return scatter_add


def _mlp_body(diff_ref, ef_ref, w1dT_ref, w1eT_ref, b1_ref,
              w2mT_ref, b2m_ref, w2aT_ref, b2a_ref, out_ref):
    x = diff_ref[...].astype(jnp.bfloat16)
    ef_t = ef_ref[...]
    h = (jnp.dot(x, w1dT_ref[...], preferred_element_type=jnp.float32)
         + lax.dot_general(ef_t, w1eT_ref[...],
                           (((0,), (0,)), ((), ())),
                           preferred_element_type=jnp.float32)
         + b1_ref[...])
    h = jnp.maximum(h, 0.0).astype(jnp.bfloat16)
    hm = h[:, :MSG]
    ha = h[:, MSG:]
    msg = jnp.dot(hm, w2mT_ref[...], preferred_element_type=jnp.float32) + b2m_ref[...]
    att = jax.nn.sigmoid(
        jnp.dot(ha, w2aT_ref[...], preferred_element_type=jnp.float32)
        + b2a_ref[...])
    out_ref[...] = msg * att


def _run_mlp(diff, edge_feat, w1dT, w1eT, b1, w2mT, b2m, w2aT, b2a):
    BE = 3200
    grid = (EH // BE,)
    full = lambda shape: pl.BlockSpec(shape, lambda i: (0, 0))
    return pl.pallas_call(
        _mlp_body,
        grid=grid,
        in_specs=[
            pl.BlockSpec((BE, D), lambda i: (i, 0)),
            pl.BlockSpec((DE, BE), lambda i: (0, i)),
            full((D, 2 * MSG)),
            full((DE, 2 * MSG)),
            full((1, 2 * MSG)),
            full((MSG, MSG)),
            full((1, MSG)),
            full((MSG, MSG)),
            full((1, MSG)),
        ],
        out_specs=pl.BlockSpec((BE, MSG), lambda i: (i, 0)),
        out_shape=jax.ShapeDtypeStruct((EH, MSG), jnp.float32),
        compiler_params=pltpu.CompilerParams(
            dimension_semantics=("arbitrary",),
        ),
    )(diff, edge_feat, w1dT, w1eT, b1, w2mT, b2m, w2aT, b2a)


def _gru_body(p0_ref, p1_ref, p2_ref, p3_ref, state_ref, wihT_ref, whhT_ref,
              bih_ref, bhh_ref, out_ref):
    m = (p0_ref[...] + p1_ref[...]) + (p2_ref[...] + p3_ref[...])
    state = state_ref[...]
    gi = m @ wihT_ref[...] + bih_ref[...]
    gh = state @ whhT_ref[...] + bhh_ref[...]
    r = jax.nn.sigmoid(gi[:, :D] + gh[:, :D])
    z = jax.nn.sigmoid(gi[:, D:2 * D] + gh[:, D:2 * D])
    n = jnp.tanh(gi[:, 2 * D:] + r * gh[:, 2 * D:])
    out_ref[...] = (1.0 - z) * n + z * state


def _run_gru(p0, p1, p2, p3, state, wihT, whhT, bih, bhh):
    BN = 1000
    grid = (N // BN,)
    full = lambda shape: pl.BlockSpec(shape, lambda i: (0, 0))
    return pl.pallas_call(
        _gru_body,
        grid=grid,
        in_specs=[
            pl.BlockSpec((BN, MSG), lambda i: (i, 0)),
            pl.BlockSpec((BN, MSG), lambda i: (i, 0)),
            pl.BlockSpec((BN, MSG), lambda i: (i, 0)),
            pl.BlockSpec((BN, MSG), lambda i: (i, 0)),
            pl.BlockSpec((BN, D), lambda i: (i, 0)),
            full((MSG, 3 * D)),
            full((D, 3 * D)),
            full((1, 3 * D)),
            full((1, 3 * D)),
        ],
        out_specs=pl.BlockSpec((BN, D), lambda i: (i, 0)),
        out_shape=jax.ShapeDtypeStruct((N, D), jnp.float32),
        compiler_params=pltpu.CompilerParams(
            dimension_semantics=("arbitrary",),
        ),
    )(p0, p1, p2, p3, state, wihT, whhT, bih, bhh)


def kernel(node_feat, edge, edge_feat, msg_W1, msg_b1, msg_W2, msg_b2,
           att_W1, att_b1, att_W2, att_b2, gru_Wih, gru_Whh, gru_bih, gru_bhh):
    src = edge[:, 0].astype(jnp.int32)
    dst = edge[:, 1].astype(jnp.int32)
    state = node_feat.astype(jnp.float32)

    w1dT = jnp.concatenate([msg_W1[:, :D].T, att_W1[:, :D].T], axis=1)
    w1eT = jnp.concatenate([msg_W1[:, D:].T, att_W1[:, D:].T], axis=1)
    b1 = jnp.concatenate([msg_b1, att_b1]).reshape(1, 2 * MSG)
    ef_t = edge_feat.T.astype(jnp.bfloat16)
    mlp_w = (w1dT.astype(jnp.bfloat16), w1eT.astype(jnp.bfloat16), b1,
             msg_W2.T.astype(jnp.bfloat16), msg_b2.reshape(1, MSG),
             att_W2.T.astype(jnp.bfloat16), att_b2.reshape(1, MSG))
    zeros = jnp.zeros((ROWS_PER_TILE, D), jnp.float32)

    gather = _make_diff_gather()
    scatter = _make_scatter_add()

    halves = []
    for h in range(2):
        lo = h * EH
        s_h = src[lo:lo + EH]
        d_h = dst[lo:lo + EH]
        src3d = jnp.pad(s_h, (0, EPAD - EH)).reshape(NW, ITERS, CHUNK)
        dst3d = jnp.pad(d_h, (0, EPAD - EH)).reshape(NW, ITERS, CHUNK)
        halves.append((src3d, dst3d, d_h))

    diff0 = gather(state, halves[0][0], halves[0][1])
    diff1 = gather(state, halves[1][0], halves[1][1])
    msg0 = _run_mlp(diff0, ef_t[:, :EH], *mlp_w)
    p0 = scatter(msg0, halves[0][2], zeros)
    msg1 = _run_mlp(diff1, ef_t[:, EH:], *mlp_w)
    p1 = scatter(msg1, halves[1][2], zeros)

    return _run_gru(p0[0, :N], p0[1, :N], p1[0, :N], p1[1, :N], state,
                    gru_Wih.T, gru_Whh.T,
                    gru_bih.reshape(1, 3 * D), gru_bhh.reshape(1, 3 * D))

# --- scband reference (transcript-rebuilt; emitter-appended) ---
"""Pipeline reference for scband-gnn-2018634629835 (READ-ONLY COPY).

The authoritative reference and input builder live on the scoring server;
editing this copy changes nothing except your own understanding.
"""

import jax, jax.numpy as jnp
import numpy as np

N = 10000
E = 320000
D = 128
DE = 16
MSG = 128
ATT_H = 128

def setup_inputs(seed: int = 0) -> dict:
    key = jax.random.key(seed)
    ks = jax.random.split(key, 16)
    node_feat = jax.random.normal(ks[0], (N, D), dtype=jnp.float32)
    edge = jax.random.randint(ks[1], (E, 2), 0, N, dtype=jnp.int64)
    edge_feat = jax.random.normal(ks[2], (E, DE), dtype=jnp.float32)
    s1 = 1.0 / np.sqrt(D + DE)
    s2 = 1.0 / np.sqrt(MSG)
    sh = 1.0 / np.sqrt(D)
    msg_W1 = jax.random.uniform(ks[3], (MSG, D + DE), jnp.float32, -s1, s1)
    msg_b1 = jax.random.uniform(ks[4], (MSG,), jnp.float32, -s1, s1)
    msg_W2 = jax.random.uniform(ks[5], (MSG, MSG), jnp.float32, -s2, s2)
    msg_b2 = jax.random.uniform(ks[6], (MSG,), jnp.float32, -s2, s2)
    att_W1 = jax.random.uniform(ks[7], (ATT_H, D + DE), jnp.float32, -s1, s1)
    att_b1 = jax.random.uniform(ks[8], (ATT_H,), jnp.float32, -s1, s1)
    att_W2 = jax.random.uniform(ks[9], (MSG, ATT_H), jnp.float32, -1.0/np.sqrt(ATT_H), 1.0/np.sqrt(ATT_H))
    att_b2 = jax.random.uniform(ks[10], (MSG,), jnp.float32, -1.0/np.sqrt(ATT_H), 1.0/np.sqrt(ATT_H))
    gru_Wih = jax.random.uniform(ks[11], (3 * D, MSG), jnp.float32, -sh, sh)
    gru_Whh = jax.random.uniform(ks[12], (3 * D, D), jnp.float32, -sh, sh)
    gru_bih = jax.random.uniform(ks[13], (3 * D,), jnp.float32, -sh, sh)
    gru_bhh = jax.random.uniform(ks[14], (3 * D,), jnp.float32, -sh, sh)
    return {"node_feat": node_feat, "edge": edge, "edge_feat": edge_feat,
            "msg_W1": msg_W1, "msg_b1": msg_b1, "msg_W2": msg_W2, "msg_b2": msg_b2,
            "att_W1": att_W1, "att_b1": att_b1, "att_W2": att_W2, "att_b2": att_b2,
            "gru_Wih": gru_Wih, "gru_Whh": gru_Whh, "gru_bih": gru_bih, "gru_bhh": gru_bhh}

def reference(node_feat, edge, edge_feat, msg_W1, msg_b1, msg_W2, msg_b2,
              att_W1, att_b1, att_W2, att_b2, gru_Wih, gru_Whh, gru_bih, gru_bhh):
    state = node_feat
    # single layer, single propagation step (num_layer=1, num_prop=1)
    state_diff = state[edge[:, 0], :] - state[edge[:, 1], :]
    edge_input = jnp.concatenate([state_diff, edge_feat], axis=1)
    h = jnp.maximum(edge_input @ msg_W1.T + msg_b1, 0.0)
    msg = h @ msg_W2.T + msg_b2
    a = jnp.maximum(edge_input @ att_W1.T + att_b1, 0.0)
    att_weight = jax.nn.sigmoid(a @ att_W2.T + att_b2)
    msg = msg * att_weight
    state_msg = jnp.zeros((state.shape[0], msg.shape[1]), dtype=msg.dtype).at[edge[:, 1]].add(msg)
    # GRUCell(input=state_msg, hidden=state)
    gi = state_msg @ gru_Wih.T + gru_bih
    gh = state @ gru_Whh.T + gru_bhh
    i_r, i_z, i_n = jnp.split(gi, 3, axis=1)
    h_r, h_z, h_n = jnp.split(gh, 3, axis=1)
    r = jax.nn.sigmoid(i_r + h_r)
    z = jax.nn.sigmoid(i_z + h_z)
    n = jnp.tanh(i_n + r * h_n)
    state = (1.0 - z) * n + z * state
    return state

if __name__ == "__main__":
    import jax
    _d = setup_inputs()
    print(jax.jit(kernel)(*tuple(_d.values())))

</pallas_src>

<mosaic_0001>
#map = affine_map<(d0, d1) -> (0, 0)>
#map1 = affine_map<(d0, d1) -> (0, 0, 0)>
module attributes {stable_mosaic.version = 14 : i64} {
  func.func @diff_gather(%arg0: i32, %arg1: i32, %arg2: memref<10000x128xf32, #tpu.memory_space<hbm>>, %arg3: memref<32x40x128xi32, #tpu.memory_space<hbm>>, %arg4: memref<32x40x128xi32, #tpu.memory_space<hbm>>, %arg5: memref<160000x128xf32, #tpu.memory_space<hbm>>, %arg6: memref<40x128xi32, #tpu.memory_space<vmem>>, %arg7: memref<40x128xi32, #tpu.memory_space<vmem>>, %arg8: memref<128x128xf32, #tpu.memory_space<vmem>>, %arg9: memref<128x128xf32, #tpu.memory_space<vmem>>, %arg10: memref<128x128xf32, #tpu.memory_space<vmem>>, %arg11: memref<128x128xf32, #tpu.memory_space<vmem>>, %arg12: memref<128x128xf32, #tpu.memory_space<vmem>>, %arg13: memref<128x128xf32, #tpu.memory_space<vmem>>, %arg14: memref<!tpu.dma_semaphore, #tpu.memory_space<semaphore_mem>>, %arg15: memref<!tpu.dma_semaphore, #tpu.memory_space<semaphore_mem>>, %arg16: memref<!tpu.dma_semaphore, #tpu.memory_space<semaphore_mem>>, %arg17: memref<!tpu.dma_semaphore, #tpu.memory_space<semaphore_mem>>, %arg18: memref<!tpu.dma_semaphore, #tpu.memory_space<semaphore_mem>>, %arg19: memref<!tpu.dma_semaphore, #tpu.memory_space<semaphore_mem>>) attributes {dimension_semantics = [#tpu.dimension_semantics<core_parallel>, #tpu.dimension_semantics<subcore_parallel>], iteration_bounds = array<i64: 2, 16>, scalar_prefetch = 0 : i64, scratch_operands = 14 : i64, tpu.core_type = #tpu.core_type<sc_vector_subcore>, window_params = [{transform_indices = #map}, {transform_indices = #map1}, {transform_indices = #map1}, {transform_indices = #map}]} {
    %mul3A = arith.constant 2 : i32
    %mul3A_0 = arith.muli %arg1, %mul3A : i32
    %add3A = arith.addi %mul3A_0, %arg0 : i32
    "tpu.region"() ({
      %run_scoped3A = tpu.sem_alloc : memref<!tpu.dma_semaphore, #tpu.memory_space<semaphore_mem>>
      %dma_start3A = arith.constant 0 : i32
      %dma_start3A_23 = arith.constant 0 : i32
      %dma_start3A_24 = tpu.memref_slice %arg3[%add3A, %dma_start3A, %dma_start3A_23] : memref<32x40x128xi32, #tpu.memory_space<hbm>> -> memref<1x40x128xi32, #tpu.memory_space<hbm>>
      %dma_start3A_25 = tpu.memref_squeeze %dma_start3A_24 : memref<1x40x128xi32, #tpu.memory_space<hbm>> -> memref<40x128xi32, #tpu.memory_space<hbm>>
      %dma_start3A_26 = arith.constant 0 : i32
      %dma_start3A_27 = arith.constant 0 : i32
      %dma_start3A_28 = tpu.memref_slice %arg3[%add3A, %dma_start3A_26, %dma_start3A_27] : memref<32x40x128xi32, #tpu.memory_space<hbm>> -> memref<1x40x128xi32, #tpu.memory_space<hbm>>
      %dma_start3A_29 = tpu.memref_squeeze %dma_start3A_28 : memref<1x40x128xi32, #tpu.memory_space<hbm>> -> memref<40x128xi32, #tpu.memory_space<hbm>>
      tpu.enqueue_dma source(%dma_start3A_29 : memref<40x128xi32, #tpu.memory_space<hbm>>) target(%arg6 : memref<40x128xi32, #tpu.memory_space<vmem>>) target_semaphore(%run_scoped3A : memref<!tpu.dma_semaphore, #tpu.memory_space<semaphore_mem>>)
      %dma_wait3A_30 = arith.constant 0 : i32
      %dma_wait3A_31 = arith.constant 0 : i32
      %dma_wait3A_32 = tpu.memref_slice %arg3[%add3A, %dma_wait3A_30, %dma_wait3A_31] : memref<32x40x128xi32, #tpu.memory_space<hbm>> -> memref<1x40x128xi32, #tpu.memory_space<hbm>>
      %dma_wait3A_33 = tpu.memref_squeeze %dma_wait3A_32 : memref<1x40x128xi32, #tpu.memory_space<hbm>> -> memref<40x128xi32, #tpu.memory_space<hbm>>
      %dma_wait3A_34 = arith.constant 0 : i32
      %dma_wait3A_35 = arith.constant 0 : i32
      %dma_wait3A_36 = tpu.memref_slice %arg3[%add3A, %dma_wait3A_34, %dma_wait3A_35] : memref<32x40x128xi32, #tpu.memory_space<hbm>> -> memref<1x40x128xi32, #tpu.memory_space<hbm>>
      %dma_wait3A_37 = tpu.memref_squeeze %dma_wait3A_36 : memref<1x40x128xi32, #tpu.memory_space<hbm>> -> memref<40x128xi32, #tpu.memory_space<hbm>>
      tpu.wait_dma2 semaphore(%run_scoped3A : memref<!tpu.dma_semaphore, #tpu.memory_space<semaphore_mem>>) src(%dma_wait3A_37 : memref<40x128xi32, #tpu.memory_space<hbm>>) dst(%arg6 : memref<40x128xi32, #tpu.memory_space<vmem>>)
      tpu.yield
    }) : () -> ()
    "tpu.region"() ({
      %run_scoped3A = tpu.sem_alloc : memref<!tpu.dma_semaphore, #tpu.memory_space<semaphore_mem>>
      %dma_start3A = arith.constant 0 : i32
      %dma_start3A_23 = arith.constant 0 : i32
      %dma_start3A_24 = tpu.memref_slice %arg4[%add3A, %dma_start3A, %dma_start3A_23] : memref<32x40x128xi32, #tpu.memory_space<hbm>> -> memref<1x40x128xi32, #tpu.memory_space<hbm>>
      %dma_start3A_25 = tpu.memref_squeeze %dma_start3A_24 : memref<1x40x128xi32, #tpu.memory_space<hbm>> -> memref<40x128xi32, #tpu.memory_space<hbm>>
      %dma_start3A_26 = arith.constant 0 : i32
      %dma_start3A_27 = arith.constant 0 : i32
      %dma_start3A_28 = tpu.memref_slice %arg4[%add3A, %dma_start3A_26, %dma_start3A_27] : memref<32x40x128xi32, #tpu.memory_space<hbm>> -> memref<1x40x128xi32, #tpu.memory_space<hbm>>
      %dma_start3A_29 = tpu.memref_squeeze %dma_start3A_28 : memref<1x40x128xi32, #tpu.memory_space<hbm>> -> memref<40x128xi32, #tpu.memory_space<hbm>>
      tpu.enqueue_dma source(%dma_start3A_29 : memref<40x128xi32, #tpu.memory_space<hbm>>) target(%arg7 : memref<40x128xi32, #tpu.memory_space<vmem>>) target_semaphore(%run_scoped3A : memref<!tpu.dma_semaphore, #tpu.memory_space<semaphore_mem>>)
      %dma_wait3A_30 = arith.constant 0 : i32
      %dma_wait3A_31 = arith.constant 0 : i32
      %dma_wait3A_32 = tpu.memref_slice %arg4[%add3A, %dma_wait3A_30, %dma_wait3A_31] : memref<32x40x128xi32, #tpu.memory_space<hbm>> -> memref<1x40x128xi32, #tpu.memory_space<hbm>>
      %dma_wait3A_33 = tpu.memref_squeeze %dma_wait3A_32 : memref<1x40x128xi32, #tpu.memory_space<hbm>> -> memref<40x128xi32, #tpu.memory_space<hbm>>
      %dma_wait3A_34 = arith.constant 0 : i32
      %dma_wait3A_35 = arith.constant 0 : i32
      %dma_wait3A_36 = tpu.memref_slice %arg4[%add3A, %dma_wait3A_34, %dma_wait3A_35] : memref<32x40x128xi32, #tpu.memory_space<hbm>> -> memref<1x40x128xi32, #tpu.memory_space<hbm>>
      %dma_wait3A_37 = tpu.memref_squeeze %dma_wait3A_36 : memref<1x40x128xi32, #tpu.memory_space<hbm>> -> memref<40x128xi32, #tpu.memory_space<hbm>>
      tpu.wait_dma2 semaphore(%run_scoped3A : memref<!tpu.dma_semaphore, #tpu.memory_space<semaphore_mem>>) src(%dma_wait3A_37 : memref<40x128xi32, #tpu.memory_space<hbm>>) dst(%arg7 : memref<40x128xi32, #tpu.memory_space<vmem>>)
      tpu.yield
    }) : () -> ()
    %mul3A_1 = arith.constant 40 : i32
    %mul3A_2 = arith.muli %add3A, %mul3A_1 : i32
    %add3A_3 = arith.constant 0 : i32
    %add3A_4 = arith.addi %mul3A_2, %add3A_3 : i32
    %lt3A = arith.constant 1250 : i32
    %lt3A_5 = arith.cmpi slt, %add3A_4, %lt3A : i32
    %and3A = arith.constant true
    %and3A_6 = arith.andi %and3A, %lt3A_5 : i1
    %convert_element_type3A = arith.extui %and3A_6 : i1 to i32
    %cond3A = arith.constant 0 : i32
    %cond3A_7 = arith.cmpi ne, %convert_element_type3A, %cond3A : i32
    scf.if %cond3A_7 {
      %dma_start3A = arith.constant 0 : i32
      %dma_start3A_23 = arith.constant 0 : i32
      %dma_start3A_24 = tpu.memref_slice %arg6[%dma_start3A, %dma_start3A_23] : memref<40x128xi32, #tpu.memory_space<vmem>> -> memref<1x128xi32, #tpu.memory_space<vmem>>
      %dma_start3A_25 = tpu.memref_squeeze %dma_start3A_24 : memref<1x128xi32, #tpu.memory_space<vmem>> -> memref<128xi32, #tpu.memory_space<vmem>>
      %dma_start3A_26 = arith.constant 0 : i32
      %dma_start3A_27 = arith.constant 0 : i32
      %dma_start3A_28 = tpu.memref_slice %arg2[%dma_start3A_26, %dma_start3A_27] : memref<10000x128xf32, #tpu.memory_space<hbm>> -> memref<10000x128xf32, #tpu.memory_space<hbm>>
      tpu.enqueue_indirect_dma source(%dma_start3A_28 : memref<10000x128xf32, #tpu.memory_space<hbm>>) target(%arg8 : memref<128x128xf32, #tpu.memory_space<vmem>>) offsets(%dma_start3A_25 : memref<128xi32, #tpu.memory_space<vmem>>) semaphore(%arg14 : memref<!tpu.dma_semaphore, #tpu.memory_space<semaphore_mem>>)
      %dma_start3A_29 = arith.constant 0 : i32
      %dma_start3A_30 = arith.constant 0 : i32
      %dma_start3A_31 = tpu.memref_slice %arg7[%dma_start3A_29, %dma_start3A_30] : memref<40x128xi32, #tpu.memory_space<vmem>> -> memref<1x128xi32, #tpu.memory_space<vmem>>
      %dma_start3A_32 = tpu.memref_squeeze %dma_start3A_31 : memref<1x128xi32, #tpu.memory_space<vmem>> -> memref<128xi32, #tpu.memory_space<vmem>>
      %dma_start3A_33 = arith.constant 0 : i32
      %dma_start3A_34 = arith.constant 0 : i32
      %dma_start3A_35 = tpu.memref_slice %arg2[%dma_start3A_33, %dma_start3A_34] : memref<10000x128xf32, #tpu.memory_space<hbm>> -> memref<10000x128xf32, #tpu.memory_space<hbm>>
      tpu.enqueue_indirect_dma source(%dma_start3A_35 : memref<10000x128xf32, #tpu.memory_space<hbm>>) target(%arg10 : memref<128x128xf32, #tpu.memory_space<vmem>>) offsets(%dma_start3A_32 : memref<128xi32, #tpu.memory_space<vmem>>) semaphore(%arg16 : memref<!tpu.dma_semaphore, #tpu.memory_space<semaphore_mem>>)
    } else {
    }
    %scan3A = arith.constant 0 : i32
    %scan3A_8 = arith.constant 21 : i32
    %scan3A_9 = arith.addi %scan3A, %scan3A_8 : i32
    %scan3A_10 = arith.constant 1 : i32
    scf.for %scan3A_23 = %scan3A to %scan3A_9 step %scan3A_10  : i32 {
      %mul3A_24 = arith.constant 2 : i32
      %mul3A_25 = arith.muli %scan3A_23, %mul3A_24 : i32
      %add3A_26 = arith.constant 0 : i32
      %add3A_27 = arith.addi %add3A_26, %mul3A_25 : i32
      %add3A_28 = arith.constant 1 : i32
      %add3A_29 = arith.addi %add3A_27, %add3A_28 : i32
      %mul3A_30 = arith.constant 40 : i32
      %mul3A_31 = arith.muli %add3A, %mul3A_30 : i32
      %add3A_32 = arith.addi %mul3A_31, %add3A_29 : i32
      %lt3A_33 = arith.constant 40 : i32
      %lt3A_34 = arith.cmpi slt, %add3A_29, %lt3A_33 : i32
      %lt3A_35 = arith.constant 1250 : i32
      %lt3A_36 = arith.cmpi slt, %add3A_32, %lt3A_35 : i32
      %and3A_37 = arith.andi %lt3A_34, %lt3A_36 : i1
      %convert_element_type3A_38 = arith.extui %and3A_37 : i1 to i32
      %cond3A_39 = arith.constant 0 : i32
      %cond3A_40 = arith.cmpi ne, %convert_element_type3A_38, %cond3A_39 : i32
      scf.if %cond3A_40 {
        %dma_start3A = arith.constant 0 : i32
        %dma_start3A_78 = tpu.memref_slice %arg6[%add3A_29, %dma_start3A] : memref<40x128xi32, #tpu.memory_space<vmem>> -> memref<1x128xi32, #tpu.memory_space<vmem>>
        %dma_start3A_79 = tpu.memref_squeeze %dma_start3A_78 : memref<1x128xi32, #tpu.memory_space<vmem>> -> memref<128xi32, #tpu.memory_space<vmem>>
        %dma_start3A_80 = arith.constant 0 : i32
        %dma_start3A_81 = arith.constant 0 : i32
        %dma_start3A_82 = tpu.memref_slice %arg2[%dma_start3A_80, %dma_start3A_81] : memref<10000x128xf32, #tpu.memory_space<hbm>> -> memref<10000x128xf32, #tpu.memory_space<hbm>>
        tpu.enqueue_indirect_dma source(%dma_start3A_82 : memref<10000x128xf32, #tpu.memory_space<hbm>>) target(%arg9 : memref<128x128xf32, #tpu.memory_space<vmem>>) offsets(%dma_start3A_79 : memref<128xi32, #tpu.memory_space<vmem>>) semaphore(%arg15 : memref<!tpu.dma_semaphore, #tpu.memory_space<semaphore_mem>>)
        %dma_start3A_83 = arith.constant 0 : i32
        %dma_start3A_84 = tpu.memref_slice %arg7[%add3A_29, %dma_start3A_83] : memref<40x128xi32, #tpu.memory_space<vmem>> -> memref<1x128xi32, #tpu.memory_space<vmem>>
        %dma_start3A_85 = tpu.memref_squeeze %dma_start3A_84 : memref<1x128xi32, #tpu.memory_space<vmem>> -> memref<128xi32, #tpu.memory_space<vmem>>
        %dma_start3A_86 = arith.constant 0 : i32
        %dma_start3A_87 = arith.constant 0 : i32
        %dma_start3A_88 = tpu.memref_slice %arg2[%dma_start3A_86, %dma_start3A_87] : memref<10000x128xf32, #tpu.memory_space<hbm>> -> memref<10000x128xf32, #tpu.memory_space<hbm>>
        tpu.enqueue_indirect_dma source(%dma_start3A_88 : memref<10000x128xf32, #tpu.memory_space<hbm>>) target(%arg11 : memref<128x128xf32, #tpu.memory_space<vmem>>) offsets(%dma_start3A_85 : memref<128xi32, #tpu.memory_space<vmem>>) semaphore(%arg17 : memref<!tpu.dma_semaphore, #tpu.memory_space<semaphore_mem>>)
      } else {
      }
      %mul3A_41 = arith.constant 40 : i32
      %mul3A_42 = arith.muli %add3A, %mul3A_41 : i32
      %add3A_43 = arith.addi %mul3A_42, %add3A_27 : i32
      %lt3A_44 = arith.constant 40 : i32
      %lt3A_45 = arith.cmpi slt, %add3A_27, %lt3A_44 : i32
      %lt3A_46 = arith.constant 1250 : i32
      %lt3A_47 = arith.cmpi slt, %add3A_43, %lt3A_46 : i32
      %and3A_48 = arith.andi %lt3A_45, %lt3A_47 : i1
      %convert_element_type3A_49 = arith.extui %and3A_48 : i1 to i32
      %cond3A_50 = arith.constant 0 : i32
      %cond3A_51 = arith.cmpi ne, %convert_element_type3A_49, %cond3A_50 : i32
      scf.if %cond3A_51 {
        %mul3A_78 = arith.constant 128 : i32
        %mul3A_79 = arith.muli %add3A_43, %mul3A_78 : i32
        %dma_wait3A_80 = arith.constant 0 : i32
        %dma_wait3A_81 = tpu.memref_slice %arg6[%add3A_27, %dma_wait3A_80] : memref<40x128xi32, #tpu.memory_space<vmem>> -> memref<1x128xi32, #tpu.memory_space<vmem>>
        %dma_wait3A_82 = tpu.memref_squeeze %dma_wait3A_81 : memref<1x128xi32, #tpu.memory_space<vmem>> -> memref<128xi32, #tpu.memory_space<vmem>>
        %dma_wait3A_83 = arith.constant 0 : i32
        %dma_wait3A_84 = arith.constant 0 : i32
        %dma_wait3A_85 = tpu.memref_slice %arg2[%dma_wait3A_83, %dma_wait3A_84] : memref<10000x128xf32, #tpu.memory_space<hbm>> -> memref<10000x128xf32, #tpu.memory_space<hbm>>
        tpu.wait_indirect_dma semaphore(%arg14 : memref<!tpu.dma_semaphore, #tpu.memory_space<semaphore_mem>>) src(%dma_wait3A_85 : memref<10000x128xf32, #tpu.memory_space<hbm>>) dst(%arg8 : memref<128x128xf32, #tpu.memory_space<vmem>>)
        %dma_wait3A_86 = arith.constant 0 : i32
        %dma_wait3A_87 = tpu.memref_slice %arg7[%add3A_27, %dma_wait3A_86] : memref<40x128xi32, #tpu.memory_space<vmem>> -> memref<1x128xi32, #tpu.memory_space<vmem>>
        %dma_wait3A_88 = tpu.memref_squeeze %dma_wait3A_87 : memref<1x128xi32, #tpu.memory_space<vmem>> -> memref<128xi32, #tpu.memory_space<vmem>>
        %dma_wait3A_89 = arith.constant 0 : i32
        %dma_wait3A_90 = arith.constant 0 : i32
        %dma_wait3A_91 = tpu.memref_slice %arg2[%dma_wait3A_89, %dma_wait3A_90] : memref<10000x128xf32, #tpu.memory_space<hbm>> -> memref<10000x128xf32, #tpu.memory_space<hbm>>
        tpu.wait_indirect_dma semaphore(%arg16 : memref<!tpu.dma_semaphore, #tpu.memory_space<semaphore_mem>>) src(%dma_wait3A_91 : memref<10000x128xf32, #tpu.memory_space<hbm>>) dst(%arg10 : memref<128x128xf32, #tpu.memory_space<vmem>>)
        %ge3A = arith.constant 2 : i32
        %ge3A_92 = arith.cmpi sge, %add3A_27, %ge3A : i32
        %convert_element_type3A_93 = arith.extui %ge3A_92 : i1 to i32
        %cond3A_94 = arith.constant 0 : i32
        %cond3A_95 = arith.cmpi ne, %convert_element_type3A_93, %cond3A_94 : i32
        scf.if %cond3A_95 {
          %dma_wait3A_105 = arith.constant 0 : i32
          %dma_wait3A_106 = arith.constant 0 : i32
          %dma_wait3A_107 = tpu.memref_slice %arg5[%dma_wait3A_105, %dma_wait3A_106] : memref<160000x128xf32, #tpu.memory_space<hbm>> -> memref<128x128xf32, #tpu.memory_space<hbm>>
          %dma_wait3A_108 = arith.constant 0 : i32
          %dma_wait3A_109 = arith.constant 0 : i32
          %dma_wait3A_110 = tpu.memref_slice %arg5[%dma_wait3A_108, %dma_wait3A_109] : memref<160000x128xf32, #tpu.memory_space<hbm>> -> memref<128x128xf32, #tpu.memory_space<hbm>>
          tpu.wait_dma2 semaphore(%arg18 : memref<!tpu.dma_semaphore, #tpu.memory_space<semaphore_mem>>) src(%arg12 : memref<128x128xf32, #tpu.memory_space<vmem>>) dst(%dma_wait3A_110 : memref<128x128xf32, #tpu.memory_space<hbm>>)
        } else {
        }
        %scan3A_96 = arith.constant 0 : i32
        %scan3A_97 = arith.constant 0 : i32
        %scan3A_98 = arith.constant 128 : i32
        %scan3A_99 = arith.addi %scan3A_97, %scan3A_98 : i32
        %scan3A_100 = arith.constant 1 : i32
        scf.for %scan3A_105 = %scan3A_97 to %scan3A_99 step %scan3A_100  : i32 {
          %scan3A_106 = arith.constant 0 : i32
          %mul3A_107 = arith.constant 16 : i32
          %mul3A_108 = arith.muli %scan3A_106, %mul3A_107 : i32
          %get3A = arith.index_cast %scan3A_105 : i32 to index
          %get3A_109 = arith.index_cast %mul3A_108 : i32 to index
          %get3A_110 = tpu.vector_load %arg8[%get3A, %get3A_109] {strides = array<i32>} : memref<128x128xf32, #tpu.memory_space<vmem>>, vector<1x16xf32>,
          %get3A_111 = vector.shape_cast %get3A_110 : vector<1x16xf32> to vector<16xf32>
          %get3A_112 = arith.index_cast %scan3A_105 : i32 to index
          %get3A_113 = arith.index_cast %mul3A_108 : i32 to index
          %get3A_114 = tpu.vector_load %arg10[%get3A_112, %get3A_113] {strides = array<i32>} : memref<128x128xf32, #tpu.memory_space<vmem>>, vector<1x16xf32>,
          %get3A_115 = vector.shape_cast %get3A_114 : vector<1x16xf32> to vector<16xf32>
          %sub3A = arith.subf %get3A_111, %get3A_115 : vector<16xf32>
          %swap3A = arith.index_cast %scan3A_105 : i32 to index
          %swap3A_116 = arith.index_cast %mul3A_108 : i32 to index
          %swap3A_117 = tpu.vector_load %arg12[%swap3A, %swap3A_116] {strides = array<i32>} : memref<128x128xf32, #tpu.memory_space<vmem>>, vector<1x16xf32>,
          %swap3A_118 = vector.shape_cast %swap3A_117 : vector<1x16xf32> to vector<16xf32>
          %swap3A_119 = vector.shape_cast %sub3A : vector<16xf32> to vector<1x16xf32>
          tpu.vector_store %arg12[%swap3A, %swap3A_116], %swap3A_119 {strides = array<i32>} : memref<128x128xf32, #tpu.memory_space<vmem>>, vector<1x16xf32>,
          %scan3A_120 = arith.constant 1 : i32
          %mul3A_121 = arith.constant 16 : i32
          %mul3A_122 = arith.muli %scan3A_120, %mul3A_121 : i32
          %get3A_123 = arith.index_cast %scan3A_105 : i32 to index
          %get3A_124 = arith.index_cast %mul3A_122 : i32 to index
          %get3A_125 = tpu.vector_load %arg8[%get3A_123, %get3A_124] {strides = array<i32>} : memref<128x128xf32, #tpu.memory_space<vmem>>, vector<1x16xf32>,
          %get3A_126 = vector.shape_cast %get3A_125 : vector<1x16xf32> to vector<16xf32>
          %get3A_127 = arith.index_cast %scan3A_105 : i32 to index
          %get3A_128 = arith.index_cast %mul3A_122 : i32 to index
          %get3A_129 = tpu.vector_load %arg10[%get3A_127, %get3A_128] {strides = array<i32>} : memref<128x128xf32, #tpu.memory_space<vmem>>, vector<1x16xf32>,
          %get3A_130 = vector.shape_cast %get3A_129 : vector<1x16xf32> to vector<16xf32>
          %sub3A_131 = arith.subf %get3A_126, %get3A_130 : vector<16xf32>
          %swap3A_132 = arith.index_cast %scan3A_105 : i32 to index
          %swap3A_133 = arith.index_cast %mul3A_122 : i32 to index
          %swap3A_134 = tpu.vector_load %arg12[%swap3A_132, %swap3A_133] {strides = array<i32>} : memref<128x128xf32, #tpu.memory_space<vmem>>, vector<1x16xf32>,
          %swap3A_135 = vector.shape_cast %swap3A_134 : vector<1x16xf32> to vector<16xf32>
          %swap3A_136 = vector.shape_cast %sub3A_131 : vector<16xf32> to vector<1x16xf32>
          tpu.vector_store %arg12[%swap3A_132, %swap3A_133], %swap3A_136 {strides = array<i32>} : memref<128x128xf32, #tpu.memory_space<vmem>>, vector<1x16xf32>,
          %scan3A_137 = arith.constant 2 : i32
          %mul3A_138 = arith.constant 16 : i32
          %mul3A_139 = arith.muli %scan3A_137, %mul3A_138 : i32
          %get3A_140 = arith.index_cast %scan3A_105 : i32 to index
          %get3A_141 = arith.index_cast %mul3A_139 : i32 to index
          %get3A_142 = tpu.vector_load %arg8[%get3A_140, %get3A_141] {strides = array<i32>} : memref<128x128xf32, #tpu.memory_space<vmem>>, vector<1x16xf32>,
          %get3A_143 = vector.shape_cast %get3A_142 : vector<1x16xf32> to vector<16xf32>
          %get3A_144 = arith.index_cast %scan3A_105 : i32 to index
          %get3A_145 = arith.index_cast %mul3A_139 : i32 to index
          %get3A_146 = tpu.vector_load %arg10[%get3A_144, %get3A_145] {strides = array<i32>} : memref<128x128xf32, #tpu.memory_space<vmem>>, vector<1x16xf32>,
          %get3A_147 = vector.shape_cast %get3A_146 : vector<1x16xf32> to vector<16xf32>
          %sub3A_148 = arith.subf %get3A_143, %get3A_147 : vector<16xf32>
          %swap3A_149 = arith.index_cast %scan3A_105 : i32 to index
          %swap3A_150 = arith.index_cast %mul3A_139 : i32 to index
          %swap3A_151 = tpu.vector_load %arg12[%swap3A_149, %swap3A_150] {strides = array<i32>} : memref<128x128xf32, #tpu.memory_space<vmem>>, vector<1x16xf32>,
          %swap3A_152 = vector.shape_cast %swap3A_151 : vector<1x16xf32> to vector<16xf32>
          %swap3A_153 = vector.shape_cast %sub3A_148 : vector<16xf32> to vector<1x16xf32>
          tpu.vector_store %arg12[%swap3A_149, %swap3A_150], %swap3A_153 {strides = array<i32>} : memref<128x128xf32, #tpu.memory_space<vmem>>, vector<1x16xf32>,
          %scan3A_154 = arith.constant 3 : i32
          %mul3A_155 = arith.constant 16 : i32
          %mul3A_156 = arith.muli %scan3A_154, %mul3A_155 : i32
          %get3A_157 = arith.index_cast %scan3A_105 : i32 to index
          %get3A_158 = arith.index_cast %mul3A_156 : i32 to index
          %get3A_159 = tpu.vector_load %arg8[%get3A_157, %get3A_158] {strides = array<i32>} : memref<128x128xf32, #tpu.memory_space<vmem>>, vector<1x16xf32>,
          %get3A_160 = vector.shape_cast %get3A_159 : vector<1x16xf32> to vector<16xf32>
          %get3A_161 = arith.index_cast %scan3A_105 : i32 to index
          %get3A_162 = arith.index_cast %mul3A_156 : i32 to index
          %get3A_163 = tpu.vector_load %arg10[%get3A_161, %get3A_162] {strides = array<i32>} : memref<128x128xf32, #tpu.memory_space<vmem>>, vector<1x16xf32>,
          %get3A_164 = vector.shape_cast %get3A_163 : vector<1x16xf32> to vector<16xf32>
          %sub3A_165 = arith.subf %get3A_160, %get3A_164 : vector<16xf32>
          %swap3A_166 = arith.index_cast %scan3A_105 : i32 to index
          %swap3A_167 = arith.index_cast %mul3A_156 : i32 to index
          %swap3A_168 = tpu.vector_load %arg12[%swap3A_166, %swap3A_167] {strides = array<i32>} : memref<128x128xf32, #tpu.memory_space<vmem>>, vector<1x16xf32>,
          %swap3A_169 = vector.shape_cast %swap3A_168 : vector<1x16xf32> to vector<16xf32>
          %swap3A_170 = vector.shape_cast %sub3A_165 : vector<16xf32> to vector<1x16xf32>
          tpu.vector_store %arg12[%swap3A_166, %swap3A_167], %swap3A_170 {strides = array<i32>} : memref<128x128xf32, #tpu.memory_space<vmem>>, vector<1x16xf32>,
          %scan3A_171 = arith.constant 4 : i32
          %mul3A_172 = arith.constant 16 : i32
          %mul3A_173 = arith.muli %scan3A_171, %mul3A_172 : i32
          %get3A_174 = arith.index_cast %scan3A_105 : i32 to index
          %get3A_175 = arith.index_cast %mul3A_173 : i32 to index
          %get3A_176 = tpu.vector_load %arg8[%get3A_174, %get3A_175] {strides = array<i32>} : memref<128x128xf32, #tpu.memory_space<vmem>>, vector<1x16xf32>,
          %get3A_177 = vector.shape_cast %get3A_176 : vector<1x16xf32> to vector<16xf32>
          %get3A_178 = arith.index_cast %scan3A_105 : i32 to index
          %get3A_179 = arith.index_cast %mul3A_173 : i32 to index
          %get3A_180 = tpu.vector_load %arg10[%get3A_178, %get3A_179] {strides = array<i32>} : memref<128x128xf32, #tpu.memory_space<vmem>>, vector<1x16xf32>,
          %get3A_181 = vector.shape_cast %get3A_180 : vector<1x16xf32> to vector<16xf32>
          %sub3A_182 = arith.subf %get3A_177, %get3A_181 : vector<16xf32>
          %swap3A_183 = arith.index_cast %scan3A_105 : i32 to index
          %swap3A_184 = arith.index_cast %mul3A_173 : i32 to index
          %swap3A_185 = tpu.vector_load %arg12[%swap3A_183, %swap3A_184] {strides = array<i32>} : memref<128x128xf32, #tpu.memory_space<vmem>>, vector<1x16xf32>,
          %swap3A_186 = vector.shape_cast %swap3A_185 : vector<1x16xf32> to vector<16xf32>
          %swap3A_187 = vector.shape_cast %sub3A_182 : vector<16xf32> to vector<1x16xf32>
          tpu.vector_store %arg12[%swap3A_183, %swap3A_184], %swap3A_187 {strides = array<i32>} : memref<128x128xf32, #tpu.memory_space<vmem>>, vector<1x16xf32>,
          %scan3A_188 = arith.constant 5 : i32
          %mul3A_189 = arith.constant 16 : i32
          %mul3A_190 = arith.muli %scan3A_188, %mul3A_189 : i32
          %get3A_191 = arith.index_cast %scan3A_105 : i32 to index
          %get3A_192 = arith.index_cast %mul3A_190 : i32 to index
          %get3A_193 = tpu.vector_load %arg8[%get3A_191, %get3A_192] {strides = array<i32>} : memref<128x128xf32, #tpu.memory_space<vmem>>, vector<1x16xf32>,
          %get3A_194 = vector.shape_cast %get3A_193 : vector<1x16xf32> to vector<16xf32>
          %get3A_195 = arith.index_cast %scan3A_105 : i32 to index
          %get3A_196 = arith.index_cast %mul3A_190 : i32 to index
          %get3A_197 = tpu.vector_load %arg10[%get3A_195, %get3A_196] {strides = array<i32>} : memref<128x128xf32, #tpu.memory_space<vmem>>, vector<1x16xf32>,
          %get3A_198 = vector.shape_cast %get3A_197 : vector<1x16xf32> to vector<16xf32>
          %sub3A_199 = arith.subf %get3A_194, %get3A_198 : vector<16xf32>
          %swap3A_200 = arith.index_cast %scan3A_105 : i32 to index
          %swap3A_201 = arith.index_cast %mul3A_190 : i32 to index
          %swap3A_202 = tpu.vector_load %arg12[%swap3A_200, %swap3A_201] {strides = array<i32>} : memref<128x128xf32, #tpu.memory_space<vmem>>, vector<1x16xf32>,
          %swap3A_203 = vector.shape_cast %swap3A_202 : vector<1x16xf32> to vector<16xf32>
          %swap3A_204 = vector.shape_cast %sub3A_199 : vector<16xf32> to vector<1x16xf32>
          tpu.vector_store %arg12[%swap3A_200, %swap3A_201], %swap3A_204 {strides = array<i32>} : memref<128x128xf32, #tpu.memory_space<vmem>>, vector<1x16xf32>,
          %scan3A_205 = arith.constant 6 : i32
          %mul3A_206 = arith.constant 16 : i32
          %mul3A_207 = arith.muli %scan3A_205, %mul3A_206 : i32
          %get3A_208 = arith.index_cast %scan3A_105 : i32 to index
          %get3A_209 = arith.index_cast %mul3A_207 : i32 to index
          %get3A_210 = tpu.vector_load %arg8[%get3A_208, %get3A_209] {strides = array<i32>} : memref<128x128xf32, #tpu.memory_space<vmem>>, vector<1x16xf32>,
          %get3A_211 = vector.shape_cast %get3A_210 : vector<1x16xf32> to vector<16xf32>
          %get3A_212 = arith.index_cast %scan3A_105 : i32 to index
          %get3A_213 = arith.index_cast %mul3A_207 : i32 to index
          %get3A_214 = tpu.vector_load %arg10[%get3A_212, %get3A_213] {strides = array<i32>} : memref<128x128xf32, #tpu.memory_space<vmem>>, vector<1x16xf32>,
          %get3A_215 = vector.shape_cast %get3A_214 : vector<1x16xf32> to vector<16xf32>
          %sub3A_216 = arith.subf %get3A_211, %get3A_215 : vector<16xf32>
          %swap3A_217 = arith.index_cast %scan3A_105 : i32 to index
          %swap3A_218 = arith.index_cast %mul3A_207 : i32 to index
          %swap3A_219 = tpu.vector_load %arg12[%swap3A_217, %swap3A_218] {strides = array<i32>} : memref<128x128xf32, #tpu.memory_space<vmem>>, vector<1x16xf32>,
          %swap3A_220 = vector.shape_cast %swap3A_219 : vector<1x16xf32> to vector<16xf32>
          %swap3A_221 = vector.shape_cast %sub3A_216 : vector<16xf32> to vector<1x16xf32>
          tpu.vector_store %arg12[%swap3A_217, %swap3A_218], %swap3A_221 {strides = array<i32>} : memref<128x128xf32, #tpu.memory_space<vmem>>, vector<1x16xf32>,
          %scan3A_222 = arith.constant 7 : i32
          %mul3A_223 = arith.constant 16 : i32
          %mul3A_224 = arith.muli %scan3A_222, %mul3A_223 : i32
          %get3A_225 = arith.index_cast %scan3A_105 : i32 to index
          %get3A_226 = arith.index_cast %mul3A_224 : i32 to index
          %get3A_227 = tpu.vector_load %arg8[%get3A_225, %get3A_226] {strides = array<i32>} : memref<128x128xf32, #tpu.memory_space<vmem>>, vector<1x16xf32>,
          %get3A_228 = vector.shape_cast %get3A_227 : vector<1x16xf32> to vector<16xf32>
          %get3A_229 = arith.index_cast %scan3A_105 : i32 to index
          %get3A_230 = arith.index_cast %mul3A_224 : i32 to index
          %get3A_231 = tpu.vector_load %arg10[%get3A_229, %get3A_230] {strides = array<i32>} : memref<128x128xf32, #tpu.memory_space<vmem>>, vector<1x16xf32>,
          %get3A_232 = vector.shape_cast %get3A_231 : vector<1x16xf32> to vector<16xf32>
          %sub3A_233 = arith.subf %get3A_228, %get3A_232 : vector<16xf32>
          %swap3A_234 = arith.index_cast %scan3A_105 : i32 to index
          %swap3A_235 = arith.index_cast %mul3A_224 : i32 to index
          %swap3A_236 = tpu.vector_load %arg12[%swap3A_234, %swap3A_235] {strides = array<i32>} : memref<128x128xf32, #tpu.memory_space<vmem>>, vector<1x16xf32>,
          %swap3A_237 = vector.shape_cast %swap3A_236 : vector<1x16xf32> to vector<16xf32>
          %swap3A_238 = vector.shape_cast %sub3A_233 : vector<16xf32> to vector<1x16xf32>
          tpu.vector_store %arg12[%swap3A_234, %swap3A_235], %swap3A_238 {strides = array<i32>} : memref<128x128xf32, #tpu.memory_space<vmem>>, vector<1x16xf32>,
          %scan3A_239 = arith.constant 8 : i32
        }
        %scan3A_101 = arith.constant 128 : i32
        %dma_start3A = arith.constant 0 : i32
        %dma_start3A_102 = tpu.memref_slice %arg5[%mul3A_79, %dma_start3A] : memref<160000x128xf32, #tpu.memory_space<hbm>> -> memref<128x128xf32, #tpu.memory_space<hbm>>
        %dma_start3A_103 = arith.constant 0 : i32
        %dma_start3A_104 = tpu.memref_slice %arg5[%mul3A_79, %dma_start3A_103] : memref<160000x128xf32, #tpu.memory_space<hbm>> -> memref<128x128xf32, #tpu.memory_space<hbm>>
        tpu.enqueue_dma source(%arg12 : memref<128x128xf32, #tpu.memory_space<vmem>>) target(%dma_start3A_104 : memref<128x128xf32, #tpu.memory_space<hbm>>) target_semaphore(%arg18 : memref<!tpu.dma_semaphore, #tpu.memory_space<semaphore_mem>>)
      } else {
      }
      %add3A_52 = arith.constant 2 : i32
      %add3A_53 = arith.addi %add3A_27, %add3A_52 : i32
      %mul3A_54 = arith.constant 40 : i32
      %mul3A_55 = arith.muli %add3A, %mul3A_54 : i32
      %add3A_56 = arith.addi %mul3A_55, %add3A_53 : i32
      %lt3A_57 = arith.constant 40 : i32
      %lt3A_58 = arith.cmpi slt, %add3A_53, %lt3A_57 : i32
      %lt3A_59 = arith.constant 1250 : i32
      %lt3A_60 = arith.cmpi slt, %add3A_56, %lt3A_59 : i32
      %and3A_61 = arith.andi %lt3A_58, %lt3A_60 : i1
      %convert_element_type3A_62 = arith.extui %and3A_61 : i1 to i32
      %cond3A_63 = arith.constant 0 : i32
      %cond3A_64 = arith.cmpi ne, %convert_element_type3A_62, %cond3A_63 : i32
      scf.if %cond3A_64 {
        %dma_start3A = arith.constant 0 : i32
        %dma_start3A_78 = tpu.memref_slice %arg6[%add3A_53, %dma_start3A] : memref<40x128xi32, #tpu.memory_space<vmem>> -> memref<1x128xi32, #tpu.memory_space<vmem>>
        %dma_start3A_79 = tpu.memref_squeeze %dma_start3A_78 : memref<1x128xi32, #tpu.memory_space<vmem>> -> memref<128xi32, #tpu.memory_space<vmem>>
        %dma_start3A_80 = arith.constant 0 : i32
        %dma_start3A_81 = arith.constant 0 : i32
        %dma_start3A_82 = tpu.memref_slice %arg2[%dma_start3A_80, %dma_start3A_81] : memref<10000x128xf32, #tpu.memory_space<hbm>> -> memref<10000x128xf32, #tpu.memory_space<hbm>>
        tpu.enqueue_indirect_dma source(%dma_start3A_82 : memref<10000x128xf32, #tpu.memory_space<hbm>>) target(%arg8 : memref<128x128xf32, #tpu.memory_space<vmem>>) offsets(%dma_start3A_79 : memref<128xi32, #tpu.memory_space<vmem>>) semaphore(%arg14 : memref<!tpu.dma_semaphore, #tpu.memory_space<semaphore_mem>>)
        %dma_start3A_83 = arith.constant 0 : i32
        %dma_start3A_84 = tpu.memref_slice %arg7[%add3A_53, %dma_start3A_83] : memref<40x128xi32, #tpu.memory_space<vmem>> -> memref<1x128xi32, #tpu.memory_space<vmem>>
        %dma_start3A_85 = tpu.memref_squeeze %dma_start3A_84 : memref<1x128xi32, #tpu.memory_space<vmem>> -> memref<128xi32, #tpu.memory_space<vmem>>
        %dma_start3A_86 = arith.constant 0 : i32
        %dma_start3A_87 = arith.constant 0 : i32
        %dma_start3A_88 = tpu.memref_slice %arg2[%dma_start3A_86, %dma_start3A_87] : memref<10000x128xf32, #tpu.memory_space<hbm>> -> memref<10000x128xf32, #tpu.memory_space<hbm>>
        tpu.enqueue_indirect_dma source(%dma_start3A_88 : memref<10000x128xf32, #tpu.memory_space<hbm>>) target(%arg10 : memref<128x128xf32, #tpu.memory_space<vmem>>) offsets(%dma_start3A_85 : memref<128xi32, #tpu.memory_space<vmem>>) semaphore(%arg16 : memref<!tpu.dma_semaphore, #tpu.memory_space<semaphore_mem>>)
      } else {
      }
      %add3A_65 = arith.constant 1 : i32
      %add3A_66 = arith.addi %add3A_27, %add3A_65 : i32
      %mul3A_67 = arith.constant 40 : i32
      %mul3A_68 = arith.muli %add3A, %mul3A_67 : i32
      %add3A_69 = arith.addi %mul3A_68, %add3A_66 : i32
      %lt3A_70 = arith.constant 40 : i32
      %lt3A_71 = arith.cmpi slt, %add3A_66, %lt3A_70 : i32
      %lt3A_72 = arith.constant 1250 : i32
      %lt3A_73 = arith.cmpi slt, %add3A_69, %lt3A_72 : i32
      %and3A_74 = arith.andi %lt3A_71, %lt3A_73 : i1
      %convert_element_type3A_75 = arith.extui %and3A_74 : i1 to i32
      %cond3A_76 = arith.constant 0 : i32
      %cond3A_77 = arith.cmpi ne, %convert_element_type3A_75, %cond3A_76 : i32
      scf.if %cond3A_77 {
        %mul3A_78 = arith.constant 128 : i32
        %mul3A_79 = arith.muli %add3A_69, %mul3A_78 : i32
        %dma_wait3A_80 = arith.constant 0 : i32
        %dma_wait3A_81 = tpu.memref_slice %arg6[%add3A_66, %dma_wait3A_80] : memref<40x128xi32, #tpu.memory_space<vmem>> -> memref<1x128xi32, #tpu.memory_space<vmem>>
        %dma_wait3A_82 = tpu.memref_squeeze %dma_wait3A_81 : memref<1x128xi32, #tpu.memory_space<vmem>> -> memref<128xi32, #tpu.memory_space<vmem>>
        %dma_wait3A_83 = arith.constant 0 : i32
        %dma_wait3A_84 = arith.constant 0 : i32
        %dma_wait3A_85 = tpu.memref_slice %arg2[%dma_wait3A_83, %dma_wait3A_84] : memref<10000x128xf32, #tpu.memory_space<hbm>> -> memref<10000x128xf32, #tpu.memory_space<hbm>>
        tpu.wait_indirect_dma semaphore(%arg15 : memref<!tpu.dma_semaphore, #tpu.memory_space<semaphore_mem>>) src(%dma_wait3A_85 : memref<10000x128xf32, #tpu.memory_space<hbm>>) dst(%arg9 : memref<128x128xf32, #tpu.memory_space<vmem>>)
        %dma_wait3A_86 = arith.constant 0 : i32
        %dma_wait3A_87 = tpu.memref_slice %arg7[%add3A_66, %dma_wait3A_86] : memref<40x128xi32, #tpu.memory_space<vmem>> -> memref<1x128xi32, #tpu.memory_space<vmem>>
        %dma_wait3A_88 = tpu.memref_squeeze %dma_wait3A_87 : memref<1x128xi32, #tpu.memory_space<vmem>> -> memref<128xi32, #tpu.memory_space<vmem>>
        %dma_wait3A_89 = arith.constant 0 : i32
        %dma_wait3A_90 = arith.constant 0 : i32
        %dma_wait3A_91 = tpu.memref_slice %arg2[%dma_wait3A_89, %dma_wait3A_90] : memref<10000x128xf32, #tpu.memory_space<hbm>> -> memref<10000x128xf32, #tpu.memory_space<hbm>>
        tpu.wait_indirect_dma semaphore(%arg17 : memref<!tpu.dma_semaphore, #tpu.memory_space<semaphore_mem>>) src(%dma_wait3A_91 : memref<10000x128xf32, #tpu.memory_space<hbm>>) dst(%arg11 : memref<128x128xf32, #tpu.memory_space<vmem>>)
        %ge3A = arith.constant 2 : i32
        %ge3A_92 = arith.cmpi sge, %add3A_66, %ge3A : i32
        %convert_element_type3A_93 = arith.extui %ge3A_92 : i1 to i32
        %cond3A_94 = arith.constant 0 : i32
        %cond3A_95 = arith.cmpi ne, %convert_element_type3A_93, %cond3A_94 : i32
        scf.if %cond3A_95 {
          %dma_wait3A_105 = arith.constant 0 : i32
          %dma_wait3A_106 = arith.constant 0 : i32
          %dma_wait3A_107 = tpu.memref_slice %arg5[%dma_wait3A_105, %dma_wait3A_106] : memref<160000x128xf32, #tpu.memory_space<hbm>> -> memref<128x128xf32, #tpu.memory_space<hbm>>
          %dma_wait3A_108 = arith.constant 0 : i32
          %dma_wait3A_109 = arith.constant 0 : i32
          %dma_wait3A_110 = tpu.memref_slice %arg5[%dma_wait3A_108, %dma_wait3A_109] : memref<160000x128xf32, #tpu.memory_space<hbm>> -> memref<128x128xf32, #tpu.memory_space<hbm>>
          tpu.wait_dma2 semaphore(%arg19 : memref<!tpu.dma_semaphore, #tpu.memory_space<semaphore_mem>>) src(%arg13 : memref<128x128xf32, #tpu.memory_space<vmem>>) dst(%dma_wait3A_110 : memref<128x128xf32, #tpu.memory_space<hbm>>)
        } else {
        }
        %scan3A_96 = arith.constant 0 : i32
        %scan3A_97 = arith.constant 0 : i32
        %scan3A_98 = arith.constant 128 : i32
        %scan3A_99 = arith.addi %scan3A_97, %scan3A_98 : i32
        %scan3A_100 = arith.constant 1 : i32
        scf.for %scan3A_105 = %scan3A_97 to %scan3A_99 step %scan3A_100  : i32 {
          %scan3A_106 = arith.constant 0 : i32
          %mul3A_107 = arith.constant 16 : i32
          %mul3A_108 = arith.muli %scan3A_106, %mul3A_107 : i32
          %get3A = arith.index_cast %scan3A_105 : i32 to index
          %get3A_109 = arith.index_cast %mul3A_108 : i32 to index
          %get3A_110 = tpu.vector_load %arg9[%get3A, %get3A_109] {strides = array<i32>} : memref<128x128xf32, #tpu.memory_space<vmem>>, vector<1x16xf32>,
          %get3A_111 = vector.shape_cast %get3A_110 : vector<1x16xf32> to vector<16xf32>
          %get3A_112 = arith.index_cast %scan3A_105 : i32 to index
          %get3A_113 = arith.index_cast %mul3A_108 : i32 to index
          %get3A_114 = tpu.vector_load %arg11[%get3A_112, %get3A_113] {strides = array<i32>} : memref<128x128xf32, #tpu.memory_space<vmem>>, vector<1x16xf32>,
          %get3A_115 = vector.shape_cast %get3A_114 : vector<1x16xf32> to vector<16xf32>
          %sub3A = arith.subf %get3A_111, %get3A_115 : vector<16xf32>
          %swap3A = arith.index_cast %scan3A_105 : i32 to index
          %swap3A_116 = arith.index_cast %mul3A_108 : i32 to index
          %swap3A_117 = tpu.vector_load %arg13[%swap3A, %swap3A_116] {strides = array<i32>} : memref<128x128xf32, #tpu.memory_space<vmem>>, vector<1x16xf32>,
          %swap3A_118 = vector.shape_cast %swap3A_117 : vector<1x16xf32> to vector<16xf32>
          %swap3A_119 = vector.shape_cast %sub3A : vector<16xf32> to vector<1x16xf32>
          tpu.vector_store %arg13[%swap3A, %swap3A_116], %swap3A_119 {strides = array<i32>} : memref<128x128xf32, #tpu.memory_space<vmem>>, vector<1x16xf32>,
          %scan3A_120 = arith.constant 1 : i32
          %mul3A_121 = arith.constant 16 : i32
          %mul3A_122 = arith.muli %scan3A_120, %mul3A_121 : i32
          %get3A_123 = arith.index_cast %scan3A_105 : i32 to index
          %get3A_124 = arith.index_cast %mul3A_122 : i32 to index
          %get3A_125 = tpu.vector_load %arg9[%get3A_123, %get3A_124] {strides = array<i32>} : memref<128x128xf32, #tpu.memory_space<vmem>>, vector<1x16xf32>,
          %get3A_126 = vector.shape_cast %get3A_125 : vector<1x16xf32> to vector<16xf32>
          %get3A_127 = arith.index_cast %scan3A_105 : i32 to index
          %get3A_128 = arith.index_cast %mul3A_122 : i32 to index
          %get3A_129 = tpu.vector_load %arg11[%get3A_127, %get3A_128] {strides = array<i32>} : memref<128x128xf32, #tpu.memory_space<vmem>>, vector<1x16xf32>,
          %get3A_130 = vector.shape_cast %get3A_129 : vector<1x16xf32> to vector<16xf32>
          %sub3A_131 = arith.subf %get3A_126, %get3A_130 : vector<16xf32>
          %swap3A_132 = arith.index_cast %scan3A_105 : i32 to index
          %swap3A_133 = arith.index_cast %mul3A_122 : i32 to index
          %swap3A_134 = tpu.vector_load %arg13[%swap3A_132, %swap3A_133] {strides = array<i32>} : memref<128x128xf32, #tpu.memory_space<vmem>>, vector<1x16xf32>,
          %swap3A_135 = vector.shape_cast %swap3A_134 : vector<1x16xf32> to vector<16xf32>
          %swap3A_136 = vector.shape_cast %sub3A_131 : vector<16xf32> to vector<1x16xf32>
          tpu.vector_store %arg13[%swap3A_132, %swap3A_133], %swap3A_136 {strides = array<i32>} : memref<128x128xf32, #tpu.memory_space<vmem>>, vector<1x16xf32>,
          %scan3A_137 = arith.constant 2 : i32
          %mul3A_138 = arith.constant 16 : i32
          %mul3A_139 = arith.muli %scan3A_137, %mul3A_138 : i32
          %get3A_140 = arith.index_cast %scan3A_105 : i32 to index
          %get3A_141 = arith.index_cast %mul3A_139 : i32 to index
          %get3A_142 = tpu.vector_load %arg9[%get3A_140, %get3A_141] {strides = array<i32>} : memref<128x128xf32, #tpu.memory_space<vmem>>, vector<1x16xf32>,
          %get3A_143 = vector.shape_cast %get3A_142 : vector<1x16xf32> to vector<16xf32>
          %get3A_144 = arith.index_cast %scan3A_105 : i32 to index
          %get3A_145 = arith.index_cast %mul3A_139 : i32 to index
          %get3A_146 = tpu.vector_load %arg11[%get3A_144, %get3A_145] {strides = array<i32>} : memref<128x128xf32, #tpu.memory_space<vmem>>, vector<1x16xf32>,
          %get3A_147 = vector.shape_cast %get3A_146 : vector<1x16xf32> to vector<16xf32>
          %sub3A_148 = arith.subf %get3A_143, %get3A_147 : vector<16xf32>
          %swap3A_149 = arith.index_cast %scan3A_105 : i32 to index
          %swap3A_150 = arith.index_cast %mul3A_139 : i32 to index
          %swap3A_151 = tpu.vector_load %arg13[%swap3A_149, %swap3A_150] {strides = array<i32>} : memref<128x128xf32, #tpu.memory_space<vmem>>, vector<1x16xf32>,
          %swap3A_152 = vector.shape_cast %swap3A_151 : vector<1x16xf32> to vector<16xf32>
          %swap3A_153 = vector.shape_cast %sub3A_148 : vector<16xf32> to vector<1x16xf32>
          tpu.vector_store %arg13[%swap3A_149, %swap3A_150], %swap3A_153 {strides = array<i32>} : memref<128x128xf32, #tpu.memory_space<vmem>>, vector<1x16xf32>,
          %scan3A_154 = arith.constant 3 : i32
          %mul3A_155 = arith.constant 16 : i32
          %mul3A_156 = arith.muli %scan3A_154, %mul3A_155 : i32
          %get3A_157 = arith.index_cast %scan3A_105 : i32 to index
          %get3A_158 = arith.index_cast %mul3A_156 : i32 to index
          %get3A_159 = tpu.vector_load %arg9[%get3A_157, %get3A_158] {strides = array<i32>} : memref<128x128xf32, #tpu.memory_space<vmem>>, vector<1x16xf32>,
          %get3A_160 = vector.shape_cast %get3A_159 : vector<1x16xf32> to vector<16xf32>
          %get3A_161 = arith.index_cast %scan3A_105 : i32 to index
          %get3A_162 = arith.index_cast %mul3A_156 : i32 to index
          %get3A_163 = tpu.vector_load %arg11[%get3A_161, %get3A_162] {strides = array<i32>} : memref<128x128xf32, #tpu.memory_space<vmem>>, vector<1x16xf32>,
          %get3A_164 = vector.shape_cast %get3A_163 : vector<1x16xf32> to vector<16xf32>
          %sub3A_165 = arith.subf %get3A_160, %get3A_164 : vector<16xf32>
          %swap3A_166 = arith.index_cast %scan3A_105 : i32 to index
          %swap3A_167 = arith.index_cast %mul3A_156 : i32 to index
          %swap3A_168 = tpu.vector_load %arg13[%swap3A_166, %swap3A_167] {strides = array<i32>} : memref<128x128xf32, #tpu.memory_space<vmem>>, vector<1x16xf32>,
          %swap3A_169 = vector.shape_cast %swap3A_168 : vector<1x16xf32> to vector<16xf32>
          %swap3A_170 = vector.shape_cast %sub3A_165 : vector<16xf32> to vector<1x16xf32>
          tpu.vector_store %arg13[%swap3A_166, %swap3A_167], %swap3A_170 {strides = array<i32>} : memref<128x128xf32, #tpu.memory_space<vmem>>, vector<1x16xf32>,
          %scan3A_171 = arith.constant 4 : i32
          %mul3A_172 = arith.constant 16 : i32
          %mul3A_173 = arith.muli %scan3A_171, %mul3A_172 : i32
          %get3A_174 = arith.index_cast %scan3A_105 : i32 to index
          %get3A_175 = arith.index_cast %mul3A_173 : i32 to index
          %get3A_176 = tpu.vector_load %arg9[%get3A_174, %get3A_175] {strides = array<i32>} : memref<128x128xf32, #tpu.memory_space<vmem>>, vector<1x16xf32>,
          %get3A_177 = vector.shape_cast %get3A_176 : vector<1x16xf32> to vector<16xf32>
          %get3A_178 = arith.index_cast %scan3A_105 : i32 to index
          %get3A_179 = arith.index_cast %mul3A_173 : i32 to index
          %get3A_180 = tpu.vector_load %arg11[%get3A_178, %get3A_179] {strides = array<i32>} : memref<128x128xf32, #tpu.memory_space<vmem>>, vector<1x16xf32>,
          %get3A_181 = vector.shape_cast %get3A_180 : vector<1x16xf32> to vector<16xf32>
          %sub3A_182 = arith.subf %get3A_177, %get3A_181 : vector<16xf32>
          %swap3A_183 = arith.index_cast %scan3A_105 : i32 to index
          %swap3A_184 = arith.index_cast %mul3A_173 : i32 to index
          %swap3A_185 = tpu.vector_load %arg13[%swap3A_183, %swap3A_184] {strides = array<i32>} : memref<128x128xf32, #tpu.memory_space<vmem>>, vector<1x16xf32>,
          %swap3A_186 = vector.shape_cast %swap3A_185 : vector<1x16xf32> to vector<16xf32>
          %swap3A_187 = vector.shape_cast %sub3A_182 : vector<16xf32> to vector<1x16xf32>
          tpu.vector_store %arg13[%swap3A_183, %swap3A_184], %swap3A_187 {strides = array<i32>} : memref<128x128xf32, #tpu.memory_space<vmem>>, vector<1x16xf32>,
          %scan3A_188 = arith.constant 5 : i32
          %mul3A_189 = arith.constant 16 : i32
          %mul3A_190 = arith.muli %scan3A_188, %mul3A_189 : i32
          %get3A_191 = arith.index_cast %scan3A_105 : i32 to index
          %get3A_192 = arith.index_cast %mul3A_190 : i32 to index
          %get3A_193 = tpu.vector_load %arg9[%get3A_191, %get3A_192] {strides = array<i32>} : memref<128x128xf32, #tpu.memory_space<vmem>>, vector<1x16xf32>,
          %get3A_194 = vector.shape_cast %get3A_193 : vector<1x16xf32> to vector<16xf32>
          %get3A_195 = arith.index_cast %scan3A_105 : i32 to index
          %get3A_196 = arith.index_cast %mul3A_190 : i32 to index
          %get3A_197 = tpu.vector_load %arg11[%get3A_195, %get3A_196] {strides = array<i32>} : memref<128x128xf32, #tpu.memory_space<vmem>>, vector<1x16xf32>,
          %get3A_198 = vector.shape_cast %get3A_197 : vector<1x16xf32> to vector<16xf32>
          %sub3A_199 = arith.subf %get3A_194, %get3A_198 : vector<16xf32>
          %swap3A_200 = arith.index_cast %scan3A_105 : i32 to index
          %swap3A_201 = arith.index_cast %mul3A_190 : i32 to index
          %swap3A_202 = tpu.vector_load %arg13[%swap3A_200, %swap3A_201] {strides = array<i32>} : memref<128x128xf32, #tpu.memory_space<vmem>>, vector<1x16xf32>,
          %swap3A_203 = vector.shape_cast %swap3A_202 : vector<1x16xf32> to vector<16xf32>
          %swap3A_204 = vector.shape_cast %sub3A_199 : vector<16xf32> to vector<1x16xf32>
          tpu.vector_store %arg13[%swap3A_200, %swap3A_201], %swap3A_204 {strides = array<i32>} : memref<128x128xf32, #tpu.memory_space<vmem>>, vector<1x16xf32>,
          %scan3A_205 = arith.constant 6 : i32
          %mul3A_206 = arith.constant 16 : i32
          %mul3A_207 = arith.muli %scan3A_205, %mul3A_206 : i32
          %get3A_208 = arith.index_cast %scan3A_105 : i32 to index
          %get3A_209 = arith.index_cast %mul3A_207 : i32 to index
          %get3A_210 = tpu.vector_load %arg9[%get3A_208, %get3A_209] {strides = array<i32>} : memref<128x128xf32, #tpu.memory_space<vmem>>, vector<1x16xf32>,
          %get3A_211 = vector.shape_cast %get3A_210 : vector<1x16xf32> to vector<16xf32>
          %get3A_212 = arith.index_cast %scan3A_105 : i32 to index
          %get3A_213 = arith.index_cast %mul3A_207 : i32 to index
          %get3A_214 = tpu.vector_load %arg11[%get3A_212, %get3A_213] {strides = array<i32>} : memref<128x128xf32, #tpu.memory_space<vmem>>, vector<1x16xf32>,
          %get3A_215 = vector.shape_cast %get3A_214 : vector<1x16xf32> to vector<16xf32>
          %sub3A_216 = arith.subf %get3A_211, %get3A_215 : vector<16xf32>
          %swap3A_217 = arith.index_cast %scan3A_105 : i32 to index
          %swap3A_218 = arith.index_cast %mul3A_207 : i32 to index
          %swap3A_219 = tpu.vector_load %arg13[%swap3A_217, %swap3A_218] {strides = array<i32>} : memref<128x128xf32, #tpu.memory_space<vmem>>, vector<1x16xf32>,
          %swap3A_220 = vector.shape_cast %swap3A_219 : vector<1x16xf32> to vector<16xf32>
          %swap3A_221 = vector.shape_cast %sub3A_216 : vector<16xf32> to vector<1x16xf32>
          tpu.vector_store %arg13[%swap3A_217, %swap3A_218], %swap3A_221 {strides = array<i32>} : memref<128x128xf32, #tpu.memory_space<vmem>>, vector<1x16xf32>,
          %scan3A_222 = arith.constant 7 : i32
          %mul3A_223 = arith.constant 16 : i32
          %mul3A_224 = arith.muli %scan3A_222, %mul3A_223 : i32
          %get3A_225 = arith.index_cast %scan3A_105 : i32 to index
          %get3A_226 = arith.index_cast %mul3A_224 : i32 to index
          %get3A_227 = tpu.vector_load %arg9[%get3A_225, %get3A_226] {strides = array<i32>} : memref<128x128xf32, #tpu.memory_space<vmem>>, vector<1x16xf32>,
          %get3A_228 = vector.shape_cast %get3A_227 : vector<1x16xf32> to vector<16xf32>
          %get3A_229 = arith.index_cast %scan3A_105 : i32 to index
          %get3A_230 = arith.index_cast %mul3A_224 : i32 to index
          %get3A_231 = tpu.vector_load %arg11[%get3A_229, %get3A_230] {strides = array<i32>} : memref<128x128xf32, #tpu.memory_space<vmem>>, vector<1x16xf32>,
          %get3A_232 = vector.shape_cast %get3A_231 : vector<1x16xf32> to vector<16xf32>
          %sub3A_233 = arith.subf %get3A_228, %get3A_232 : vector<16xf32>
          %swap3A_234 = arith.index_cast %scan3A_105 : i32 to index
          %swap3A_235 = arith.index_cast %mul3A_224 : i32 to index
          %swap3A_236 = tpu.vector_load %arg13[%swap3A_234, %swap3A_235] {strides = array<i32>} : memref<128x128xf32, #tpu.memory_space<vmem>>, vector<1x16xf32>,
          %swap3A_237 = vector.shape_cast %swap3A_236 : vector<1x16xf32> to vector<16xf32>
          %swap3A_238 = vector.shape_cast %sub3A_233 : vector<16xf32> to vector<1x16xf32>
          tpu.vector_store %arg13[%swap3A_234, %swap3A_235], %swap3A_238 {strides = array<i32>} : memref<128x128xf32, #tpu.memory_space<vmem>>, vector<1x16xf32>,
          %scan3A_239 = arith.constant 8 : i32
        }
        %scan3A_101 = arith.constant 128 : i32
        %dma_start3A = arith.constant 0 : i32
        %dma_start3A_102 = tpu.memref_slice %arg5[%mul3A_79, %dma_start3A] : memref<160000x128xf32, #tpu.memory_space<hbm>> -> memref<128x128xf32, #tpu.memory_space<hbm>>
        %dma_start3A_103 = arith.constant 0 : i32
        %dma_start3A_104 = tpu.memref_slice %arg5[%mul3A_79, %dma_start3A_103] : memref<160000x128xf32, #tpu.memory_space<hbm>> -> memref<128x128xf32, #tpu.memory_space<hbm>>
        tpu.enqueue_dma source(%arg13 : memref<128x128xf32, #tpu.memory_space<vmem>>) target(%dma_start3A_104 : memref<128x128xf32, #tpu.memory_space<hbm>>) target_semaphore(%arg19 : memref<!tpu.dma_semaphore, #tpu.memory_space<semaphore_mem>>)
      } else {
      }
    }
    %scan3A_11 = arith.constant 21 : i32
    %dma_wait3A = arith.constant 0 : i32
    %dma_wait3A_12 = arith.constant 0 : i32
    %dma_wait3A_13 = tpu.memref_slice %arg5[%dma_wait3A, %dma_wait3A_12] : memref<160000x128xf32, #tpu.memory_space<hbm>> -> memref<128x128xf32, #tpu.memory_space<hbm>>
    %dma_wait3A_14 = arith.constant 0 : i32
    %dma_wait3A_15 = arith.constant 0 : i32
    %dma_wait3A_16 = tpu.memref_slice %arg5[%dma_wait3A_14, %dma_wait3A_15] : memref<160000x128xf32, #tpu.memory_space<hbm>> -> memref<128x128xf32, #tpu.memory_space<hbm>>
    tpu.wait_dma2 semaphore(%arg18 : memref<!tpu.dma_semaphore, #tpu.memory_space<semaphore_mem>>) src(%arg12 : memref<128x128xf32, #tpu.memory_space<vmem>>) dst(%dma_wait3A_16 : memref<128x128xf32, #tpu.memory_space<hbm>>)
    %dma_wait3A_17 = arith.constant 0 : i32
    %dma_wait3A_18 = arith.constant 0 : i32
    %dma_wait3A_19 = tpu.memref_slice %arg5[%dma_wait3A_17, %dma_wait3A_18] : memref<160000x128xf32, #tpu.memory_space<hbm>> -> memref<128x128xf32, #tpu.memory_space<hbm>>
    %dma_wait3A_20 = arith.constant 0 : i32
    %dma_wait3A_21 = arith.constant 0 : i32
    %dma_wait3A_22 = tpu.memref_slice %arg5[%dma_wait3A_20, %dma_wait3A_21] : memref<160000x128xf32, #tpu.memory_space<hbm>> -> memref<128x128xf32, #tpu.memory_space<hbm>>
    tpu.wait_dma2 semaphore(%arg19 : memref<!tpu.dma_semaphore, #tpu.memory_space<semaphore_mem>>) src(%arg13 : memref<128x128xf32, #tpu.memory_space<vmem>>) dst(%dma_wait3A_22 : memref<128x128xf32, #tpu.memory_space<hbm>>)
    return
  }
}

#map = affine_map<(d0, d1) -> (0, 0)>
#map1 = affine_map<(d0, d1) -> (0, 0, 0)>
module attributes {stable_mosaic.version = 14 : i64} {
  func.func @diff_gather(%arg0: i32, %arg1: i32, %arg2: memref<10000x128xf32, #tpu.memory_space<hbm>>, %arg3: memref<32x40x128xi32, #tpu.memory_space<hbm>>, %arg4: memref<32x40x128xi32, #tpu.memory_space<hbm>>, %arg5: memref<160000x128xf32, #tpu.memory_space<hbm>>, %arg6: memref<40x128xi32, #tpu.memory_space<vmem>>, %arg7: memref<40x128xi32, #tpu.memory_space<vmem>>, %arg8: memref<128x128xf32, #tpu.memory_space<vmem>>, %arg9: memref<128x128xf32, #tpu.memory_space<vmem>>, %arg10: memref<128x128xf32, #tpu.memory_space<vmem>>, %arg11: memref<128x128xf32, #tpu.memory_space<vmem>>, %arg12: memref<128x128xf32, #tpu.memory_space<vmem>>, %arg13: memref<128x128xf32, #tpu.memory_space<vmem>>, %arg14: memref<!tpu.dma_semaphore, #tpu.memory_space<semaphore_mem>>, %arg15: memref<!tpu.dma_semaphore, #tpu.memory_space<semaphore_mem>>, %arg16: memref<!tpu.dma_semaphore, #tpu.memory_space<semaphore_mem>>, %arg17: memref<!tpu.dma_semaphore, #tpu.memory_space<semaphore_mem>>, %arg18: memref<!tpu.dma_semaphore, #tpu.memory_space<semaphore_mem>>, %arg19: memref<!tpu.dma_semaphore, #tpu.memory_space<semaphore_mem>>) attributes {dimension_semantics = [#tpu.dimension_semantics<core_parallel>, #tpu.dimension_semantics<subcore_parallel>], iteration_bounds = array<i64: 2, 16>, scalar_prefetch = 0 : i64, scratch_operands = 14 : i64, tpu.core_type = #tpu.core_type<sc_vector_subcore>, window_params = [{transform_indices = #map}, {transform_indices = #map1}, {transform_indices = #map1}, {transform_indices = #map}]} {
    %mul3A = arith.constant 2 : i32
    %mul3A_0 = arith.muli %arg1, %mul3A : i32
    %add3A = arith.addi %mul3A_0, %arg0 : i32
    "tpu.region"() ({
      %run_scoped3A = tpu.sem_alloc : memref<!tpu.dma_semaphore, #tpu.memory_space<semaphore_mem>>
      %dma_start3A = arith.constant 0 : i32
      %dma_start3A_23 = arith.constant 0 : i32
      %dma_start3A_24 = tpu.memref_slice %arg3[%add3A, %dma_start3A, %dma_start3A_23] : memref<32x40x128xi32, #tpu.memory_space<hbm>> -> memref<1x40x128xi32, #tpu.memory_space<hbm>>
      %dma_start3A_25 = tpu.memref_squeeze %dma_start3A_24 : memref<1x40x128xi32, #tpu.memory_space<hbm>> -> memref<40x128xi32, #tpu.memory_space<hbm>>
      %dma_start3A_26 = arith.constant 0 : i32
      %dma_start3A_27 = arith.constant 0 : i32
      %dma_start3A_28 = tpu.memref_slice %arg3[%add3A, %dma_start3A_26, %dma_start3A_27] : memref<32x40x128xi32, #tpu.memory_space<hbm>> -> memref<1x40x128xi32, #tpu.memory_space<hbm>>
      %dma_start3A_29 = tpu.memref_squeeze %dma_start3A_28 : memref<1x40x128xi32, #tpu.memory_space<hbm>> -> memref<40x128xi32, #tpu.memory_space<hbm>>
      tpu.enqueue_dma source(%dma_start3A_29 : memref<40x128xi32, #tpu.memory_space<hbm>>) target(%arg6 : memref<40x128xi32, #tpu.memory_space<vmem>>) target_semaphore(%run_scoped3A : memref<!tpu.dma_semaphore, #tpu.memory_space<semaphore_mem>>)
      %dma_wait3A_30 = arith.constant 0 : i32
      %dma_wait3A_31 = arith.constant 0 : i32
      %dma_wait3A_32 = tpu.memref_slice %arg3[%add3A, %dma_wait3A_30, %dma_wait3A_31] : memref<32x40x128xi32, #tpu.memory_space<hbm>> -> memref<1x40x128xi32, #tpu.memory_space<hbm>>
      %dma_wait3A_33 = tpu.memref_squeeze %dma_wait3A_32 : memref<1x40x128xi32, #tpu.memory_space<hbm>> -> memref<40x128xi32, #tpu.memory_space<hbm>>
      %dma_wait3A_34 = arith.constant 0 : i32
      %dma_wait3A_35 = arith.constant 0 : i32
      %dma_wait3A_36 = tpu.memref_slice %arg3[%add3A, %dma_wait3A_34, %dma_wait3A_35] : memref<32x40x128xi32, #tpu.memory_space<hbm>> -> memref<1x40x128xi32, #tpu.memory_space<hbm>>
      %dma_wait3A_37 = tpu.memref_squeeze %dma_wait3A_36 : memref<1x40x128xi32, #tpu.memory_space<hbm>> -> memref<40x128xi32, #tpu.memory_space<hbm>>
      tpu.wait_dma2 semaphore(%run_scoped3A : memref<!tpu.dma_semaphore, #tpu.memory_space<semaphore_mem>>) src(%dma_wait3A_37 : memref<40x128xi32, #tpu.memory_space<hbm>>) dst(%arg6 : memref<40x128xi32, #tpu.memory_space<vmem>>)
      tpu.yield
    }) : () -> ()
    "tpu.region"() ({
      %run_scoped3A = tpu.sem_alloc : memref<!tpu.dma_semaphore, #tpu.memory_space<semaphore_mem>>
      %dma_start3A = arith.constant 0 : i32
      %dma_start3A_23 = arith.constant 0 : i32
      %dma_start3A_24 = tpu.memref_slice %arg4[%add3A, %dma_start3A, %dma_start3A_23] : memref<32x40x128xi32, #tpu.memory_space<hbm>> -> memref<1x40x128xi32, #tpu.memory_space<hbm>>
      %dma_start3A_25 = tpu.memref_squeeze %dma_start3A_24 : memref<1x40x128xi32, #tpu.memory_space<hbm>> -> memref<40x128xi32, #tpu.memory_space<hbm>>
      %dma_start3A_26 = arith.constant 0 : i32
      %dma_start3A_27 = arith.constant 0 : i32
      %dma_start3A_28 = tpu.memref_slice %arg4[%add3A, %dma_start3A_26, %dma_start3A_27] : memref<32x40x128xi32, #tpu.memory_space<hbm>> -> memref<1x40x128xi32, #tpu.memory_space<hbm>>
      %dma_start3A_29 = tpu.memref_squeeze %dma_start3A_28 : memref<1x40x128xi32, #tpu.memory_space<hbm>> -> memref<40x128xi32, #tpu.memory_space<hbm>>
      tpu.enqueue_dma source(%dma_start3A_29 : memref<40x128xi32, #tpu.memory_space<hbm>>) target(%arg7 : memref<40x128xi32, #tpu.memory_space<vmem>>) target_semaphore(%run_scoped3A : memref<!tpu.dma_semaphore, #tpu.memory_space<semaphore_mem>>)
      %dma_wait3A_30 = arith.constant 0 : i32
      %dma_wait3A_31 = arith.constant 0 : i32
      %dma_wait3A_32 = tpu.memref_slice %arg4[%add3A, %dma_wait3A_30, %dma_wait3A_31] : memref<32x40x128xi32, #tpu.memory_space<hbm>> -> memref<1x40x128xi32, #tpu.memory_space<hbm>>
      %dma_wait3A_33 = tpu.memref_squeeze %dma_wait3A_32 : memref<1x40x128xi32, #tpu.memory_space<hbm>> -> memref<40x128xi32, #tpu.memory_space<hbm>>
      %dma_wait3A_34 = arith.constant 0 : i32
      %dma_wait3A_35 = arith.constant 0 : i32
      %dma_wait3A_36 = tpu.memref_slice %arg4[%add3A, %dma_wait3A_34, %dma_wait3A_35] : memref<32x40x128xi32, #tpu.memory_space<hbm>> -> memref<1x40x128xi32, #tpu.memory_space<hbm>>
      %dma_wait3A_37 = tpu.memref_squeeze %dma_wait3A_36 : memref<1x40x128xi32, #tpu.memory_space<hbm>> -> memref<40x128xi32, #tpu.memory_space<hbm>>
      tpu.wait_dma2 semaphore(%run_scoped3A : memref<!tpu.dma_semaphore, #tpu.memory_space<semaphore_mem>>) src(%dma_wait3A_37 : memref<40x128xi32, #tpu.memory_space<hbm>>) dst(%arg7 : memref<40x128xi32, #tpu.memory_space<vmem>>)
      tpu.yield
    }) : () -> ()
    %mul3A_1 = arith.constant 40 : i32
    %mul3A_2 = arith.muli %add3A, %mul3A_1 : i32
    %add3A_3 = arith.constant 0 : i32
    %add3A_4 = arith.addi %mul3A_2, %add3A_3 : i32
    %lt3A = arith.constant 1250 : i32
    %lt3A_5 = arith.cmpi slt, %add3A_4, %lt3A : i32
    %and3A = arith.constant true
    %and3A_6 = arith.andi %and3A, %lt3A_5 : i1
    %convert_element_type3A = arith.extui %and3A_6 : i1 to i32
    %cond3A = arith.constant 0 : i32
    %cond3A_7 = arith.cmpi ne, %convert_element_type3A, %cond3A : i32
    scf.if %cond3A_7 {
      %dma_start3A = arith.constant 0 : i32
      %dma_start3A_23 = arith.constant 0 : i32
      %dma_start3A_24 = tpu.memref_slice %arg6[%dma_start3A, %dma_start3A_23] : memref<40x128xi32, #tpu.memory_space<vmem>> -> memref<1x128xi32, #tpu.memory_space<vmem>>
      %dma_start3A_25 = tpu.memref_squeeze %dma_start3A_24 : memref<1x128xi32, #tpu.memory_space<vmem>> -> memref<128xi32, #tpu.memory_space<vmem>>
      %dma_start3A_26 = arith.constant 0 : i32
      %dma_start3A_27 = arith.constant 0 : i32
      %dma_start3A_28 = tpu.memref_slice %arg2[%dma_start3A_26, %dma_start3A_27] : memref<10000x128xf32, #tpu.memory_space<hbm>> -> memref<10000x128xf32, #tpu.memory_space<hbm>>
      tpu.enqueue_indirect_dma source(%dma_start3A_28 : memref<10000x128xf32, #tpu.memory_space<hbm>>) target(%arg8 : memref<128x128xf32, #tpu.memory_space<vmem>>) offsets(%dma_start3A_25 : memref<128xi32, #tpu.memory_space<vmem>>) semaphore(%arg14 : memref<!tpu.dma_semaphore, #tpu.memory_space<semaphore_mem>>)
      %dma_start3A_29 = arith.constant 0 : i32
      %dma_start3A_30 = arith.constant 0 : i32
      %dma_start3A_31 = tpu.memref_slice %arg7[%dma_start3A_29, %dma_start3A_30] : memref<40x128xi32, #tpu.memory_space<vmem>> -> memref<1x128xi32, #tpu.memory_space<vmem>>
      %dma_start3A_32 = tpu.memref_squeeze %dma_start3A_31 : memref<1x128xi32, #tpu.memory_space<vmem>> -> memref<128xi32, #tpu.memory_space<vmem>>
      %dma_start3A_33 = arith.constant 0 : i32
      %dma_start3A_34 = arith.constant 0 : i32
      %dma_start3A_35 = tpu.memref_slice %arg2[%dma_start3A_33, %dma_start3A_34] : memref<10000x128xf32, #tpu.memory_space<hbm>> -> memref<10000x128xf32, #tpu.memory_space<hbm>>
      tpu.enqueue_indirect_dma source(%dma_start3A_35 : memref<10000x128xf32, #tpu.memory_space<hbm>>) target(%arg10 : memref<128x128xf32, #tpu.memory_space<vmem>>) offsets(%dma_start3A_32 : memref<128xi32, #tpu.memory_space<vmem>>) semaphore(%arg16 : memref<!tpu.dma_semaphore, #tpu.memory_space<semaphore_mem>>)
    } else {
    }
    %scan3A = arith.constant 0 : i32
    %scan3A_8 = arith.constant 21 : i32
    %scan3A_9 = arith.addi %scan3A, %scan3A_8 : i32
    %scan3A_10 = arith.constant 1 : i32
    scf.for %scan3A_23 = %scan3A to %scan3A_9 step %scan3A_10  : i32 {
      %mul3A_24 = arith.constant 2 : i32
      %mul3A_25 = arith.muli %scan3A_23, %mul3A_24 : i32
      %add3A_26 = arith.constant 0 : i32
      %add3A_27 = arith.addi %add3A_26, %mul3A_25 : i32
      %add3A_28 = arith.constant 1 : i32
      %add3A_29 = arith.addi %add3A_27, %add3A_28 : i32
      %mul3A_30 = arith.constant 40 : i32
      %mul3A_31 = arith.muli %add3A, %mul3A_30 : i32
      %add3A_32 = arith.addi %mul3A_31, %add3A_29 : i32
      %lt3A_33 = arith.constant 40 : i32
      %lt3A_34 = arith.cmpi slt, %add3A_29, %lt3A_33 : i32
      %lt3A_35 = arith.constant 1250 : i32
      %lt3A_36 = arith.cmpi slt, %add3A_32, %lt3A_35 : i32
      %and3A_37 = arith.andi %lt3A_34, %lt3A_36 : i1
      %convert_element_type3A_38 = arith.extui %and3A_37 : i1 to i32
      %cond3A_39 = arith.constant 0 : i32
      %cond3A_40 = arith.cmpi ne, %convert_element_type3A_38, %cond3A_39 : i32
      scf.if %cond3A_40 {
        %dma_start3A = arith.constant 0 : i32
        %dma_start3A_78 = tpu.memref_slice %arg6[%add3A_29, %dma_start3A] : memref<40x128xi32, #tpu.memory_space<vmem>> -> memref<1x128xi32, #tpu.memory_space<vmem>>
        %dma_start3A_79 = tpu.memref_squeeze %dma_start3A_78 : memref<1x128xi32, #tpu.memory_space<vmem>> -> memref<128xi32, #tpu.memory_space<vmem>>
        %dma_start3A_80 = arith.constant 0 : i32
        %dma_start3A_81 = arith.constant 0 : i32
        %dma_start3A_82 = tpu.memref_slice %arg2[%dma_start3A_80, %dma_start3A_81] : memref<10000x128xf32, #tpu.memory_space<hbm>> -> memref<10000x128xf32, #tpu.memory_space<hbm>>
        tpu.enqueue_indirect_dma source(%dma_start3A_82 : memref<10000x128xf32, #tpu.memory_space<hbm>>) target(%arg9 : memref<128x128xf32, #tpu.memory_space<vmem>>) offsets(%dma_start3A_79 : memref<128xi32, #tpu.memory_space<vmem>>) semaphore(%arg15 : memref<!tpu.dma_semaphore, #tpu.memory_space<semaphore_mem>>)
        %dma_start3A_83 = arith.constant 0 : i32
        %dma_start3A_84 = tpu.memref_slice %arg7[%add3A_29, %dma_start3A_83] : memref<40x128xi32, #tpu.memory_space<vmem>> -> memref<1x128xi32, #tpu.memory_space<vmem>>
        %dma_start3A_85 = tpu.memref_squeeze %dma_start3A_84 : memref<1x128xi32, #tpu.memory_space<vmem>> -> memref<128xi32, #tpu.memory_space<vmem>>
        %dma_start3A_86 = arith.constant 0 : i32
        %dma_start3A_87 = arith.constant 0 : i32
        %dma_start3A_88 = tpu.memref_slice %arg2[%dma_start3A_86, %dma_start3A_87] : memref<10000x128xf32, #tpu.memory_space<hbm>> -> memref<10000x128xf32, #tpu.memory_space<hbm>>
        tpu.enqueue_indirect_dma source(%dma_start3A_88 : memref<10000x128xf32, #tpu.memory_space<hbm>>) target(%arg11 : memref<128x128xf32, #tpu.memory_space<vmem>>) offsets(%dma_start3A_85 : memref<128xi32, #tpu.memory_space<vmem>>) semaphore(%arg17 : memref<!tpu.dma_semaphore, #tpu.memory_space<semaphore_mem>>)
      } else {
      }
      %mul3A_41 = arith.constant 40 : i32
      %mul3A_42 = arith.muli %add3A, %mul3A_41 : i32
      %add3A_43 = arith.addi %mul3A_42, %add3A_27 : i32
      %lt3A_44 = arith.constant 40 : i32
      %lt3A_45 = arith.cmpi slt, %add3A_27, %lt3A_44 : i32
      %lt3A_46 = arith.constant 1250 : i32
      %lt3A_47 = arith.cmpi slt, %add3A_43, %lt3A_46 : i32
      %and3A_48 = arith.andi %lt3A_45, %lt3A_47 : i1
      %convert_element_type3A_49 = arith.extui %and3A_48 : i1 to i32
      %cond3A_50 = arith.constant 0 : i32
      %cond3A_51 = arith.cmpi ne, %convert_element_type3A_49, %cond3A_50 : i32
      scf.if %cond3A_51 {
        %mul3A_78 = arith.constant 128 : i32
        %mul3A_79 = arith.muli %add3A_43, %mul3A_78 : i32
        %dma_wait3A_80 = arith.constant 0 : i32
        %dma_wait3A_81 = tpu.memref_slice %arg6[%add3A_27, %dma_wait3A_80] : memref<40x128xi32, #tpu.memory_space<vmem>> -> memref<1x128xi32, #tpu.memory_space<vmem>>
        %dma_wait3A_82 = tpu.memref_squeeze %dma_wait3A_81 : memref<1x128xi32, #tpu.memory_space<vmem>> -> memref<128xi32, #tpu.memory_space<vmem>>
        %dma_wait3A_83 = arith.constant 0 : i32
        %dma_wait3A_84 = arith.constant 0 : i32
        %dma_wait3A_85 = tpu.memref_slice %arg2[%dma_wait3A_83, %dma_wait3A_84] : memref<10000x128xf32, #tpu.memory_space<hbm>> -> memref<10000x128xf32, #tpu.memory_space<hbm>>
        tpu.wait_indirect_dma semaphore(%arg14 : memref<!tpu.dma_semaphore, #tpu.memory_space<semaphore_mem>>) src(%dma_wait3A_85 : memref<10000x128xf32, #tpu.memory_space<hbm>>) dst(%arg8 : memref<128x128xf32, #tpu.memory_space<vmem>>)
        %dma_wait3A_86 = arith.constant 0 : i32
        %dma_wait3A_87 = tpu.memref_slice %arg7[%add3A_27, %dma_wait3A_86] : memref<40x128xi32, #tpu.memory_space<vmem>> -> memref<1x128xi32, #tpu.memory_space<vmem>>
        %dma_wait3A_88 = tpu.memref_squeeze %dma_wait3A_87 : memref<1x128xi32, #tpu.memory_space<vmem>> -> memref<128xi32, #tpu.memory_space<vmem>>
        %dma_wait3A_89 = arith.constant 0 : i32
        %dma_wait3A_90 = arith.constant 0 : i32
        %dma_wait3A_91 = tpu.memref_slice %arg2[%dma_wait3A_89, %dma_wait3A_90] : memref<10000x128xf32, #tpu.memory_space<hbm>> -> memref<10000x128xf32, #tpu.memory_space<hbm>>
        tpu.wait_indirect_dma semaphore(%arg16 : memref<!tpu.dma_semaphore, #tpu.memory_space<semaphore_mem>>) src(%dma_wait3A_91 : memref<10000x128xf32, #tpu.memory_space<hbm>>) dst(%arg10 : memref<128x128xf32, #tpu.memory_space<vmem>>)
        %ge3A = arith.constant 2 : i32
        %ge3A_92 = arith.cmpi sge, %add3A_27, %ge3A : i32
        %convert_element_type3A_93 = arith.extui %ge3A_92 : i1 to i32
        %cond3A_94 = arith.constant 0 : i32
        %cond3A_95 = arith.cmpi ne, %convert_element_type3A_93, %cond3A_94 : i32
        scf.if %cond3A_95 {
          %dma_wait3A_105 = arith.constant 0 : i32
          %dma_wait3A_106 = arith.constant 0 : i32
          %dma_wait3A_107 = tpu.memref_slice %arg5[%dma_wait3A_105, %dma_wait3A_106] : memref<160000x128xf32, #tpu.memory_space<hbm>> -> memref<128x128xf32, #tpu.memory_space<hbm>>
          %dma_wait3A_108 = arith.constant 0 : i32
          %dma_wait3A_109 = arith.constant 0 : i32
          %dma_wait3A_110 = tpu.memref_slice %arg5[%dma_wait3A_108, %dma_wait3A_109] : memref<160000x128xf32, #tpu.memory_space<hbm>> -> memref<128x128xf32, #tpu.memory_space<hbm>>
          tpu.wait_dma2 semaphore(%arg18 : memref<!tpu.dma_semaphore, #tpu.memory_space<semaphore_mem>>) src(%arg12 : memref<128x128xf32, #tpu.memory_space<vmem>>) dst(%dma_wait3A_110 : memref<128x128xf32, #tpu.memory_space<hbm>>)
        } else {
        }
        %scan3A_96 = arith.constant 0 : i32
        %scan3A_97 = arith.constant 0 : i32
        %scan3A_98 = arith.constant 128 : i32
        %scan3A_99 = arith.addi %scan3A_97, %scan3A_98 : i32
        %scan3A_100 = arith.constant 1 : i32
        scf.for %scan3A_105 = %scan3A_97 to %scan3A_99 step %scan3A_100  : i32 {
          %scan3A_106 = arith.constant 0 : i32
          %mul3A_107 = arith.constant 16 : i32
          %mul3A_108 = arith.muli %scan3A_106, %mul3A_107 : i32
          %get3A = arith.index_cast %scan3A_105 : i32 to index
          %get3A_109 = arith.index_cast %mul3A_108 : i32 to index
          %get3A_110 = tpu.vector_load %arg8[%get3A, %get3A_109] {strides = array<i32>} : memref<128x128xf32, #tpu.memory_space<vmem>>, vector<1x16xf32>,
          %get3A_111 = vector.shape_cast %get3A_110 : vector<1x16xf32> to vector<16xf32>
          %get3A_112 = arith.index_cast %scan3A_105 : i32 to index
          %get3A_113 = arith.index_cast %mul3A_108 : i32 to index
          %get3A_114 = tpu.vector_load %arg10[%get3A_112, %get3A_113] {strides = array<i32>} : memref<128x128xf32, #tpu.memory_space<vmem>>, vector<1x16xf32>,
          %get3A_115 = vector.shape_cast %get3A_114 : vector<1x16xf32> to vector<16xf32>
          %sub3A = arith.subf %get3A_111, %get3A_115 : vector<16xf32>
          %swap3A = arith.index_cast %scan3A_105 : i32 to index
          %swap3A_116 = arith.index_cast %mul3A_108 : i32 to index
          %swap3A_117 = tpu.vector_load %arg12[%swap3A, %swap3A_116] {strides = array<i32>} : memref<128x128xf32, #tpu.memory_space<vmem>>, vector<1x16xf32>,
          %swap3A_118 = vector.shape_cast %swap3A_117 : vector<1x16xf32> to vector<16xf32>
          %swap3A_119 = vector.shape_cast %sub3A : vector<16xf32> to vector<1x16xf32>
          tpu.vector_store %arg12[%swap3A, %swap3A_116], %swap3A_119 {strides = array<i32>} : memref<128x128xf32, #tpu.memory_space<vmem>>, vector<1x16xf32>,
          %scan3A_120 = arith.constant 1 : i32
          %mul3A_121 = arith.constant 16 : i32
          %mul3A_122 = arith.muli %scan3A_120, %mul3A_121 : i32
          %get3A_123 = arith.index_cast %scan3A_105 : i32 to index
          %get3A_124 = arith.index_cast %mul3A_122 : i32 to index
          %get3A_125 = tpu.vector_load %arg8[%get3A_123, %get3A_124] {strides = array<i32>} : memref<128x128xf32, #tpu.memory_space<vmem>>, vector<1x16xf32>,
          %get3A_126 = vector.shape_cast %get3A_125 : vector<1x16xf32> to vector<16xf32>
          %get3A_127 = arith.index_cast %scan3A_105 : i32 to index
          %get3A_128 = arith.index_cast %mul3A_122 : i32 to index
          %get3A_129 = tpu.vector_load %arg10[%get3A_127, %get3A_128] {strides = array<i32>} : memref<128x128xf32, #tpu.memory_space<vmem>>, vector<1x16xf32>,
          %get3A_130 = vector.shape_cast %get3A_129 : vector<1x16xf32> to vector<16xf32>
          %sub3A_131 = arith.subf %get3A_126, %get3A_130 : vector<16xf32>
          %swap3A_132 = arith.index_cast %scan3A_105 : i32 to index
          %swap3A_133 = arith.index_cast %mul3A_122 : i32 to index
          %swap3A_134 = tpu.vector_load %arg12[%swap3A_132, %swap3A_133] {strides = array<i32>} : memref<128x128xf32, #tpu.memory_space<vmem>>, vector<1x16xf32>,
          %swap3A_135 = vector.shape_cast %swap3A_134 : vector<1x16xf32> to vector<16xf32>
          %swap3A_136 = vector.shape_cast %sub3A_131 : vector<16xf32> to vector<1x16xf32>
          tpu.vector_store %arg12[%swap3A_132, %swap3A_133], %swap3A_136 {strides = array<i32>} : memref<128x128xf32, #tpu.memory_space<vmem>>, vector<1x16xf32>,
          %scan3A_137 = arith.constant 2 : i32
          %mul3A_138 = arith.constant 16 : i32
          %mul3A_139 = arith.muli %scan3A_137, %mul3A_138 : i32
          %get3A_140 = arith.index_cast %scan3A_105 : i32 to index
          %get3A_141 = arith.index_cast %mul3A_139 : i32 to index
          %get3A_142 = tpu.vector_load %arg8[%get3A_140, %get3A_141] {strides = array<i32>} : memref<128x128xf32, #tpu.memory_space<vmem>>, vector<1x16xf32>,
          %get3A_143 = vector.shape_cast %get3A_142 : vector<1x16xf32> to vector<16xf32>
          %get3A_144 = arith.index_cast %scan3A_105 : i32 to index
          %get3A_145 = arith.index_cast %mul3A_139 : i32 to index
          %get3A_146 = tpu.vector_load %arg10[%get3A_144, %get3A_145] {strides = array<i32>} : memref<128x128xf32, #tpu.memory_space<vmem>>, vector<1x16xf32>,
          %get3A_147 = vector.shape_cast %get3A_146 : vector<1x16xf32> to vector<16xf32>
          %sub3A_148 = arith.subf %get3A_143, %get3A_147 : vector<16xf32>
          %swap3A_149 = arith.index_cast %scan3A_105 : i32 to index
          %swap3A_150 = arith.index_cast %mul3A_139 : i32 to index
          %swap3A_151 = tpu.vector_load %arg12[%swap3A_149, %swap3A_150] {strides = array<i32>} : memref<128x128xf32, #tpu.memory_space<vmem>>, vector<1x16xf32>,
          %swap3A_152 = vector.shape_cast %swap3A_151 : vector<1x16xf32> to vector<16xf32>
          %swap3A_153 = vector.shape_cast %sub3A_148 : vector<16xf32> to vector<1x16xf32>
          tpu.vector_store %arg12[%swap3A_149, %swap3A_150], %swap3A_153 {strides = array<i32>} : memref<128x128xf32, #tpu.memory_space<vmem>>, vector<1x16xf32>,
          %scan3A_154 = arith.constant 3 : i32
          %mul3A_155 = arith.constant 16 : i32
          %mul3A_156 = arith.muli %scan3A_154, %mul3A_155 : i32
          %get3A_157 = arith.index_cast %scan3A_105 : i32 to index
          %get3A_158 = arith.index_cast %mul3A_156 : i32 to index
          %get3A_159 = tpu.vector_load %arg8[%get3A_157, %get3A_158] {strides = array<i32>} : memref<128x128xf32, #tpu.memory_space<vmem>>, vector<1x16xf32>,
          %get3A_160 = vector.shape_cast %get3A_159 : vector<1x16xf32> to vector<16xf32>
          %get3A_161 = arith.index_cast %scan3A_105 : i32 to index
          %get3A_162 = arith.index_cast %mul3A_156 : i32 to index
          %get3A_163 = tpu.vector_load %arg10[%get3A_161, %get3A_162] {strides = array<i32>} : memref<128x128xf32, #tpu.memory_space<vmem>>, vector<1x16xf32>,
          %get3A_164 = vector.shape_cast %get3A_163 : vector<1x16xf32> to vector<16xf32>
          %sub3A_165 = arith.subf %get3A_160, %get3A_164 : vector<16xf32>
          %swap3A_166 = arith.index_cast %scan3A_105 : i32 to index
          %swap3A_167 = arith.index_cast %mul3A_156 : i32 to index
          %swap3A_168 = tpu.vector_load %arg12[%swap3A_166, %swap3A_167] {strides = array<i32>} : memref<128x128xf32, #tpu.memory_space<vmem>>, vector<1x16xf32>,
          %swap3A_169 = vector.shape_cast %swap3A_168 : vector<1x16xf32> to vector<16xf32>
          %swap3A_170 = vector.shape_cast %sub3A_165 : vector<16xf32> to vector<1x16xf32>
          tpu.vector_store %arg12[%swap3A_166, %swap3A_167], %swap3A_170 {strides = array<i32>} : memref<128x128xf32, #tpu.memory_space<vmem>>, vector<1x16xf32>,
          %scan3A_171 = arith.constant 4 : i32
          %mul3A_172 = arith.constant 16 : i32
          %mul3A_173 = arith.muli %scan3A_171, %mul3A_172 : i32
          %get3A_174 = arith.index_cast %scan3A_105 : i32 to index
          %get3A_175 = arith.index_cast %mul3A_173 : i32 to index
          %get3A_176 = tpu.vector_load %arg8[%get3A_174, %get3A_175] {strides = array<i32>} : memref<128x128xf32, #tpu.memory_space<vmem>>, vector<1x16xf32>,
          %get3A_177 = vector.shape_cast %get3A_176 : vector<1x16xf32> to vector<16xf32>
          %get3A_178 = arith.index_cast %scan3A_105 : i32 to index
          %get3A_179 = arith.index_cast %mul3A_173 : i32 to index
          %get3A_180 = tpu.vector_load %arg10[%get3A_178, %get3A_179] {strides = array<i32>} : memref<128x128xf32, #tpu.memory_space<vmem>>, vector<1x16xf32>,
          %get3A_181 = vector.shape_cast %get3A_180 : vector<1x16xf32> to vector<16xf32>
          %sub3A_182 = arith.subf %get3A_177, %get3A_181 : vector<16xf32>
          %swap3A_183 = arith.index_cast %scan3A_105 : i32 to index
          %swap3A_184 = arith.index_cast %mul3A_173 : i32 to index
          %swap3A_185 = tpu.vector_load %arg12[%swap3A_183, %swap3A_184] {strides = array<i32>} : memref<128x128xf32, #tpu.memory_space<vmem>>, vector<1x16xf32>,
          %swap3A_186 = vector.shape_cast %swap3A_185 : vector<1x16xf32> to vector<16xf32>
          %swap3A_187 = vector.shape_cast %sub3A_182 : vector<16xf32> to vector<1x16xf32>
          tpu.vector_store %arg12[%swap3A_183, %swap3A_184], %swap3A_187 {strides = array<i32>} : memref<128x128xf32, #tpu.memory_space<vmem>>, vector<1x16xf32>,
          %scan3A_188 = arith.constant 5 : i32
          %mul3A_189 = arith.constant 16 : i32
          %mul3A_190 = arith.muli %scan3A_188, %mul3A_189 : i32
          %get3A_191 = arith.index_cast %scan3A_105 : i32 to index
          %get3A_192 = arith.index_cast %mul3A_190 : i32 to index
          %get3A_193 = tpu.vector_load %arg8[%get3A_191, %get3A_192] {strides = array<i32>} : memref<128x128xf32, #tpu.memory_space<vmem>>, vector<1x16xf32>,
          %get3A_194 = vector.shape_cast %get3A_193 : vector<1x16xf32> to vector<16xf32>
          %get3A_195 = arith.index_cast %scan3A_105 : i32 to index
          %get3A_196 = arith.index_cast %mul3A_190 : i32 to index
          %get3A_197 = tpu.vector_load %arg10[%get3A_195, %get3A_196] {strides = array<i32>} : memref<128x128xf32, #tpu.memory_space<vmem>>, vector<1x16xf32>,
          %get3A_198 = vector.shape_cast %get3A_197 : vector<1x16xf32> to vector<16xf32>
          %sub3A_199 = arith.subf %get3A_194, %get3A_198 : vector<16xf32>
          %swap3A_200 = arith.index_cast %scan3A_105 : i32 to index
          %swap3A_201 = arith.index_cast %mul3A_190 : i32 to index
          %swap3A_202 = tpu.vector_load %arg12[%swap3A_200, %swap3A_201] {strides = array<i32>} : memref<128x128xf32, #tpu.memory_space<vmem>>, vector<1x16xf32>,
          %swap3A_203 = vector.shape_cast %swap3A_202 : vector<1x16xf32> to vector<16xf32>
          %swap3A_204 = vector.shape_cast %sub3A_199 : vector<16xf32> to vector<1x16xf32>
          tpu.vector_store %arg12[%swap3A_200, %swap3A_201], %swap3A_204 {strides = array<i32>} : memref<128x128xf32, #tpu.memory_space<vmem>>, vector<1x16xf32>,
          %scan3A_205 = arith.constant 6 : i32
          %mul3A_206 = arith.constant 16 : i32
          %mul3A_207 = arith.muli %scan3A_205, %mul3A_206 : i32
          %get3A_208 = arith.index_cast %scan3A_105 : i32 to index
          %get3A_209 = arith.index_cast %mul3A_207 : i32 to index
          %get3A_210 = tpu.vector_load %arg8[%get3A_208, %get3A_209] {strides = array<i32>} : memref<128x128xf32, #tpu.memory_space<vmem>>, vector<1x16xf32>,
          %get3A_211 = vector.shape_cast %get3A_210 : vector<1x16xf32> to vector<16xf32>
          %get3A_212 = arith.index_cast %scan3A_105 : i32 to index
          %get3A_213 = arith.index_cast %mul3A_207 : i32 to index
          %get3A_214 = tpu.vector_load %arg10[%get3A_212, %get3A_213] {strides = array<i32>} : memref<128x128xf32, #tpu.memory_space<vmem>>, vector<1x16xf32>,
          %get3A_215 = vector.shape_cast %get3A_214 : vector<1x16xf32> to vector<16xf32>
          %sub3A_216 = arith.subf %get3A_211, %get3A_215 : vector<16xf32>
          %swap3A_217 = arith.index_cast %scan3A_105 : i32 to index
          %swap3A_218 = arith.index_cast %mul3A_207 : i32 to index
          %swap3A_219 = tpu.vector_load %arg12[%swap3A_217, %swap3A_218] {strides = array<i32>} : memref<128x128xf32, #tpu.memory_space<vmem>>, vector<1x16xf32>,
          %swap3A_220 = vector.shape_cast %swap3A_219 : vector<1x16xf32> to vector<16xf32>
          %swap3A_221 = vector.shape_cast %sub3A_216 : vector<16xf32> to vector<1x16xf32>
          tpu.vector_store %arg12[%swap3A_217, %swap3A_218], %swap3A_221 {strides = array<i32>} : memref<128x128xf32, #tpu.memory_space<vmem>>, vector<1x16xf32>,
          %scan3A_222 = arith.constant 7 : i32
          %mul3A_223 = arith.constant 16 : i32
          %mul3A_224 = arith.muli %scan3A_222, %mul3A_223 : i32
          %get3A_225 = arith.index_cast %scan3A_105 : i32 to index
          %get3A_226 = arith.index_cast %mul3A_224 : i32 to index
          %get3A_227 = tpu.vector_load %arg8[%get3A_225, %get3A_226] {strides = array<i32>} : memref<128x128xf32, #tpu.memory_space<vmem>>, vector<1x16xf32>,
          %get3A_228 = vector.shape_cast %get3A_227 : vector<1x16xf32> to vector<16xf32>
          %get3A_229 = arith.index_cast %scan3A_105 : i32 to index
          %get3A_230 = arith.index_cast %mul3A_224 : i32 to index
          %get3A_231 = tpu.vector_load %arg10[%get3A_229, %get3A_230] {strides = array<i32>} : memref<128x128xf32, #tpu.memory_space<vmem>>, vector<1x16xf32>,
          %get3A_232 = vector.shape_cast %get3A_231 : vector<1x16xf32> to vector<16xf32>
          %sub3A_233 = arith.subf %get3A_228, %get3A_232 : vector<16xf32>
          %swap3A_234 = arith.index_cast %scan3A_105 : i32 to index
          %swap3A_235 = arith.index_cast %mul3A_224 : i32 to index
          %swap3A_236 = tpu.vector_load %arg12[%swap3A_234, %swap3A_235] {strides = array<i32>} : memref<128x128xf32, #tpu.memory_space<vmem>>, vector<1x16xf32>,
          %swap3A_237 = vector.shape_cast %swap3A_236 : vector<1x16xf32> to vector<16xf32>
          %swap3A_238 = vector.shape_cast %sub3A_233 : vector<16xf32> to vector<1x16xf32>
          tpu.vector_store %arg12[%swap3A_234, %swap3A_235], %swap3A_238 {strides = array<i32>} : memref<128x128xf32, #tpu.memory_space<vmem>>, vector<1x16xf32>,
          %scan3A_239 = arith.constant 8 : i32
        }
        %scan3A_101 = arith.constant 128 : i32
        %dma_start3A = arith.constant 0 : i32
        %dma_start3A_102 = tpu.memref_slice %arg5[%mul3A_79, %dma_start3A] : memref<160000x128xf32, #tpu.memory_space<hbm>> -> memref<128x128xf32, #tpu.memory_space<hbm>>
        %dma_start3A_103 = arith.constant 0 : i32
        %dma_start3A_104 = tpu.memref_slice %arg5[%mul3A_79, %dma_start3A_103] : memref<160000x128xf32, #tpu.memory_space<hbm>> -> memref<128x128xf32, #tpu.memory_space<hbm>>
        tpu.enqueue_dma source(%arg12 : memref<128x128xf32, #tpu.memory_space<vmem>>) target(%dma_start3A_104 : memref<128x128xf32, #tpu.memory_space<hbm>>) target_semaphore(%arg18 : memref<!tpu.dma_semaphore, #tpu.memory_space<semaphore_mem>>)
      } else {
      }
      %add3A_52 = arith.constant 2 : i32
      %add3A_53 = arith.addi %add3A_27, %add3A_52 : i32
      %mul3A_54 = arith.constant 40 : i32
      %mul3A_55 = arith.muli %add3A, %mul3A_54 : i32
      %add3A_56 = arith.addi %mul3A_55, %add3A_53 : i32
      %lt3A_57 = arith.constant 40 : i32
      %lt3A_58 = arith.cmpi slt, %add3A_53, %lt3A_57 : i32
      %lt3A_59 = arith.constant 1250 : i32
      %lt3A_60 = arith.cmpi slt, %add3A_56, %lt3A_59 : i32
      %and3A_61 = arith.andi %lt3A_58, %lt3A_60 : i1
      %convert_element_type3A_62 = arith.extui %and3A_61 : i1 to i32
      %cond3A_63 = arith.constant 0 : i32
      %cond3A_64 = arith.cmpi ne, %convert_element_type3A_62, %cond3A_63 : i32
      scf.if %cond3A_64 {
        %dma_start3A = arith.constant 0 : i32
        %dma_start3A_78 = tpu.memref_slice %arg6[%add3A_53, %dma_start3A] : memref<40x128xi32, #tpu.memory_space<vmem>> -> memref<1x128xi32, #tpu.memory_space<vmem>>
        %dma_start3A_79 = tpu.memref_squeeze %dma_start3A_78 : memref<1x128xi32, #tpu.memory_space<vmem>> -> memref<128xi32, #tpu.memory_space<vmem>>
        %dma_start3A_80 = arith.constant 0 : i32
        %dma_start3A_81 = arith.constant 0 : i32
        %dma_start3A_82 = tpu.memref_slice %arg2[%dma_start3A_80, %dma_start3A_81] : memref<10000x128xf32, #tpu.memory_space<hbm>> -> memref<10000x128xf32, #tpu.memory_space<hbm>>
        tpu.enqueue_indirect_dma source(%dma_start3A_82 : memref<10000x128xf32, #tpu.memory_space<hbm>>) target(%arg8 : memref<128x128xf32, #tpu.memory_space<vmem>>) offsets(%dma_start3A_79 : memref<128xi32, #tpu.memory_space<vmem>>) semaphore(%arg14 : memref<!tpu.dma_semaphore, #tpu.memory_space<semaphore_mem>>)
        %dma_start3A_83 = arith.constant 0 : i32
        %dma_start3A_84 = tpu.memref_slice %arg7[%add3A_53, %dma_start3A_83] : memref<40x128xi32, #tpu.memory_space<vmem>> -> memref<1x128xi32, #tpu.memory_space<vmem>>
        %dma_start3A_85 = tpu.memref_squeeze %dma_start3A_84 : memref<1x128xi32, #tpu.memory_space<vmem>> -> memref<128xi32, #tpu.memory_space<vmem>>
        %dma_start3A_86 = arith.constant 0 : i32
        %dma_start3A_87 = arith.constant 0 : i32
        %dma_start3A_88 = tpu.memref_slice %arg2[%dma_start3A_86, %dma_start3A_87] : memref<10000x128xf32, #tpu.memory_space<hbm>> -> memref<10000x128xf32, #tpu.memory_space<hbm>>
        tpu.enqueue_indirect_dma source(%dma_start3A_88 : memref<10000x128xf32, #tpu.memory_space<hbm>>) target(%arg10 : memref<128x128xf32, #tpu.memory_space<vmem>>) offsets(%dma_start3A_85 : memref<128xi32, #tpu.memory_space<vmem>>) semaphore(%arg16 : memref<!tpu.dma_semaphore, #tpu.memory_space<semaphore_mem>>)
      } else {
      }
      %add3A_65 = arith.constant 1 : i32
      %add3A_66 = arith.addi %add3A_27, %add3A_65 : i32
      %mul3A_67 = arith.constant 40 : i32
      %mul3A_68 = arith.muli %add3A, %mul3A_67 : i32
      %add3A_69 = arith.addi %mul3A_68, %add3A_66 : i32
      %lt3A_70 = arith.constant 40 : i32
      %lt3A_71 = arith.cmpi slt, %add3A_66, %lt3A_70 : i32
      %lt3A_72 = arith.constant 1250 : i32
      %lt3A_73 = arith.cmpi slt, %add3A_69, %lt3A_72 : i32
      %and3A_74 = arith.andi %lt3A_71, %lt3A_73 : i1
      %convert_element_type3A_75 = arith.extui %and3A_74 : i1 to i32
      %cond3A_76 = arith.constant 0 : i32
      %cond3A_77 = arith.cmpi ne, %convert_element_type3A_75, %cond3A_76 : i32
      scf.if %cond3A_77 {
        %mul3A_78 = arith.constant 128 : i32
        %mul3A_79 = arith.muli %add3A_69, %mul3A_78 : i32
        %dma_wait3A_80 = arith.constant 0 : i32
        %dma_wait3A_81 = tpu.memref_slice %arg6[%add3A_66, %dma_wait3A_80] : memref<40x128xi32, #tpu.memory_space<vmem>> -> memref<1x128xi32, #tpu.memory_space<vmem>>
        %dma_wait3A_82 = tpu.memref_squeeze %dma_wait3A_81 : memref<1x128xi32, #tpu.memory_space<vmem>> -> memref<128xi32, #tpu.memory_space<vmem>>
        %dma_wait3A_83 = arith.constant 0 : i32
        %dma_wait3A_84 = arith.constant 0 : i32
        %dma_wait3A_85 = tpu.memref_slice %arg2[%dma_wait3A_83, %dma_wait3A_84] : memref<10000x128xf32, #tpu.memory_space<hbm>> -> memref<10000x128xf32, #tpu.memory_space<hbm>>
        tpu.wait_indirect_dma semaphore(%arg15 : memref<!tpu.dma_semaphore, #tpu.memory_space<semaphore_mem>>) src(%dma_wait3A_85 : memref<10000x128xf32, #tpu.memory_space<hbm>>) dst(%arg9 : memref<128x128xf32, #tpu.memory_space<vmem>>)
        %dma_wait3A_86 = arith.constant 0 : i32
        %dma_wait3A_87 = tpu.memref_slice %arg7[%add3A_66, %dma_wait3A_86] : memref<40x128xi32, #tpu.memory_space<vmem>> -> memref<1x128xi32, #tpu.memory_space<vmem>>
        %dma_wait3A_88 = tpu.memref_squeeze %dma_wait3A_87 : memref<1x128xi32, #tpu.memory_space<vmem>> -> memref<128xi32, #tpu.memory_space<vmem>>
        %dma_wait3A_89 = arith.constant 0 : i32
        %dma_wait3A_90 = arith.constant 0 : i32
        %dma_wait3A_91 = tpu.memref_slice %arg2[%dma_wait3A_89, %dma_wait3A_90] : memref<10000x128xf32, #tpu.memory_space<hbm>> -> memref<10000x128xf32, #tpu.memory_space<hbm>>
        tpu.wait_indirect_dma semaphore(%arg17 : memref<!tpu.dma_semaphore, #tpu.memory_space<semaphore_mem>>) src(%dma_wait3A_91 : memref<10000x128xf32, #tpu.memory_space<hbm>>) dst(%arg11 : memref<128x128xf32, #tpu.memory_space<vmem>>)
        %ge3A = arith.constant 2 : i32
        %ge3A_92 = arith.cmpi sge, %add3A_66, %ge3A : i32
        %convert_element_type3A_93 = arith.extui %ge3A_92 : i1 to i32
        %cond3A_94 = arith.constant 0 : i32
        %cond3A_95 = arith.cmpi ne, %convert_element_type3A_93, %cond3A_94 : i32
        scf.if %cond3A_95 {
          %dma_wait3A_105 = arith.constant 0 : i32
          %dma_wait3A_106 = arith.constant 0 : i32
          %dma_wait3A_107 = tpu.memref_slice %arg5[%dma_wait3A_105, %dma_wait3A_106] : memref<160000x128xf32, #tpu.memory_space<hbm>> -> memref<128x128xf32, #tpu.memory_space<hbm>>
          %dma_wait3A_108 = arith.constant 0 : i32
          %dma_wait3A_109 = arith.constant 0 : i32
          %dma_wait3A_110 = tpu.memref_slice %arg5[%dma_wait3A_108, %dma_wait3A_109] : memref<160000x128xf32, #tpu.memory_space<hbm>> -> memref<128x128xf32, #tpu.memory_space<hbm>>
          tpu.wait_dma2 semaphore(%arg19 : memref<!tpu.dma_semaphore, #tpu.memory_space<semaphore_mem>>) src(%arg13 : memref<128x128xf32, #tpu.memory_space<vmem>>) dst(%dma_wait3A_110 : memref<128x128xf32, #tpu.memory_space<hbm>>)
        } else {
        }
        %scan3A_96 = arith.constant 0 : i32
        %scan3A_97 = arith.constant 0 : i32
        %scan3A_98 = arith.constant 128 : i32
        %scan3A_99 = arith.addi %scan3A_97, %scan3A_98 : i32
        %scan3A_100 = arith.constant 1 : i32
        scf.for %scan3A_105 = %scan3A_97 to %scan3A_99 step %scan3A_100  : i32 {
          %scan3A_106 = arith.constant 0 : i32
          %mul3A_107 = arith.constant 16 : i32
          %mul3A_108 = arith.muli %scan3A_106, %mul3A_107 : i32
          %get3A = arith.index_cast %scan3A_105 : i32 to index
          %get3A_109 = arith.index_cast %mul3A_108 : i32 to index
          %get3A_110 = tpu.vector_load %arg9[%get3A, %get3A_109] {strides = array<i32>} : memref<128x128xf32, #tpu.memory_space<vmem>>, vector<1x16xf32>,
          %get3A_111 = vector.shape_cast %get3A_110 : vector<1x16xf32> to vector<16xf32>
          %get3A_112 = arith.index_cast %scan3A_105 : i32 to index
          %get3A_113 = arith.index_cast %mul3A_108 : i32 to index
          %get3A_114 = tpu.vector_load %arg11[%get3A_112, %get3A_113] {strides = array<i32>} : memref<128x128xf32, #tpu.memory_space<vmem>>, vector<1x16xf32>,
          %get3A_115 = vector.shape_cast %get3A_114 : vector<1x16xf32> to vector<16xf32>
          %sub3A = arith.subf %get3A_111, %get3A_115 : vector<16xf32>
          %swap3A = arith.index_cast %scan3A_105 : i32 to index
          %swap3A_116 = arith.index_cast %mul3A_108 : i32 to index
          %swap3A_117 = tpu.vector_load %arg13[%swap3A, %swap3A_116] {strides = array<i32>} : memref<128x128xf32, #tpu.memory_space<vmem>>, vector<1x16xf32>,
          %swap3A_118 = vector.shape_cast %swap3A_117 : vector<1x16xf32> to vector<16xf32>
          %swap3A_119 = vector.shape_cast %sub3A : vector<16xf32> to vector<1x16xf32>
          tpu.vector_store %arg13[%swap3A, %swap3A_116], %swap3A_119 {strides = array<i32>} : memref<128x128xf32, #tpu.memory_space<vmem>>, vector<1x16xf32>,
          %scan3A_120 = arith.constant 1 : i32
          %mul3A_121 = arith.constant 16 : i32
          %mul3A_122 = arith.muli %scan3A_120, %mul3A_121 : i32
          %get3A_123 = arith.index_cast %scan3A_105 : i32 to index
          %get3A_124 = arith.index_cast %mul3A_122 : i32 to index
          %get3A_125 = tpu.vector_load %arg9[%get3A_123, %get3A_124] {strides = array<i32>} : memref<128x128xf32, #tpu.memory_space<vmem>>, vector<1x16xf32>,
          %get3A_126 = vector.shape_cast %get3A_125 : vector<1x16xf32> to vector<16xf32>
          %get3A_127 = arith.index_cast %scan3A_105 : i32 to index
          %get3A_128 = arith.index_cast %mul3A_122 : i32 to index
          %get3A_129 = tpu.vector_load %arg11[%get3A_127, %get3A_128] {strides = array<i32>} : memref<128x128xf32, #tpu.memory_space<vmem>>, vector<1x16xf32>,
          %get3A_130 = vector.shape_cast %get3A_129 : vector<1x16xf32> to vector<16xf32>
          %sub3A_131 = arith.subf %get3A_126, %get3A_130 : vector<16xf32>
          %swap3A_132 = arith.index_cast %scan3A_105 : i32 to index
          %swap3A_133 = arith.index_cast %mul3A_122 : i32 to index
          %swap3A_134 = tpu.vector_load %arg13[%swap3A_132, %swap3A_133] {strides = array<i32>} : memref<128x128xf32, #tpu.memory_space<vmem>>, vector<1x16xf32>,
          %swap3A_135 = vector.shape_cast %swap3A_134 : vector<1x16xf32> to vector<16xf32>
          %swap3A_136 = vector.shape_cast %sub3A_131 : vector<16xf32> to vector<1x16xf32>
          tpu.vector_store %arg13[%swap3A_132, %swap3A_133], %swap3A_136 {strides = array<i32>} : memref<128x128xf32, #tpu.memory_space<vmem>>, vector<1x16xf32>,
          %scan3A_137 = arith.constant 2 : i32
          %mul3A_138 = arith.constant 16 : i32
          %mul3A_139 = arith.muli %scan3A_137, %mul3A_138 : i32
          %get3A_140 = arith.index_cast %scan3A_105 : i32 to index
          %get3A_141 = arith.index_cast %mul3A_139 : i32 to index
          %get3A_142 = tpu.vector_load %arg9[%get3A_140, %get3A_141] {strides = array<i32>} : memref<128x128xf32, #tpu.memory_space<vmem>>, vector<1x16xf32>,
          %get3A_143 = vector.shape_cast %get3A_142 : vector<1x16xf32> to vector<16xf32>
          %get3A_144 = arith.index_cast %scan3A_105 : i32 to index
          %get3A_145 = arith.index_cast %mul3A_139 : i32 to index
          %get3A_146 = tpu.vector_load %arg11[%get3A_144, %get3A_145] {strides = array<i32>} : memref<128x128xf32, #tpu.memory_space<vmem>>, vector<1x16xf32>,
          %get3A_147 = vector.shape_cast %get3A_146 : vector<1x16xf32> to vector<16xf32>
          %sub3A_148 = arith.subf %get3A_143, %get3A_147 : vector<16xf32>
          %swap3A_149 = arith.index_cast %scan3A_105 : i32 to index
          %swap3A_150 = arith.index_cast %mul3A_139 : i32 to index
          %swap3A_151 = tpu.vector_load %arg13[%swap3A_149, %swap3A_150] {strides = array<i32>} : memref<128x128xf32, #tpu.memory_space<vmem>>, vector<1x16xf32>,
          %swap3A_152 = vector.shape_cast %swap3A_151 : vector<1x16xf32> to vector<16xf32>
          %swap3A_153 = vector.shape_cast %sub3A_148 : vector<16xf32> to vector<1x16xf32>
          tpu.vector_store %arg13[%swap3A_149, %swap3A_150], %swap3A_153 {strides = array<i32>} : memref<128x128xf32, #tpu.memory_space<vmem>>, vector<1x16xf32>,
          %scan3A_154 = arith.constant 3 : i32
          %mul3A_155 = arith.constant 16 : i32
          %mul3A_156 = arith.muli %scan3A_154, %mul3A_155 : i32
          %get3A_157 = arith.index_cast %scan3A_105 : i32 to index
          %get3A_158 = arith.index_cast %mul3A_156 : i32 to index
          %get3A_159 = tpu.vector_load %arg9[%get3A_157, %get3A_158] {strides = array<i32>} : memref<128x128xf32, #tpu.memory_space<vmem>>, vector<1x16xf32>,
          %get3A_160 = vector.shape_cast %get3A_159 : vector<1x16xf32> to vector<16xf32>
          %get3A_161 = arith.index_cast %scan3A_105 : i32 to index
          %get3A_162 = arith.index_cast %mul3A_156 : i32 to index
          %get3A_163 = tpu.vector_load %arg11[%get3A_161, %get3A_162] {strides = array<i32>} : memref<128x128xf32, #tpu.memory_space<vmem>>, vector<1x16xf32>,
          %get3A_164 = vector.shape_cast %get3A_163 : vector<1x16xf32> to vector<16xf32>
          %sub3A_165 = arith.subf %get3A_160, %get3A_164 : vector<16xf32>
          %swap3A_166 = arith.index_cast %scan3A_105 : i32 to index
          %swap3A_167 = arith.index_cast %mul3A_156 : i32 to index
          %swap3A_168 = tpu.vector_load %arg13[%swap3A_166, %swap3A_167] {strides = array<i32>} : memref<128x128xf32, #tpu.memory_space<vmem>>, vector<1x16xf32>,
          %swap3A_169 = vector.shape_cast %swap3A_168 : vector<1x16xf32> to vector<16xf32>
          %swap3A_170 = vector.shape_cast %sub3A_165 : vector<16xf32> to vector<1x16xf32>
          tpu.vector_store %arg13[%swap3A_166, %swap3A_167], %swap3A_170 {strides = array<i32>} : memref<128x128xf32, #tpu.memory_space<vmem>>, vector<1x16xf32>,
          %scan3A_171 = arith.constant 4 : i32
          %mul3A_172 = arith.constant 16 : i32
          %mul3A_173 = arith.muli %scan3A_171, %mul3A_172 : i32
          %get3A_174 = arith.index_cast %scan3A_105 : i32 to index
          %get3A_175 = arith.index_cast %mul3A_173 : i32 to index
          %get3A_176 = tpu.vector_load %arg9[%get3A_174, %get3A_175] {strides = array<i32>} : memref<128x128xf32, #tpu.memory_space<vmem>>, vector<1x16xf32>,
          %get3A_177 = vector.shape_cast %get3A_176 : vector<1x16xf32> to vector<16xf32>
          %get3A_178 = arith.index_cast %scan3A_105 : i32 to index
          %get3A_179 = arith.index_cast %mul3A_173 : i32 to index
          %get3A_180 = tpu.vector_load %arg11[%get3A_178, %get3A_179] {strides = array<i32>} : memref<128x128xf32, #tpu.memory_space<vmem>>, vector<1x16xf32>,
          %get3A_181 = vector.shape_cast %get3A_180 : vector<1x16xf32> to vector<16xf32>
          %sub3A_182 = arith.subf %get3A_177, %get3A_181 : vector<16xf32>
          %swap3A_183 = arith.index_cast %scan3A_105 : i32 to index
          %swap3A_184 = arith.index_cast %mul3A_173 : i32 to index
          %swap3A_185 = tpu.vector_load %arg13[%swap3A_183, %swap3A_184] {strides = array<i32>} : memref<128x128xf32, #tpu.memory_space<vmem>>, vector<1x16xf32>,
          %swap3A_186 = vector.shape_cast %swap3A_185 : vector<1x16xf32> to vector<16xf32>
          %swap3A_187 = vector.shape_cast %sub3A_182 : vector<16xf32> to vector<1x16xf32>
          tpu.vector_store %arg13[%swap3A_183, %swap3A_184], %swap3A_187 {strides = array<i32>} : memref<128x128xf32, #tpu.memory_space<vmem>>, vector<1x16xf32>,
          %scan3A_188 = arith.constant 5 : i32
          %mul3A_189 = arith.constant 16 : i32
          %mul3A_190 = arith.muli %scan3A_188, %mul3A_189 : i32
          %get3A_191 = arith.index_cast %scan3A_105 : i32 to index
          %get3A_192 = arith.index_cast %mul3A_190 : i32 to index
          %get3A_193 = tpu.vector_load %arg9[%get3A_191, %get3A_192] {strides = array<i32>} : memref<128x128xf32, #tpu.memory_space<vmem>>, vector<1x16xf32>,
          %get3A_194 = vector.shape_cast %get3A_193 : vector<1x16xf32> to vector<16xf32>
          %get3A_195 = arith.index_cast %scan3A_105 : i32 to index
          %get3A_196 = arith.index_cast %mul3A_190 : i32 to index
          %get3A_197 = tpu.vector_load %arg11[%get3A_195, %get3A_196] {strides = array<i32>} : memref<128x128xf32, #tpu.memory_space<vmem>>, vector<1x16xf32>,
          %get3A_198 = vector.shape_cast %get3A_197 : vector<1x16xf32> to vector<16xf32>
          %sub3A_199 = arith.subf %get3A_194, %get3A_198 : vector<16xf32>
          %swap3A_200 = arith.index_cast %scan3A_105 : i32 to index
          %swap3A_201 = arith.index_cast %mul3A_190 : i32 to index
          %swap3A_202 = tpu.vector_load %arg13[%swap3A_200, %swap3A_201] {strides = array<i32>} : memref<128x128xf32, #tpu.memory_space<vmem>>, vector<1x16xf32>,
          %swap3A_203 = vector.shape_cast %swap3A_202 : vector<1x16xf32> to vector<16xf32>
          %swap3A_204 = vector.shape_cast %sub3A_199 : vector<16xf32> to vector<1x16xf32>
          tpu.vector_store %arg13[%swap3A_200, %swap3A_201], %swap3A_204 {strides = array<i32>} : memref<128x128xf32, #tpu.memory_space<vmem>>, vector<1x16xf32>,
          %scan3A_205 = arith.constant 6 : i32
          %mul3A_206 = arith.constant 16 : i32
          %mul3A_207 = arith.muli %scan3A_205, %mul3A_206 : i32
          %get3A_208 = arith.index_cast %scan3A_105 : i32 to index
          %get3A_209 = arith.index_cast %mul3A_207 : i32 to index
          %get3A_210 = tpu.vector_load %arg9[%get3A_208, %get3A_209] {strides = array<i32>} : memref<128x128xf32, #tpu.memory_space<vmem>>, vector<1x16xf32>,
          %get3A_211 = vector.shape_cast %get3A_210 : vector<1x16xf32> to vector<16xf32>
          %get3A_212 = arith.index_cast %scan3A_105 : i32 to index
          %get3A_213 = arith.index_cast %mul3A_207 : i32 to index
          %get3A_214 = tpu.vector_load %arg11[%get3A_212, %get3A_213] {strides = array<i32>} : memref<128x128xf32, #tpu.memory_space<vmem>>, vector<1x16xf32>,
          %get3A_215 = vector.shape_cast %get3A_214 : vector<1x16xf32> to vector<16xf32>
          %sub3A_216 = arith.subf %get3A_211, %get3A_215 : vector<16xf32>
          %swap3A_217 = arith.index_cast %scan3A_105 : i32 to index
          %swap3A_218 = arith.index_cast %mul3A_207 : i32 to index
          %swap3A_219 = tpu.vector_load %arg13[%swap3A_217, %swap3A_218] {strides = array<i32>} : memref<128x128xf32, #tpu.memory_space<vmem>>, vector<1x16xf32>,
          %swap3A_220 = vector.shape_cast %swap3A_219 : vector<1x16xf32> to vector<16xf32>
          %swap3A_221 = vector.shape_cast %sub3A_216 : vector<16xf32> to vector<1x16xf32>
          tpu.vector_store %arg13[%swap3A_217, %swap3A_218], %swap3A_221 {strides = array<i32>} : memref<128x128xf32, #tpu.memory_space<vmem>>, vector<1x16xf32>,
          %scan3A_222 = arith.constant 7 : i32
          %mul3A_223 = arith.constant 16 : i32
          %mul3A_224 = arith.muli %scan3A_222, %mul3A_223 : i32
          %get3A_225 = arith.index_cast %scan3A_105 : i32 to index
          %get3A_226 = arith.index_cast %mul3A_224 : i32 to index
          %get3A_227 = tpu.vector_load %arg9[%get3A_225, %get3A_226] {strides = array<i32>} : memref<128x128xf32, #tpu.memory_space<vmem>>, vector<1x16xf32>,
          %get3A_228 = vector.shape_cast %get3A_227 : vector<1x16xf32> to vector<16xf32>
          %get3A_229 = arith.index_cast %scan3A_105 : i32 to index
          %get3A_230 = arith.index_cast %mul3A_224 : i32 to index
          %get3A_231 = tpu.vector_load %arg11[%get3A_229, %get3A_230] {strides = array<i32>} : memref<128x128xf32, #tpu.memory_space<vmem>>, vector<1x16xf32>,
          %get3A_232 = vector.shape_cast %get3A_231 : vector<1x16xf32> to vector<16xf32>
          %sub3A_233 = arith.subf %get3A_228, %get3A_232 : vector<16xf32>
          %swap3A_234 = arith.index_cast %scan3A_105 : i32 to index
          %swap3A_235 = arith.index_cast %mul3A_224 : i32 to index
          %swap3A_236 = tpu.vector_load %arg13[%swap3A_234, %swap3A_235] {strides = array<i32>} : memref<128x128xf32, #tpu.memory_space<vmem>>, vector<1x16xf32>,
          %swap3A_237 = vector.shape_cast %swap3A_236 : vector<1x16xf32> to vector<16xf32>
          %swap3A_238 = vector.shape_cast %sub3A_233 : vector<16xf32> to vector<1x16xf32>
          tpu.vector_store %arg13[%swap3A_234, %swap3A_235], %swap3A_238 {strides = array<i32>} : memref<128x128xf32, #tpu.memory_space<vmem>>, vector<1x16xf32>,
          %scan3A_239 = arith.constant 8 : i32
        }
        %scan3A_101 = arith.constant 128 : i32
        %dma_start3A = arith.constant 0 : i32
        %dma_start3A_102 = tpu.memref_slice %arg5[%mul3A_79, %dma_start3A] : memref<160000x128xf32, #tpu.memory_space<hbm>> -> memref<128x128xf32, #tpu.memory_space<hbm>>
        %dma_start3A_103 = arith.constant 0 : i32
        %dma_start3A_104 = tpu.memref_slice %arg5[%mul3A_79, %dma_start3A_103] : memref<160000x128xf32, #tpu.memory_space<hbm>> -> memref<128x128xf32, #tpu.memory_space<hbm>>
        tpu.enqueue_dma source(%arg13 : memref<128x128xf32, #tpu.memory_space<vmem>>) target(%dma_start3A_104 : memref<128x128xf32, #tpu.memory_space<hbm>>) target_semaphore(%arg19 : memref<!tpu.dma_semaphore, #tpu.memory_space<semaphore_mem>>)
      } else {
      }
    }
    %scan3A_11 = arith.constant 21 : i32
    %dma_wait3A = arith.constant 0 : i32
    %dma_wait3A_12 = arith.constant 0 : i32
    %dma_wait3A_13 = tpu.memref_slice %arg5[%dma_wait3A, %dma_wait3A_12] : memref<160000x128xf32, #tpu.memory_space<hbm>> -> memref<128x128xf32, #tpu.memory_space<hbm>>
    %dma_wait3A_14 = arith.constant 0 : i32
    %dma_wait3A_15 = arith.constant 0 : i32
    %dma_wait3A_16 = tpu.memref_slice %arg5[%dma_wait3A_14, %dma_wait3A_15] : memref<160000x128xf32, #tpu.memory_space<hbm>> -> memref<128x128xf32, #tpu.memory_space<hbm>>
    tpu.wait_dma2 semaphore(%arg18 : memref<!tpu.dma_semaphore, #tpu.memory_space<semaphore_mem>>) src(%arg12 : memref<128x128xf32, #tpu.memory_space<vmem>>) dst(%dma_wait3A_16 : memref<128x128xf32, #tpu.memory_space<hbm>>)
    %dma_wait3A_17 = arith.constant 0 : i32
    %dma_wait3A_18 = arith.constant 0 : i32
    %dma_wait3A_19 = tpu.memref_slice %arg5[%dma_wait3A_17, %dma_wait3A_18] : memref<160000x128xf32, #tpu.memory_space<hbm>> -> memref<128x128xf32, #tpu.memory_space<hbm>>
    %dma_wait3A_20 = arith.constant 0 : i32
    %dma_wait3A_21 = arith.constant 0 : i32
    %dma_wait3A_22 = tpu.memref_slice %arg5[%dma_wait3A_20, %dma_wait3A_21] : memref<160000x128xf32, #tpu.memory_space<hbm>> -> memref<128x128xf32, #tpu.memory_space<hbm>>
    tpu.wait_dma2 semaphore(%arg19 : memref<!tpu.dma_semaphore, #tpu.memory_space<semaphore_mem>>) src(%arg13 : memref<128x128xf32, #tpu.memory_space<vmem>>) dst(%dma_wait3A_22 : memref<128x128xf32, #tpu.memory_space<hbm>>)
    return
  }
}

#map = affine_map<(d0, d1) -> (0, 0)>
#map1 = affine_map<(d0, d1) -> (0)>
#map2 = affine_map<(d0, d1) -> (0, 0, 0)>
module attributes {stable_mosaic.version = 14 : i64} {
  func.func @scatter_add(%arg0: i32, %arg1: i32, %arg2: memref<160000x128xf32, #tpu.memory_space<hbm>>, %arg3: memref<160000xi32, #tpu.memory_space<hbm>>, %arg4: memref<640x128xf32, #tpu.memory_space<hbm>>, %arg5: memref<2x10240x128xf32, #tpu.memory_space<hbm>>, %arg6: memref<128xi32, #tpu.memory_space<vmem>>, %arg7: memref<128xi32, #tpu.memory_space<vmem>>, %arg8: memref<128x128xf32, #tpu.memory_space<vmem>>, %arg9: memref<128x128xf32, #tpu.memory_space<vmem>>, %arg10: memref<!tpu.dma_semaphore, #tpu.memory_space<semaphore_mem>>, %arg11: memref<!tpu.dma_semaphore, #tpu.memory_space<semaphore_mem>>, %arg12: memref<!tpu.dma_semaphore, #tpu.memory_space<semaphore_mem>>, %arg13: memref<!tpu.dma_semaphore, #tpu.memory_space<semaphore_mem>>, %arg14: memref<10240x128xf32, #tpu.memory_space<vmem_shared>>) attributes {dimension_semantics = [#tpu.dimension_semantics<core_parallel>, #tpu.dimension_semantics<subcore_parallel>], iteration_bounds = array<i64: 2, 16>, scalar_prefetch = 0 : i64, scratch_operands = 9 : i64, tpu.core_type = #tpu.core_type<sc_vector_subcore>, window_params = [{transform_indices = #map}, {transform_indices = #map1}, {transform_indices = #map}, {transform_indices = #map2}]} {
    %mul3A = arith.constant 2 : i32
    %mul3A_0 = arith.muli %arg1, %mul3A : i32
    %add3A = arith.addi %mul3A_0, %arg0 : i32
    %mul3A_1 = arith.constant 640 : i32
    %mul3A_2 = arith.muli %arg1, %mul3A_1 : i32
    "tpu.region"() ({
      %run_scoped3A = tpu.sem_alloc : memref<!tpu.dma_semaphore, #tpu.memory_space<semaphore_mem>>
      %dma_start3A = arith.constant 0 : i32
      %dma_start3A_12 = tpu.memref_slice %arg14[%mul3A_2, %dma_start3A] : memref<10240x128xf32, #tpu.memory_space<vmem_shared>> -> memref<640x128xf32, #tpu.memory_space<vmem_shared>>
      tpu.enqueue_dma source(%arg4 : memref<640x128xf32, #tpu.memory_space<hbm>>) target(%dma_start3A_12 : memref<640x128xf32, #tpu.memory_space<vmem_shared>>) target_semaphore(%run_scoped3A : memref<!tpu.dma_semaphore, #tpu.memory_space<semaphore_mem>>)
      %dma_wait3A = arith.constant 0 : i32
      %dma_wait3A_13 = tpu.memref_slice %arg14[%mul3A_2, %dma_wait3A] : memref<10240x128xf32, #tpu.memory_space<vmem_shared>> -> memref<640x128xf32, #tpu.memory_space<vmem_shared>>
      tpu.wait_dma2 semaphore(%run_scoped3A : memref<!tpu.dma_semaphore, #tpu.memory_space<semaphore_mem>>) src(%arg4 : memref<640x128xf32, #tpu.memory_space<hbm>>) dst(%dma_wait3A_13 : memref<640x128xf32, #tpu.memory_space<vmem_shared>>)
      tpu.yield
    }) : () -> ()
    %barrier3A = arith.constant 0 : index
    tpu.barrier barrier_id(%barrier3A)
    %add3A_3 = arith.constant 0 : i32
    %add3A_4 = arith.addi %add3A, %add3A_3 : i32
    %lt3A = arith.constant 1250 : i32
    %lt3A_5 = arith.cmpi slt, %add3A_4, %lt3A : i32
    %convert_element_type3A = arith.extui %lt3A_5 : i1 to i32
    %cond3A = arith.constant 0 : i32
    %cond3A_6 = arith.cmpi ne, %convert_element_type3A, %cond3A : i32
    scf.if %cond3A_6 {
      %mul3A_12 = arith.constant 128 : i32
      %mul3A_13 = arith.muli %add3A_4, %mul3A_12 : i32
      %dma_start3A = tpu.memref_slice %arg3[%mul3A_13] : memref<160000xi32, #tpu.memory_space<hbm>> -> memref<128xi32, #tpu.memory_space<hbm>>
      %dma_start3A_14 = tpu.memref_slice %arg3[%mul3A_13] : memref<160000xi32, #tpu.memory_space<hbm>> -> memref<128xi32, #tpu.memory_space<hbm>>
      tpu.enqueue_dma source(%dma_start3A_14 : memref<128xi32, #tpu.memory_space<hbm>>) target(%arg6 : memref<128xi32, #tpu.memory_space<vmem>>) target_semaphore(%arg10 : memref<!tpu.dma_semaphore, #tpu.memory_space<semaphore_mem>>)
      %dma_start3A_15 = arith.constant 0 : i32
      %dma_start3A_16 = tpu.memref_slice %arg2[%mul3A_13, %dma_start3A_15] : memref<160000x128xf32, #tpu.memory_space<hbm>> -> memref<128x128xf32, #tpu.memory_space<hbm>>
      %dma_start3A_17 = arith.constant 0 : i32
      %dma_start3A_18 = tpu.memref_slice %arg2[%mul3A_13, %dma_start3A_17] : memref<160000x128xf32, #tpu.memory_space<hbm>> -> memref<128x128xf32, #tpu.memory_space<hbm>>
      tpu.enqueue_dma source(%dma_start3A_18 : memref<128x128xf32, #tpu.memory_space<hbm>>) target(%arg8 : memref<128x128xf32, #tpu.memory_space<vmem>>) target_semaphore(%arg12 : memref<!tpu.dma_semaphore, #tpu.memory_space<semaphore_mem>>)
    } else {
    }
    %scan3A = arith.constant 0 : i32
    %scan3A_7 = arith.constant 21 : i32
    %scan3A_8 = arith.addi %scan3A, %scan3A_7 : i32
    %scan3A_9 = arith.constant 1 : i32
    scf.for %scan3A_12 = %scan3A to %scan3A_8 step %scan3A_9  : i32 {
      %mul3A_13 = arith.constant 2 : i32
      %mul3A_14 = arith.muli %scan3A_12, %mul3A_13 : i32
      %add3A_15 = arith.constant 0 : i32
      %add3A_16 = arith.addi %add3A_15, %mul3A_14 : i32
      %add3A_17 = arith.constant 1 : i32
      %add3A_18 = arith.addi %add3A_16, %add3A_17 : i32
      %mul3A_19 = arith.constant 32 : i32
      %mul3A_20 = arith.muli %add3A_18, %mul3A_19 : i32
      %add3A_21 = arith.addi %add3A, %mul3A_20 : i32
      %lt3A_22 = arith.constant 1250 : i32
      %lt3A_23 = arith.cmpi slt, %add3A_21, %lt3A_22 : i32
      %convert_element_type3A_24 = arith.extui %lt3A_23 : i1 to i32
      %cond3A_25 = arith.constant 0 : i32
      %cond3A_26 = arith.cmpi ne, %convert_element_type3A_24, %cond3A_25 : i32
      scf.if %cond3A_26 {
        %mul3A_55 = arith.constant 128 : i32
        %mul3A_56 = arith.muli %add3A_21, %mul3A_55 : i32
        %dma_start3A = tpu.memref_slice %arg3[%mul3A_56] : memref<160000xi32, #tpu.memory_space<hbm>> -> memref<128xi32, #tpu.memory_space<hbm>>
        %dma_start3A_57 = tpu.memref_slice %arg3[%mul3A_56] : memref<160000xi32, #tpu.memory_space<hbm>> -> memref<128xi32, #tpu.memory_space<hbm>>
        tpu.enqueue_dma source(%dma_start3A_57 : memref<128xi32, #tpu.memory_space<hbm>>) target(%arg7 : memref<128xi32, #tpu.memory_space<vmem>>) target_semaphore(%arg11 : memref<!tpu.dma_semaphore, #tpu.memory_space<semaphore_mem>>)
        %dma_start3A_58 = arith.constant 0 : i32
        %dma_start3A_59 = tpu.memref_slice %arg2[%mul3A_56, %dma_start3A_58] : memref<160000x128xf32, #tpu.memory_space<hbm>> -> memref<128x128xf32, #tpu.memory_space<hbm>>
        %dma_start3A_60 = arith.constant 0 : i32
        %dma_start3A_61 = tpu.memref_slice %arg2[%mul3A_56, %dma_start3A_60] : memref<160000x128xf32, #tpu.memory_space<hbm>> -> memref<128x128xf32, #tpu.memory_space<hbm>>
        tpu.enqueue_dma source(%dma_start3A_61 : memref<128x128xf32, #tpu.memory_space<hbm>>) target(%arg9 : memref<128x128xf32, #tpu.memory_space<vmem>>) target_semaphore(%arg13 : memref<!tpu.dma_semaphore, #tpu.memory_space<semaphore_mem>>)
      } else {
      }
      %mul3A_27 = arith.constant 32 : i32
      %mul3A_28 = arith.muli %add3A_16, %mul3A_27 : i32
      %add3A_29 = arith.addi %add3A, %mul3A_28 : i32
      %lt3A_30 = arith.constant 1250 : i32
      %lt3A_31 = arith.cmpi slt, %add3A_29, %lt3A_30 : i32
      %convert_element_type3A_32 = arith.extui %lt3A_31 : i1 to i32
      %cond3A_33 = arith.constant 0 : i32
      %cond3A_34 = arith.cmpi ne, %convert_element_type3A_32, %cond3A_33 : i32
      scf.if %cond3A_34 {
        %mul3A_55 = arith.constant 128 : i32
        %mul3A_56 = arith.muli %add3A_29, %mul3A_55 : i32
        %dma_wait3A = tpu.memref_slice %arg3[%mul3A_56] : memref<160000xi32, #tpu.memory_space<hbm>> -> memref<128xi32, #tpu.memory_space<hbm>>
        %dma_wait3A_57 = tpu.memref_slice %arg3[%mul3A_56] : memref<160000xi32, #tpu.memory_space<hbm>> -> memref<128xi32, #tpu.memory_space<hbm>>
        tpu.wait_dma2 semaphore(%arg10 : memref<!tpu.dma_semaphore, #tpu.memory_space<semaphore_mem>>) src(%dma_wait3A_57 : memref<128xi32, #tpu.memory_space<hbm>>) dst(%arg6 : memref<128xi32, #tpu.memory_space<vmem>>)
        %dma_wait3A_58 = arith.constant 0 : i32
        %dma_wait3A_59 = tpu.memref_slice %arg2[%mul3A_56, %dma_wait3A_58] : memref<160000x128xf32, #tpu.memory_space<hbm>> -> memref<128x128xf32, #tpu.memory_space<hbm>>
        %dma_wait3A_60 = arith.constant 0 : i32
        %dma_wait3A_61 = tpu.memref_slice %arg2[%mul3A_56, %dma_wait3A_60] : memref<160000x128xf32, #tpu.memory_space<hbm>> -> memref<128x128xf32, #tpu.memory_space<hbm>>
        tpu.wait_dma2 semaphore(%arg12 : memref<!tpu.dma_semaphore, #tpu.memory_space<semaphore_mem>>) src(%dma_wait3A_61 : memref<128x128xf32, #tpu.memory_space<hbm>>) dst(%arg8 : memref<128x128xf32, #tpu.memory_space<vmem>>)
        "tpu.region"() ({
          %run_scoped3A = tpu.sem_alloc : memref<!tpu.dma_semaphore, #tpu.memory_space<semaphore_mem>>
          %dma_start3A = arith.constant 0 : i32
          %dma_start3A_62 = arith.constant 0 : i32
          %dma_start3A_63 = tpu.memref_slice %arg14[%dma_start3A, %dma_start3A_62] : memref<10240x128xf32, #tpu.memory_space<vmem_shared>> -> memref<10240x128xf32, #tpu.memory_space<vmem_shared>>
          tpu.enqueue_indirect_dma source(%arg8 : memref<128x128xf32, #tpu.memory_space<vmem>>) target(%dma_start3A_63 : memref<10240x128xf32, #tpu.memory_space<vmem_shared>>) offsets(%arg6 : memref<128xi32, #tpu.memory_space<vmem>>) semaphore(%run_scoped3A : memref<!tpu.dma_semaphore, #tpu.memory_space<semaphore_mem>>) {add = true}
          %dma_wait3A_64 = arith.constant 0 : i32
          %dma_wait3A_65 = arith.constant 0 : i32
          %dma_wait3A_66 = tpu.memref_slice %arg14[%dma_wait3A_64, %dma_wait3A_65] : memref<10240x128xf32, #tpu.memory_space<vmem_shared>> -> memref<10240x128xf32, #tpu.memory_space<vmem_shared>>
          tpu.wait_indirect_dma semaphore(%run_scoped3A : memref<!tpu.dma_semaphore, #tpu.memory_space<semaphore_mem>>) src(%arg8 : memref<128x128xf32, #tpu.memory_space<vmem>>) dst(%dma_wait3A_66 : memref<10240x128xf32, #tpu.memory_space<vmem_shared>>)
          tpu.yield
        }) : () -> ()
      } else {
      }
      %add3A_35 = arith.constant 2 : i32
      %add3A_36 = arith.addi %add3A_16, %add3A_35 : i32
      %mul3A_37 = arith.constant 32 : i32
      %mul3A_38 = arith.muli %add3A_36, %mul3A_37 : i32
      %add3A_39 = arith.addi %add3A, %mul3A_38 : i32
      %lt3A_40 = arith.constant 1250 : i32
      %lt3A_41 = arith.cmpi slt, %add3A_39, %lt3A_40 : i32
      %convert_element_type3A_42 = arith.extui %lt3A_41 : i1 to i32
      %cond3A_43 = arith.constant 0 : i32
      %cond3A_44 = arith.cmpi ne, %convert_element_type3A_42, %cond3A_43 : i32
      scf.if %cond3A_44 {
        %mul3A_55 = arith.constant 128 : i32
        %mul3A_56 = arith.muli %add3A_39, %mul3A_55 : i32
        %dma_start3A = tpu.memref_slice %arg3[%mul3A_56] : memref<160000xi32, #tpu.memory_space<hbm>> -> memref<128xi32, #tpu.memory_space<hbm>>
        %dma_start3A_57 = tpu.memref_slice %arg3[%mul3A_56] : memref<160000xi32, #tpu.memory_space<hbm>> -> memref<128xi32, #tpu.memory_space<hbm>>
        tpu.enqueue_dma source(%dma_start3A_57 : memref<128xi32, #tpu.memory_space<hbm>>) target(%arg6 : memref<128xi32, #tpu.memory_space<vmem>>) target_semaphore(%arg10 : memref<!tpu.dma_semaphore, #tpu.memory_space<semaphore_mem>>)
        %dma_start3A_58 = arith.constant 0 : i32
        %dma_start3A_59 = tpu.memref_slice %arg2[%mul3A_56, %dma_start3A_58] : memref<160000x128xf32, #tpu.memory_space<hbm>> -> memref<128x128xf32, #tpu.memory_space<hbm>>
        %dma_start3A_60 = arith.constant 0 : i32
        %dma_start3A_61 = tpu.memref_slice %arg2[%mul3A_56, %dma_start3A_60] : memref<160000x128xf32, #tpu.memory_space<hbm>> -> memref<128x128xf32, #tpu.memory_space<hbm>>
        tpu.enqueue_dma source(%dma_start3A_61 : memref<128x128xf32, #tpu.memory_space<hbm>>) target(%arg8 : memref<128x128xf32, #tpu.memory_space<vmem>>) target_semaphore(%arg12 : memref<!tpu.dma_semaphore, #tpu.memory_space<semaphore_mem>>)
      } else {
      }
      %add3A_45 = arith.constant 1 : i32
      %add3A_46 = arith.addi %add3A_16, %add3A_45 : i32
      %mul3A_47 = arith.constant 32 : i32
      %mul3A_48 = arith.muli %add3A_46, %mul3A_47 : i32
      %add3A_49 = arith.addi %add3A, %mul3A_48 : i32
      %lt3A_50 = arith.constant 1250 : i32
      %lt3A_51 = arith.cmpi slt, %add3A_49, %lt3A_50 : i32
      %convert_element_type3A_52 = arith.extui %lt3A_51 : i1 to i32
      %cond3A_53 = arith.constant 0 : i32
      %cond3A_54 = arith.cmpi ne, %convert_element_type3A_52, %cond3A_53 : i32
      scf.if %cond3A_54 {
        %mul3A_55 = arith.constant 128 : i32
        %mul3A_56 = arith.muli %add3A_49, %mul3A_55 : i32
        %dma_wait3A = tpu.memref_slice %arg3[%mul3A_56] : memref<160000xi32, #tpu.memory_space<hbm>> -> memref<128xi32, #tpu.memory_space<hbm>>
        %dma_wait3A_57 = tpu.memref_slice %arg3[%mul3A_56] : memref<160000xi32, #tpu.memory_space<hbm>> -> memref<128xi32, #tpu.memory_space<hbm>>
        tpu.wait_dma2 semaphore(%arg11 : memref<!tpu.dma_semaphore, #tpu.memory_space<semaphore_mem>>) src(%dma_wait3A_57 : memref<128xi32, #tpu.memory_space<hbm>>) dst(%arg7 : memref<128xi32, #tpu.memory_space<vmem>>)
        %dma_wait3A_58 = arith.constant 0 : i32
        %dma_wait3A_59 = tpu.memref_slice %arg2[%mul3A_56, %dma_wait3A_58] : memref<160000x128xf32, #tpu.memory_space<hbm>> -> memref<128x128xf32, #tpu.memory_space<hbm>>
        %dma_wait3A_60 = arith.constant 0 : i32
        %dma_wait3A_61 = tpu.memref_slice %arg2[%mul3A_56, %dma_wait3A_60] : memref<160000x128xf32, #tpu.memory_space<hbm>> -> memref<128x128xf32, #tpu.memory_space<hbm>>
        tpu.wait_dma2 semaphore(%arg13 : memref<!tpu.dma_semaphore, #tpu.memory_space<semaphore_mem>>) src(%dma_wait3A_61 : memref<128x128xf32, #tpu.memory_space<hbm>>) dst(%arg9 : memref<128x128xf32, #tpu.memory_space<vmem>>)
        "tpu.region"() ({
          %run_scoped3A = tpu.sem_alloc : memref<!tpu.dma_semaphore, #tpu.memory_space<semaphore_mem>>
          %dma_start3A = arith.constant 0 : i32
          %dma_start3A_62 = arith.constant 0 : i32
          %dma_start3A_63 = tpu.memref_slice %arg14[%dma_start3A, %dma_start3A_62] : memref<10240x128xf32, #tpu.memory_space<vmem_shared>> -> memref<10240x128xf32, #tpu.memory_space<vmem_shared>>
          tpu.enqueue_indirect_dma source(%arg9 : memref<128x128xf32, #tpu.memory_space<vmem>>) target(%dma_start3A_63 : memref<10240x128xf32, #tpu.memory_space<vmem_shared>>) offsets(%arg7 : memref<128xi32, #tpu.memory_space<vmem>>) semaphore(%run_scoped3A : memref<!tpu.dma_semaphore, #tpu.memory_space<semaphore_mem>>) {add = true}
          %dma_wait3A_64 = arith.constant 0 : i32
          %dma_wait3A_65 = arith.constant 0 : i32
          %dma_wait3A_66 = tpu.memref_slice %arg14[%dma_wait3A_64, %dma_wait3A_65] : memref<10240x128xf32, #tpu.memory_space<vmem_shared>> -> memref<10240x128xf32, #tpu.memory_space<vmem_shared>>
          tpu.wait_indirect_dma semaphore(%run_scoped3A : memref<!tpu.dma_semaphore, #tpu.memory_space<semaphore_mem>>) src(%arg9 : memref<128x128xf32, #tpu.memory_space<vmem>>) dst(%dma_wait3A_66 : memref<10240x128xf32, #tpu.memory_space<vmem_shared>>)
          tpu.yield
        }) : () -> ()
      } else {
      }
    }
    %scan3A_10 = arith.constant 21 : i32
    %barrier3A_11 = arith.constant 0 : index
    tpu.barrier barrier_id(%barrier3A_11)
    "tpu.region"() ({
      %run_scoped3A = tpu.sem_alloc : memref<!tpu.dma_semaphore, #tpu.memory_space<semaphore_mem>>
      %dma_start3A = arith.constant 0 : i32
      %dma_start3A_12 = tpu.memref_slice %arg5[%arg0, %mul3A_2, %dma_start3A] : memref<2x10240x128xf32, #tpu.memory_space<hbm>> -> memref<1x640x128xf32, #tpu.memory_space<hbm>>
      %dma_start3A_13 = tpu.memref_squeeze %dma_start3A_12 : memref<1x640x128xf32, #tpu.memory_space<hbm>> -> memref<640x128xf32, #tpu.memory_space<hbm>>
      %dma_start3A_14 = arith.constant 0 : i32
      %dma_start3A_15 = tpu.memref_slice %arg14[%mul3A_2, %dma_start3A_14] : memref<10240x128xf32, #tpu.memory_space<vmem_shared>> -> memref<640x128xf32, #tpu.memory_space<vmem_shared>>
      tpu.enqueue_dma source(%dma_start3A_15 : memref<640x128xf32, #tpu.memory_space<vmem_shared>>) target(%dma_start3A_13 : memref<640x128xf32, #tpu.memory_space<hbm>>) target_semaphore(%run_scoped3A : memref<!tpu.dma_semaphore, #tpu.memory_space<semaphore_mem>>)
      %dma_wait3A = arith.constant 0 : i32
      %dma_wait3A_16 = tpu.memref_slice %arg5[%arg0, %mul3A_2, %dma_wait3A] : memref<2x10240x128xf32, #tpu.memory_space<hbm>> -> memref<1x640x128xf32, #tpu.memory_space<hbm>>
      %dma_wait3A_17 = tpu.memref_squeeze %dma_wait3A_16 : memref<1x640x128xf32, #tpu.memory_space<hbm>> -> memref<640x128xf32, #tpu.memory_space<hbm>>
      %dma_wait3A_18 = arith.constant 0 : i32
      %dma_wait3A_19 = tpu.memref_slice %arg14[%mul3A_2, %dma_wait3A_18] : memref<10240x128xf32, #tpu.memory_space<vmem_shared>> -> memref<640x128xf32, #tpu.memory_space<vmem_shared>>
      tpu.wait_dma2 semaphore(%run_scoped3A : memref<!tpu.dma_semaphore, #tpu.memory_space<semaphore_mem>>) src(%dma_wait3A_19 : memref<640x128xf32, #tpu.memory_space<vmem_shared>>) dst(%dma_wait3A_17 : memref<640x128xf32, #tpu.memory_space<hbm>>)
      tpu.yield
    }) : () -> ()
    return
  }
}

#map = affine_map<(d0, d1) -> (0, 0)>
#map1 = affine_map<(d0, d1) -> (0)>
#map2 = affine_map<(d0, d1) -> (0, 0, 0)>
module attributes {stable_mosaic.version = 14 : i64} {
  func.func @scatter_add(%arg0: i32, %arg1: i32, %arg2: memref<160000x128xf32, #tpu.memory_space<hbm>>, %arg3: memref<160000xi32, #tpu.memory_space<hbm>>, %arg4: memref<640x128xf32, #tpu.memory_space<hbm>>, %arg5: memref<2x10240x128xf32, #tpu.memory_space<hbm>>, %arg6: memref<128xi32, #tpu.memory_space<vmem>>, %arg7: memref<128xi32, #tpu.memory_space<vmem>>, %arg8: memref<128x128xf32, #tpu.memory_space<vmem>>, %arg9: memref<128x128xf32, #tpu.memory_space<vmem>>, %arg10: memref<!tpu.dma_semaphore, #tpu.memory_space<semaphore_mem>>, %arg11: memref<!tpu.dma_semaphore, #tpu.memory_space<semaphore_mem>>, %arg12: memref<!tpu.dma_semaphore, #tpu.memory_space<semaphore_mem>>, %arg13: memref<!tpu.dma_semaphore, #tpu.memory_space<semaphore_mem>>, %arg14: memref<10240x128xf32, #tpu.memory_space<vmem_shared>>) attributes {dimension_semantics = [#tpu.dimension_semantics<core_parallel>, #tpu.dimension_semantics<subcore_parallel>], iteration_bounds = array<i64: 2, 16>, scalar_prefetch = 0 : i64, scratch_operands = 9 : i64, tpu.core_type = #tpu.core_type<sc_vector_subcore>, window_params = [{transform_indices = #map}, {transform_indices = #map1}, {transform_indices = #map}, {transform_indices = #map2}]} {
    %mul3A = arith.constant 2 : i32
    %mul3A_0 = arith.muli %arg1, %mul3A : i32
    %add3A = arith.addi %mul3A_0, %arg0 : i32
    %mul3A_1 = arith.constant 640 : i32
    %mul3A_2 = arith.muli %arg1, %mul3A_1 : i32
    "tpu.region"() ({
      %run_scoped3A = tpu.sem_alloc : memref<!tpu.dma_semaphore, #tpu.memory_space<semaphore_mem>>
      %dma_start3A = arith.constant 0 : i32
      %dma_start3A_12 = tpu.memref_slice %arg14[%mul3A_2, %dma_start3A] : memref<10240x128xf32, #tpu.memory_space<vmem_shared>> -> memref<640x128xf32, #tpu.memory_space<vmem_shared>>
      tpu.enqueue_dma source(%arg4 : memref<640x128xf32, #tpu.memory_space<hbm>>) target(%dma_start3A_12 : memref<640x128xf32, #tpu.memory_space<vmem_shared>>) target_semaphore(%run_scoped3A : memref<!tpu.dma_semaphore, #tpu.memory_space<semaphore_mem>>)
      %dma_wait3A = arith.constant 0 : i32
      %dma_wait3A_13 = tpu.memref_slice %arg14[%mul3A_2, %dma_wait3A] : memref<10240x128xf32, #tpu.memory_space<vmem_shared>> -> memref<640x128xf32, #tpu.memory_space<vmem_shared>>
      tpu.wait_dma2 semaphore(%run_scoped3A : memref<!tpu.dma_semaphore, #tpu.memory_space<semaphore_mem>>) src(%arg4 : memref<640x128xf32, #tpu.memory_space<hbm>>) dst(%dma_wait3A_13 : memref<640x128xf32, #tpu.memory_space<vmem_shared>>)
      tpu.yield
    }) : () -> ()
    %barrier3A = arith.constant 0 : index
    tpu.barrier barrier_id(%barrier3A)
    %add3A_3 = arith.constant 0 : i32
    %add3A_4 = arith.addi %add3A, %add3A_3 : i32
    %lt3A = arith.constant 1250 : i32
    %lt3A_5 = arith.cmpi slt, %add3A_4, %lt3A : i32
    %convert_element_type3A = arith.extui %lt3A_5 : i1 to i32
    %cond3A = arith.constant 0 : i32
    %cond3A_6 = arith.cmpi ne, %convert_element_type3A, %cond3A : i32
    scf.if %cond3A_6 {
      %mul3A_12 = arith.constant 128 : i32
      %mul3A_13 = arith.muli %add3A_4, %mul3A_12 : i32
      %dma_start3A = tpu.memref_slice %arg3[%mul3A_13] : memref<160000xi32, #tpu.memory_space<hbm>> -> memref<128xi32, #tpu.memory_space<hbm>>
      %dma_start3A_14 = tpu.memref_slice %arg3[%mul3A_13] : memref<160000xi32, #tpu.memory_space<hbm>> -> memref<128xi32, #tpu.memory_space<hbm>>
      tpu.enqueue_dma source(%dma_start3A_14 : memref<128xi32, #tpu.memory_space<hbm>>) target(%arg6 : memref<128xi32, #tpu.memory_space<vmem>>) target_semaphore(%arg10 : memref<!tpu.dma_semaphore, #tpu.memory_space<semaphore_mem>>)
      %dma_start3A_15 = arith.constant 0 : i32
      %dma_start3A_16 = tpu.memref_slice %arg2[%mul3A_13, %dma_start3A_15] : memref<160000x128xf32, #tpu.memory_space<hbm>> -> memref<128x128xf32, #tpu.memory_space<hbm>>
      %dma_start3A_17 = arith.constant 0 : i32
      %dma_start3A_18 = tpu.memref_slice %arg2[%mul3A_13, %dma_start3A_17] : memref<160000x128xf32, #tpu.memory_space<hbm>> -> memref<128x128xf32, #tpu.memory_space<hbm>>
      tpu.enqueue_dma source(%dma_start3A_18 : memref<128x128xf32, #tpu.memory_space<hbm>>) target(%arg8 : memref<128x128xf32, #tpu.memory_space<vmem>>) target_semaphore(%arg12 : memref<!tpu.dma_semaphore, #tpu.memory_space<semaphore_mem>>)
    } else {
    }
    %scan3A = arith.constant 0 : i32
    %scan3A_7 = arith.constant 21 : i32
    %scan3A_8 = arith.addi %scan3A, %scan3A_7 : i32
    %scan3A_9 = arith.constant 1 : i32
    scf.for %scan3A_12 = %scan3A to %scan3A_8 step %scan3A_9  : i32 {
      %mul3A_13 = arith.constant 2 : i32
      %mul3A_14 = arith.muli %scan3A_12, %mul3A_13 : i32
      %add3A_15 = arith.constant 0 : i32
      %add3A_16 = arith.addi %add3A_15, %mul3A_14 : i32
      %add3A_17 = arith.constant 1 : i32
      %add3A_18 = arith.addi %add3A_16, %add3A_17 : i32
      %mul3A_19 = arith.constant 32 : i32
      %mul3A_20 = arith.muli %add3A_18, %mul3A_19 : i32
      %add3A_21 = arith.addi %add3A, %mul3A_20 : i32
      %lt3A_22 = arith.constant 1250 : i32
      %lt3A_23 = arith.cmpi slt, %add3A_21, %lt3A_22 : i32
      %convert_element_type3A_24 = arith.extui %lt3A_23 : i1 to i32
      %cond3A_25 = arith.constant 0 : i32
      %cond3A_26 = arith.cmpi ne, %convert_element_type3A_24, %cond3A_25 : i32
      scf.if %cond3A_26 {
        %mul3A_55 = arith.constant 128 : i32
        %mul3A_56 = arith.muli %add3A_21, %mul3A_55 : i32
        %dma_start3A = tpu.memref_slice %arg3[%mul3A_56] : memref<160000xi32, #tpu.memory_space<hbm>> -> memref<128xi32, #tpu.memory_space<hbm>>
        %dma_start3A_57 = tpu.memref_slice %arg3[%mul3A_56] : memref<160000xi32, #tpu.memory_space<hbm>> -> memref<128xi32, #tpu.memory_space<hbm>>
        tpu.enqueue_dma source(%dma_start3A_57 : memref<128xi32, #tpu.memory_space<hbm>>) target(%arg7 : memref<128xi32, #tpu.memory_space<vmem>>) target_semaphore(%arg11 : memref<!tpu.dma_semaphore, #tpu.memory_space<semaphore_mem>>)
        %dma_start3A_58 = arith.constant 0 : i32
        %dma_start3A_59 = tpu.memref_slice %arg2[%mul3A_56, %dma_start3A_58] : memref<160000x128xf32, #tpu.memory_space<hbm>> -> memref<128x128xf32, #tpu.memory_space<hbm>>
        %dma_start3A_60 = arith.constant 0 : i32
        %dma_start3A_61 = tpu.memref_slice %arg2[%mul3A_56, %dma_start3A_60] : memref<160000x128xf32, #tpu.memory_space<hbm>> -> memref<128x128xf32, #tpu.memory_space<hbm>>
        tpu.enqueue_dma source(%dma_start3A_61 : memref<128x128xf32, #tpu.memory_space<hbm>>) target(%arg9 : memref<128x128xf32, #tpu.memory_space<vmem>>) target_semaphore(%arg13 : memref<!tpu.dma_semaphore, #tpu.memory_space<semaphore_mem>>)
      } else {
      }
      %mul3A_27 = arith.constant 32 : i32
      %mul3A_28 = arith.muli %add3A_16, %mul3A_27 : i32
      %add3A_29 = arith.addi %add3A, %mul3A_28 : i32
      %lt3A_30 = arith.constant 1250 : i32
      %lt3A_31 = arith.cmpi slt, %add3A_29, %lt3A_30 : i32
      %convert_element_type3A_32 = arith.extui %lt3A_31 : i1 to i32
      %cond3A_33 = arith.constant 0 : i32
      %cond3A_34 = arith.cmpi ne, %convert_element_type3A_32, %cond3A_33 : i32
      scf.if %cond3A_34 {
        %mul3A_55 = arith.constant 128 : i32
        %mul3A_56 = arith.muli %add3A_29, %mul3A_55 : i32
        %dma_wait3A = tpu.memref_slice %arg3[%mul3A_56] : memref<160000xi32, #tpu.memory_space<hbm>> -> memref<128xi32, #tpu.memory_space<hbm>>
        %dma_wait3A_57 = tpu.memref_slice %arg3[%mul3A_56] : memref<160000xi32, #tpu.memory_space<hbm>> -> memref<128xi32, #tpu.memory_space<hbm>>
        tpu.wait_dma2 semaphore(%arg10 : memref<!tpu.dma_semaphore, #tpu.memory_space<semaphore_mem>>) src(%dma_wait3A_57 : memref<128xi32, #tpu.memory_space<hbm>>) dst(%arg6 : memref<128xi32, #tpu.memory_space<vmem>>)
        %dma_wait3A_58 = arith.constant 0 : i32
        %dma_wait3A_59 = tpu.memref_slice %arg2[%mul3A_56, %dma_wait3A_58] : memref<160000x128xf32, #tpu.memory_space<hbm>> -> memref<128x128xf32, #tpu.memory_space<hbm>>
        %dma_wait3A_60 = arith.constant 0 : i32
        %dma_wait3A_61 = tpu.memref_slice %arg2[%mul3A_56, %dma_wait3A_60] : memref<160000x128xf32, #tpu.memory_space<hbm>> -> memref<128x128xf32, #tpu.memory_space<hbm>>
        tpu.wait_dma2 semaphore(%arg12 : memref<!tpu.dma_semaphore, #tpu.memory_space<semaphore_mem>>) src(%dma_wait3A_61 : memref<128x128xf32, #tpu.memory_space<hbm>>) dst(%arg8 : memref<128x128xf32, #tpu.memory_space<vmem>>)
        "tpu.region"() ({
          %run_scoped3A = tpu.sem_alloc : memref<!tpu.dma_semaphore, #tpu.memory_space<semaphore_mem>>
          %dma_start3A = arith.constant 0 : i32
          %dma_start3A_62 = arith.constant 0 : i32
          %dma_start3A_63 = tpu.memref_slice %arg14[%dma_start3A, %dma_start3A_62] : memref<10240x128xf32, #tpu.memory_space<vmem_shared>> -> memref<10240x128xf32, #tpu.memory_space<vmem_shared>>
          tpu.enqueue_indirect_dma source(%arg8 : memref<128x128xf32, #tpu.memory_space<vmem>>) target(%dma_start3A_63 : memref<10240x128xf32, #tpu.memory_space<vmem_shared>>) offsets(%arg6 : memref<128xi32, #tpu.memory_space<vmem>>) semaphore(%run_scoped3A : memref<!tpu.dma_semaphore, #tpu.memory_space<semaphore_mem>>) {add = true}
          %dma_wait3A_64 = arith.constant 0 : i32
          %dma_wait3A_65 = arith.constant 0 : i32
          %dma_wait3A_66 = tpu.memref_slice %arg14[%dma_wait3A_64, %dma_wait3A_65] : memref<10240x128xf32, #tpu.memory_space<vmem_shared>> -> memref<10240x128xf32, #tpu.memory_space<vmem_shared>>
          tpu.wait_indirect_dma semaphore(%run_scoped3A : memref<!tpu.dma_semaphore, #tpu.memory_space<semaphore_mem>>) src(%arg8 : memref<128x128xf32, #tpu.memory_space<vmem>>) dst(%dma_wait3A_66 : memref<10240x128xf32, #tpu.memory_space<vmem_shared>>)
          tpu.yield
        }) : () -> ()
      } else {
      }
      %add3A_35 = arith.constant 2 : i32
      %add3A_36 = arith.addi %add3A_16, %add3A_35 : i32
      %mul3A_37 = arith.constant 32 : i32
      %mul3A_38 = arith.muli %add3A_36, %mul3A_37 : i32
      %add3A_39 = arith.addi %add3A, %mul3A_38 : i32
      %lt3A_40 = arith.constant 1250 : i32
      %lt3A_41 = arith.cmpi slt, %add3A_39, %lt3A_40 : i32
      %convert_element_type3A_42 = arith.extui %lt3A_41 : i1 to i32
      %cond3A_43 = arith.constant 0 : i32
      %cond3A_44 = arith.cmpi ne, %convert_element_type3A_42, %cond3A_43 : i32
      scf.if %cond3A_44 {
        %mul3A_55 = arith.constant 128 : i32
        %mul3A_56 = arith.muli %add3A_39, %mul3A_55 : i32
        %dma_start3A = tpu.memref_slice %arg3[%mul3A_56] : memref<160000xi32, #tpu.memory_space<hbm>> -> memref<128xi32, #tpu.memory_space<hbm>>
        %dma_start3A_57 = tpu.memref_slice %arg3[%mul3A_56] : memref<160000xi32, #tpu.memory_space<hbm>> -> memref<128xi32, #tpu.memory_space<hbm>>
        tpu.enqueue_dma source(%dma_start3A_57 : memref<128xi32, #tpu.memory_space<hbm>>) target(%arg6 : memref<128xi32, #tpu.memory_space<vmem>>) target_semaphore(%arg10 : memref<!tpu.dma_semaphore, #tpu.memory_space<semaphore_mem>>)
        %dma_start3A_58 = arith.constant 0 : i32
        %dma_start3A_59 = tpu.memref_slice %arg2[%mul3A_56, %dma_start3A_58] : memref<160000x128xf32, #tpu.memory_space<hbm>> -> memref<128x128xf32, #tpu.memory_space<hbm>>
        %dma_start3A_60 = arith.constant 0 : i32
        %dma_start3A_61 = tpu.memref_slice %arg2[%mul3A_56, %dma_start3A_60] : memref<160000x128xf32, #tpu.memory_space<hbm>> -> memref<128x128xf32, #tpu.memory_space<hbm>>
        tpu.enqueue_dma source(%dma_start3A_61 : memref<128x128xf32, #tpu.memory_space<hbm>>) target(%arg8 : memref<128x128xf32, #tpu.memory_space<vmem>>) target_semaphore(%arg12 : memref<!tpu.dma_semaphore, #tpu.memory_space<semaphore_mem>>)
      } else {
      }
      %add3A_45 = arith.constant 1 : i32
      %add3A_46 = arith.addi %add3A_16, %add3A_45 : i32
      %mul3A_47 = arith.constant 32 : i32
      %mul3A_48 = arith.muli %add3A_46, %mul3A_47 : i32
      %add3A_49 = arith.addi %add3A, %mul3A_48 : i32
      %lt3A_50 = arith.constant 1250 : i32
      %lt3A_51 = arith.cmpi slt, %add3A_49, %lt3A_50 : i32
      %convert_element_type3A_52 = arith.extui %lt3A_51 : i1 to i32
      %cond3A_53 = arith.constant 0 : i32
      %cond3A_54 = arith.cmpi ne, %convert_element_type3A_52, %cond3A_53 : i32
      scf.if %cond3A_54 {
        %mul3A_55 = arith.constant 128 : i32
        %mul3A_56 = arith.muli %add3A_49, %mul3A_55 : i32
        %dma_wait3A = tpu.memref_slice %arg3[%mul3A_56] : memref<160000xi32, #tpu.memory_space<hbm>> -> memref<128xi32, #tpu.memory_space<hbm>>
        %dma_wait3A_57 = tpu.memref_slice %arg3[%mul3A_56] : memref<160000xi32, #tpu.memory_space<hbm>> -> memref<128xi32, #tpu.memory_space<hbm>>
        tpu.wait_dma2 semaphore(%arg11 : memref<!tpu.dma_semaphore, #tpu.memory_space<semaphore_mem>>) src(%dma_wait3A_57 : memref<128xi32, #tpu.memory_space<hbm>>) dst(%arg7 : memref<128xi32, #tpu.memory_space<vmem>>)
        %dma_wait3A_58 = arith.constant 0 : i32
        %dma_wait3A_59 = tpu.memref_slice %arg2[%mul3A_56, %dma_wait3A_58] : memref<160000x128xf32, #tpu.memory_space<hbm>> -> memref<128x128xf32, #tpu.memory_space<hbm>>
        %dma_wait3A_60 = arith.constant 0 : i32
        %dma_wait3A_61 = tpu.memref_slice %arg2[%mul3A_56, %dma_wait3A_60] : memref<160000x128xf32, #tpu.memory_space<hbm>> -> memref<128x128xf32, #tpu.memory_space<hbm>>
        tpu.wait_dma2 semaphore(%arg13 : memref<!tpu.dma_semaphore, #tpu.memory_space<semaphore_mem>>) src(%dma_wait3A_61 : memref<128x128xf32, #tpu.memory_space<hbm>>) dst(%arg9 : memref<128x128xf32, #tpu.memory_space<vmem>>)
        "tpu.region"() ({
          %run_scoped3A = tpu.sem_alloc : memref<!tpu.dma_semaphore, #tpu.memory_space<semaphore_mem>>
          %dma_start3A = arith.constant 0 : i32
          %dma_start3A_62 = arith.constant 0 : i32
          %dma_start3A_63 = tpu.memref_slice %arg14[%dma_start3A, %dma_start3A_62] : memref<10240x128xf32, #tpu.memory_space<vmem_shared>> -> memref<10240x128xf32, #tpu.memory_space<vmem_shared>>
          tpu.enqueue_indirect_dma source(%arg9 : memref<128x128xf32, #tpu.memory_space<vmem>>) target(%dma_start3A_63 : memref<10240x128xf32, #tpu.memory_space<vmem_shared>>) offsets(%arg7 : memref<128xi32, #tpu.memory_space<vmem>>) semaphore(%run_scoped3A : memref<!tpu.dma_semaphore, #tpu.memory_space<semaphore_mem>>) {add = true}
          %dma_wait3A_64 = arith.constant 0 : i32
          %dma_wait3A_65 = arith.constant 0 : i32
          %dma_wait3A_66 = tpu.memref_slice %arg14[%dma_wait3A_64, %dma_wait3A_65] : memref<10240x128xf32, #tpu.memory_space<vmem_shared>> -> memref<10240x128xf32, #tpu.memory_space<vmem_shared>>
          tpu.wait_indirect_dma semaphore(%run_scoped3A : memref<!tpu.dma_semaphore, #tpu.memory_space<semaphore_mem>>) src(%arg9 : memref<128x128xf32, #tpu.memory_space<vmem>>) dst(%dma_wait3A_66 : memref<10240x128xf32, #tpu.memory_space<vmem_shared>>)
          tpu.yield
        }) : () -> ()
      } else {
      }
    }
    %scan3A_10 = arith.constant 21 : i32
    %barrier3A_11 = arith.constant 0 : index
    tpu.barrier barrier_id(%barrier3A_11)
    "tpu.region"() ({
      %run_scoped3A = tpu.sem_alloc : memref<!tpu.dma_semaphore, #tpu.memory_space<semaphore_mem>>
      %dma_start3A = arith.constant 0 : i32
      %dma_start3A_12 = tpu.memref_slice %arg5[%arg0, %mul3A_2, %dma_start3A] : memref<2x10240x128xf32, #tpu.memory_space<hbm>> -> memref<1x640x128xf32, #tpu.memory_space<hbm>>
      %dma_start3A_13 = tpu.memref_squeeze %dma_start3A_12 : memref<1x640x128xf32, #tpu.memory_space<hbm>> -> memref<640x128xf32, #tpu.memory_space<hbm>>
      %dma_start3A_14 = arith.constant 0 : i32
      %dma_start3A_15 = tpu.memref_slice %arg14[%mul3A_2, %dma_start3A_14] : memref<10240x128xf32, #tpu.memory_space<vmem_shared>> -> memref<640x128xf32, #tpu.memory_space<vmem_shared>>
      tpu.enqueue_dma source(%dma_start3A_15 : memref<640x128xf32, #tpu.memory_space<vmem_shared>>) target(%dma_start3A_13 : memref<640x128xf32, #tpu.memory_space<hbm>>) target_semaphore(%run_scoped3A : memref<!tpu.dma_semaphore, #tpu.memory_space<semaphore_mem>>)
      %dma_wait3A = arith.constant 0 : i32
      %dma_wait3A_16 = tpu.memref_slice %arg5[%arg0, %mul3A_2, %dma_wait3A] : memref<2x10240x128xf32, #tpu.memory_space<hbm>> -> memref<1x640x128xf32, #tpu.memory_space<hbm>>
      %dma_wait3A_17 = tpu.memref_squeeze %dma_wait3A_16 : memref<1x640x128xf32, #tpu.memory_space<hbm>> -> memref<640x128xf32, #tpu.memory_space<hbm>>
      %dma_wait3A_18 = arith.constant 0 : i32
      %dma_wait3A_19 = tpu.memref_slice %arg14[%mul3A_2, %dma_wait3A_18] : memref<10240x128xf32, #tpu.memory_space<vmem_shared>> -> memref<640x128xf32, #tpu.memory_space<vmem_shared>>
      tpu.wait_dma2 semaphore(%run_scoped3A : memref<!tpu.dma_semaphore, #tpu.memory_space<semaphore_mem>>) src(%dma_wait3A_19 : memref<640x128xf32, #tpu.memory_space<vmem_shared>>) dst(%dma_wait3A_17 : memref<640x128xf32, #tpu.memory_space<hbm>>)
      tpu.yield
    }) : () -> ()
    return
  }
}

module attributes {stable_mosaic.version = 14 : i64} {
  func.func @_mlp_body(%arg0: i32, %arg1: memref<3200x128xf32, #tpu.memory_space<vmem>>, %arg2: memref<16x3200xbf16, #tpu.memory_space<vmem>>, %arg3: memref<128x256xbf16, #tpu.memory_space<vmem>>, %arg4: memref<16x256xbf16, #tpu.memory_space<vmem>>, %arg5: memref<1x256xf32, #tpu.memory_space<vmem>>, %arg6: memref<128x128xbf16, #tpu.memory_space<vmem>>, %arg7: memref<1x128xf32, #tpu.memory_space<vmem>>, %arg8: memref<128x128xbf16, #tpu.memory_space<vmem>>, %arg9: memref<1x128xf32, #tpu.memory_space<vmem>>, %arg10: memref<3200x128xf32, #tpu.memory_space<vmem>>) attributes {dimension_semantics = [#tpu.dimension_semantics<arbitrary>], iteration_bounds = array<i64: 50>, scalar_prefetch = 0 : i64, scratch_operands = 0 : i64, tpu.core_type = #tpu.core_type<tc>, window_params = [{transform_indices = @transform_0, window_bounds = array<i64: 3200, 128>}, {transform_indices = @transform_1, window_bounds = array<i64: 16, 3200>}, {pipeline_mode = #tpu.pipeline_mode<synchronous>, transform_indices = @transform_2, window_bounds = array<i64: 128, 256>}, {pipeline_mode = #tpu.pipeline_mode<synchronous>, transform_indices = @transform_3, window_bounds = array<i64: 16, 256>}, {pipeline_mode = #tpu.pipeline_mode<synchronous>, transform_indices = @transform_4, window_bounds = array<i64: 1, 256>}, {pipeline_mode = #tpu.pipeline_mode<synchronous>, transform_indices = @transform_5, window_bounds = array<i64: 128, 128>}, {pipeline_mode = #tpu.pipeline_mode<synchronous>, transform_indices = @transform_6, window_bounds = array<i64: 1, 128>}, {pipeline_mode = #tpu.pipeline_mode<synchronous>, transform_indices = @transform_7, window_bounds = array<i64: 128, 128>}, {pipeline_mode = #tpu.pipeline_mode<synchronous>, transform_indices = @transform_8, window_bounds = array<i64: 1, 128>}, {transform_indices = @transform_9, window_bounds = array<i64: 3200, 128>}]} {
    %get3A = arith.constant 0 : index
    %get3A_0 = arith.constant 0 : index
    %get3A_1 = vector.load %arg1[%get3A, %get3A_0] : memref<3200x128xf32, #tpu.memory_space<vmem>>, vector<3200x128xf32>
    %convert_element_type3A = arith.truncf %get3A_1 : vector<3200x128xf32> to vector<3200x128xbf16>
    %get3A_2 = arith.constant 0 : index
    %get3A_3 = arith.constant 0 : index
    %get3A_4 = vector.load %arg2[%get3A_2, %get3A_3] : memref<16x3200xbf16, #tpu.memory_space<vmem>>, vector<16x3200xbf16>
    %get3A_5 = arith.constant 0 : index
    %get3A_6 = arith.constant 0 : index
    %get3A_7 = vector.load %arg3[%get3A_5, %get3A_6] : memref<128x256xbf16, #tpu.memory_space<vmem>>, vector<128x256xbf16>
    %dot_general3A = arith.constant dense<0.000000e+00> : vector<3200x256xf32>
    %dot_general3A_8 = tpu.matmul %convert_element_type3A, %get3A_7, %dot_general3A {dimension_numbers = #tpu.dot_dimension_numbers<[1], [0], [0], [1], [0, 0, 1, 1], [], []>, transpose_lhs_hint = false} : vector<3200x128xbf16>, vector<128x256xbf16>, vector<3200x256xf32> -> vector<3200x256xf32>
    %get3A_9 = arith.constant 0 : index
    %get3A_10 = arith.constant 0 : index
    %get3A_11 = vector.load %arg4[%get3A_9, %get3A_10] : memref<16x256xbf16, #tpu.memory_space<vmem>>, vector<16x256xbf16>
    %dot_general3A_12 = arith.constant dense<0.000000e+00> : vector<3200x256xf32>
    %dot_general3A_13 = tpu.matmul %get3A_4, %get3A_11, %dot_general3A_12 {dimension_numbers = #tpu.dot_dimension_numbers<[0], [0], [1], [1], [0, 1, 1, 1], [], []>, transpose_lhs_hint = false} : vector<16x3200xbf16>, vector<16x256xbf16>, vector<3200x256xf32> -> vector<3200x256xf32>
    %add3A = arith.addf %dot_general3A_8, %dot_general3A_13 : vector<3200x256xf32>
    %get3A_14 = arith.constant 0 : index
    %get3A_15 = arith.constant 0 : index
    %get3A_16 = vector.load %arg5[%get3A_14, %get3A_15] : memref<1x256xf32, #tpu.memory_space<vmem>>, vector<1x256xf32>
    %add3A_17 = vector.broadcast %get3A_16 : vector<1x256xf32> to vector<3200x256xf32>
    %add3A_18 = arith.addf %add3A, %add3A_17 : vector<3200x256xf32>
    %max3A = arith.constant 0.000000e+00 : f32
    %max3A_19 = vector.broadcast %max3A : f32 to vector<3200x256xf32>
    %max3A_20 = arith.maximumf %add3A_18, %max3A_19 : vector<3200x256xf32>
    %convert_element_type3A_21 = arith.truncf %max3A_20 : vector<3200x256xf32> to vector<3200x256xbf16>
    %slice3A = vector.extract_strided_slice %convert_element_type3A_21 {offsets = [0, 0], sizes = [3200, 128], strides = [1, 1]} : vector<3200x256xbf16> to vector<3200x128xbf16>
    %slice3A_22 = vector.extract_strided_slice %convert_element_type3A_21 {offsets = [0, 128], sizes = [3200, 128], strides = [1, 1]} : vector<3200x256xbf16> to vector<3200x128xbf16>
    %get3A_23 = arith.constant 0 : index
    %get3A_24 = arith.constant 0 : index
    %get3A_25 = vector.load %arg6[%get3A_23, %get3A_24] : memref<128x128xbf16, #tpu.memory_space<vmem>>, vector<128x128xbf16>
    %dot_general3A_26 = arith.constant dense<0.000000e+00> : vector<3200x128xf32>
    %dot_general3A_27 = tpu.matmul %slice3A, %get3A_25, %dot_general3A_26 {dimension_numbers = #tpu.dot_dimension_numbers<[1], [0], [0], [1], [0, 0, 1, 1], [], []>, transpose_lhs_hint = false} : vector<3200x128xbf16>, vector<128x128xbf16>, vector<3200x128xf32> -> vector<3200x128xf32>
    %get3A_28 = arith.constant 0 : index
    %get3A_29 = arith.constant 0 : index
    %get3A_30 = vector.load %arg7[%get3A_28, %get3A_29] : memref<1x128xf32, #tpu.memory_space<vmem>>, vector<1x128xf32>
    %add3A_31 = vector.broadcast %get3A_30 : vector<1x128xf32> to vector<3200x128xf32>
    %add3A_32 = arith.addf %dot_general3A_27, %add3A_31 : vector<3200x128xf32>
    %get3A_33 = arith.constant 0 : index
    %get3A_34 = arith.constant 0 : index
    %get3A_35 = vector.load %arg8[%get3A_33, %get3A_34] : memref<128x128xbf16, #tpu.memory_space<vmem>>, vector<128x128xbf16>
    %dot_general3A_36 = arith.constant dense<0.000000e+00> : vector<3200x128xf32>
    %dot_general3A_37 = tpu.matmul %slice3A_22, %get3A_35, %dot_general3A_36 {dimension_numbers = #tpu.dot_dimension_numbers<[1], [0], [0], [1], [0, 0, 1, 1], [], []>, transpose_lhs_hint = false} : vector<3200x128xbf16>, vector<128x128xbf16>, vector<3200x128xf32> -> vector<3200x128xf32>
    %get3A_38 = arith.constant 0 : index
    %get3A_39 = arith.constant 0 : index
    %get3A_40 = vector.load %arg9[%get3A_38, %get3A_39] : memref<1x128xf32, #tpu.memory_space<vmem>>, vector<1x128xf32>
    %add3A_41 = vector.broadcast %get3A_40 : vector<1x128xf32> to vector<3200x128xf32>
    %add3A_42 = arith.addf %dot_general3A_37, %add3A_41 : vector<3200x128xf32>
    %logistic3A = arith.negf %add3A_42 : vector<3200x128xf32>
    %logistic3A_43 = math.exp %logistic3A : vector<3200x128xf32>
    %logistic3A_44 = arith.constant 1.000000e+00 : f32
    %logistic3A_45 = vector.broadcast %logistic3A_44 : f32 to vector<3200x128xf32>
    %logistic3A_46 = arith.addf %logistic3A_45, %logistic3A_43 : vector<3200x128xf32>
    %logistic3A_47 = arith.divf %logistic3A_45, %logistic3A_46 : vector<3200x128xf32>
    %mul3A = arith.mulf %add3A_32, %logistic3A_47 : vector<3200x128xf32>
    %swap3A = arith.constant 0 : index
    %swap3A_48 = arith.constant 0 : index
    %swap3A_49 = vector.load %arg10[%swap3A, %swap3A_48] : memref<3200x128xf32, #tpu.memory_space<vmem>>, vector<3200x128xf32>
    tpu.vector_store %arg10[%swap3A, %swap3A_48], %mul3A {strides = array<i32>} : memref<3200x128xf32, #tpu.memory_space<vmem>>, vector<3200x128xf32>,
    return
  }
  func.func @transform_0(%arg0: i32) -> (i32, i32) {
    %c0_i32 = arith.constant 0 : i32
    %c0_i32_0 = arith.constant 0 : i32
    return %arg0, %c0_i32 : i32, i32
  }
  func.func @transform_1(%arg0: i32) -> (i32, i32) {
    %c0_i32 = arith.constant 0 : i32
    %c0_i32_0 = arith.constant 0 : i32
    return %c0_i32, %arg0 : i32, i32
  }
  func.func @transform_2(%arg0: i32) -> (i32, i32) {
    %c0_i32 = arith.constant 0 : i32
    %c0_i32_0 = arith.constant 0 : i32
    %c0_i32_1 = arith.constant 0 : i32
    return %c0_i32, %c0_i32_0 : i32, i32
  }
  func.func @transform_3(%arg0: i32) -> (i32, i32) {
    %c0_i32 = arith.constant 0 : i32
    %c0_i32_0 = arith.constant 0 : i32
    %c0_i32_1 = arith.constant 0 : i32
    return %c0_i32, %c0_i32_0 : i32, i32
  }
  func.func @transform_4(%arg0: i32) -> (i32, i32) {
    %c0_i32 = arith.constant 0 : i32
    %c0_i32_0 = arith.constant 0 : i32
    %c0_i32_1 = arith.constant 0 : i32
    return %c0_i32, %c0_i32_0 : i32, i32
  }
  func.func @transform_5(%arg0: i32) -> (i32, i32) {
    %c0_i32 = arith.constant 0 : i32
    %c0_i32_0 = arith.constant 0 : i32
    %c0_i32_1 = arith.constant 0 : i32
    return %c0_i32, %c0_i32_0 : i32, i32
  }
  func.func @transform_6(%arg0: i32) -> (i32, i32) {
    %c0_i32 = arith.constant 0 : i32
    %c0_i32_0 = arith.constant 0 : i32
    %c0_i32_1 = arith.constant 0 : i32
    return %c0_i32, %c0_i32_0 : i32, i32
  }
  func.func @transform_7(%arg0: i32) -> (i32, i32) {
    %c0_i32 = arith.constant 0 : i32
    %c0_i32_0 = arith.constant 0 : i32
    %c0_i32_1 = arith.constant 0 : i32
    return %c0_i32, %c0_i32_0 : i32, i32
  }
  func.func @transform_8(%arg0: i32) -> (i32, i32) {
    %c0_i32 = arith.constant 0 : i32
    %c0_i32_0 = arith.constant 0 : i32
    %c0_i32_1 = arith.constant 0 : i32
    return %c0_i32, %c0_i32_0 : i32, i32
  }
  func.func @transform_9(%arg0: i32) -> (i32, i32) {
    %c0_i32 = arith.constant 0 : i32
    %c0_i32_0 = arith.constant 0 : i32
    return %arg0, %c0_i32 : i32, i32
  }
}

module attributes {stable_mosaic.version = 14 : i64} {
  func.func @_gru_body(%arg0: i32, %arg1: memref<1000x128xf32, #tpu.memory_space<vmem>>, %arg2: memref<1000x128xf32, #tpu.memory_space<vmem>>, %arg3: memref<1000x128xf32, #tpu.memory_space<vmem>>, %arg4: memref<1000x128xf32, #tpu.memory_space<vmem>>, %arg5: memref<1000x128xf32, #tpu.memory_space<vmem>>, %arg6: memref<128x384xf32, #tpu.memory_space<vmem>>, %arg7: memref<128x384xf32, #tpu.memory_space<vmem>>, %arg8: memref<1x384xf32, #tpu.memory_space<vmem>>, %arg9: memref<1x384xf32, #tpu.memory_space<vmem>>, %arg10: memref<1000x128xf32, #tpu.memory_space<vmem>>) attributes {dimension_semantics = [#tpu.dimension_semantics<arbitrary>], iteration_bounds = array<i64: 10>, scalar_prefetch = 0 : i64, scratch_operands = 0 : i64, tpu.core_type = #tpu.core_type<tc>, window_params = [{transform_indices = @transform_0, window_bounds = array<i64: 1000, 128>}, {transform_indices = @transform_1, window_bounds = array<i64: 1000, 128>}, {transform_indices = @transform_2, window_bounds = array<i64: 1000, 128>}, {transform_indices = @transform_3, window_bounds = array<i64: 1000, 128>}, {transform_indices = @transform_4, window_bounds = array<i64: 1000, 128>}, {pipeline_mode = #tpu.pipeline_mode<synchronous>, transform_indices = @transform_5, window_bounds = array<i64: 128, 384>}, {pipeline_mode = #tpu.pipeline_mode<synchronous>, transform_indices = @transform_6, window_bounds = array<i64: 128, 384>}, {pipeline_mode = #tpu.pipeline_mode<synchronous>, transform_indices = @transform_7, window_bounds = array<i64: 1, 384>}, {pipeline_mode = #tpu.pipeline_mode<synchronous>, transform_indices = @transform_8, window_bounds = array<i64: 1, 384>}, {transform_indices = @transform_9, window_bounds = array<i64: 1000, 128>}]} {
    %get3A = arith.constant 0 : index
    %get3A_0 = arith.constant 0 : index
    %get3A_1 = vector.load %arg1[%get3A, %get3A_0] : memref<1000x128xf32, #tpu.memory_space<vmem>>, vector<1000x128xf32>
    %get3A_2 = arith.constant 0 : index
    %get3A_3 = arith.constant 0 : index
    %get3A_4 = vector.load %arg2[%get3A_2, %get3A_3] : memref<1000x128xf32, #tpu.memory_space<vmem>>, vector<1000x128xf32>
    %add3A = arith.addf %get3A_1, %get3A_4 : vector<1000x128xf32>
    %get3A_5 = arith.constant 0 : index
    %get3A_6 = arith.constant 0 : index
    %get3A_7 = vector.load %arg3[%get3A_5, %get3A_6] : memref<1000x128xf32, #tpu.memory_space<vmem>>, vector<1000x128xf32>
    %get3A_8 = arith.constant 0 : index
    %get3A_9 = arith.constant 0 : index
    %get3A_10 = vector.load %arg4[%get3A_8, %get3A_9] : memref<1000x128xf32, #tpu.memory_space<vmem>>, vector<1000x128xf32>
    %add3A_11 = arith.addf %get3A_7, %get3A_10 : vector<1000x128xf32>
    %add3A_12 = arith.addf %add3A, %add3A_11 : vector<1000x128xf32>
    %get3A_13 = arith.constant 0 : index
    %get3A_14 = arith.constant 0 : index
    %get3A_15 = vector.load %arg5[%get3A_13, %get3A_14] : memref<1000x128xf32, #tpu.memory_space<vmem>>, vector<1000x128xf32>
    %get3A_16 = arith.constant 0 : index
    %get3A_17 = arith.constant 0 : index
    %get3A_18 = vector.load %arg6[%get3A_16, %get3A_17] : memref<128x384xf32, #tpu.memory_space<vmem>>, vector<128x384xf32>
    %dot_general3A = arith.constant dense<0.000000e+00> : vector<1000x384xf32>
    %dot_general3A_19 = tpu.matmul %add3A_12, %get3A_18, %dot_general3A {dimension_numbers = #tpu.dot_dimension_numbers<[1], [0], [0], [1], [0, 0, 1, 1], [], []>, transpose_lhs_hint = false} : vector<1000x128xf32>, vector<128x384xf32>, vector<1000x384xf32> -> vector<1000x384xf32>
    %get3A_20 = arith.constant 0 : index
    %get3A_21 = arith.constant 0 : index
    %get3A_22 = vector.load %arg8[%get3A_20, %get3A_21] : memref<1x384xf32, #tpu.memory_space<vmem>>, vector<1x384xf32>
    %add3A_23 = vector.broadcast %get3A_22 : vector<1x384xf32> to vector<1000x384xf32>
    %add3A_24 = arith.addf %dot_general3A_19, %add3A_23 : vector<1000x384xf32>
    %get3A_25 = arith.constant 0 : index
    %get3A_26 = arith.constant 0 : index
    %get3A_27 = vector.load %arg7[%get3A_25, %get3A_26] : memref<128x384xf32, #tpu.memory_space<vmem>>, vector<128x384xf32>
    %dot_general3A_28 = arith.constant dense<0.000000e+00> : vector<1000x384xf32>
    %dot_general3A_29 = tpu.matmul %get3A_15, %get3A_27, %dot_general3A_28 {dimension_numbers = #tpu.dot_dimension_numbers<[1], [0], [0], [1], [0, 0, 1, 1], [], []>, transpose_lhs_hint = false} : vector<1000x128xf32>, vector<128x384xf32>, vector<1000x384xf32> -> vector<1000x384xf32>
    %get3A_30 = arith.constant 0 : index
    %get3A_31 = arith.constant 0 : index
    %get3A_32 = vector.load %arg9[%get3A_30, %get3A_31] : memref<1x384xf32, #tpu.memory_space<vmem>>, vector<1x384xf32>
    %add3A_33 = vector.broadcast %get3A_32 : vector<1x384xf32> to vector<1000x384xf32>
    %add3A_34 = arith.addf %dot_general3A_29, %add3A_33 : vector<1000x384xf32>
    %slice3A = vector.extract_strided_slice %add3A_24 {offsets = [0, 0], sizes = [1000, 128], strides = [1, 1]} : vector<1000x384xf32> to vector<1000x128xf32>
    %slice3A_35 = vector.extract_strided_slice %add3A_34 {offsets = [0, 0], sizes = [1000, 128], strides = [1, 1]} : vector<1000x384xf32> to vector<1000x128xf32>
    %add3A_36 = arith.addf %slice3A, %slice3A_35 : vector<1000x128xf32>
    %logistic3A = arith.negf %add3A_36 : vector<1000x128xf32>
    %logistic3A_37 = math.exp %logistic3A : vector<1000x128xf32>
    %logistic3A_38 = arith.constant 1.000000e+00 : f32
    %logistic3A_39 = vector.broadcast %logistic3A_38 : f32 to vector<1000x128xf32>
    %logistic3A_40 = arith.addf %logistic3A_39, %logistic3A_37 : vector<1000x128xf32>
    %logistic3A_41 = arith.divf %logistic3A_39, %logistic3A_40 : vector<1000x128xf32>
    %slice3A_42 = vector.extract_strided_slice %add3A_24 {offsets = [0, 128], sizes = [1000, 128], strides = [1, 1]} : vector<1000x384xf32> to vector<1000x128xf32>
    %slice3A_43 = vector.extract_strided_slice %add3A_34 {offsets = [0, 128], sizes = [1000, 128], strides = [1, 1]} : vector<1000x384xf32> to vector<1000x128xf32>
    %add3A_44 = arith.addf %slice3A_42, %slice3A_43 : vector<1000x128xf32>
    %logistic3A_45 = arith.negf %add3A_44 : vector<1000x128xf32>
    %logistic3A_46 = math.exp %logistic3A_45 : vector<1000x128xf32>
    %logistic3A_47 = arith.constant 1.000000e+00 : f32
    %logistic3A_48 = vector.broadcast %logistic3A_47 : f32 to vector<1000x128xf32>
    %logistic3A_49 = arith.addf %logistic3A_48, %logistic3A_46 : vector<1000x128xf32>
    %logistic3A_50 = arith.divf %logistic3A_48, %logistic3A_49 : vector<1000x128xf32>
    %slice3A_51 = vector.extract_strided_slice %add3A_24 {offsets = [0, 256], sizes = [1000, 128], strides = [1, 1]} : vector<1000x384xf32> to vector<1000x128xf32>
    %slice3A_52 = vector.extract_strided_slice %add3A_34 {offsets = [0, 256], sizes = [1000, 128], strides = [1, 1]} : vector<1000x384xf32> to vector<1000x128xf32>
    %mul3A = arith.mulf %logistic3A_41, %slice3A_52 : vector<1000x128xf32>
    %add3A_53 = arith.addf %slice3A_51, %mul3A : vector<1000x128xf32>
    %tanh3A = math.tanh %add3A_53 : vector<1000x128xf32>
    %sub3A = arith.constant 1.000000e+00 : f32
    %sub3A_54 = vector.broadcast %sub3A : f32 to vector<1000x128xf32>
    %sub3A_55 = arith.subf %sub3A_54, %logistic3A_50 : vector<1000x128xf32>
    %mul3A_56 = arith.mulf %sub3A_55, %tanh3A : vector<1000x128xf32>
    %mul3A_57 = arith.mulf %logistic3A_50, %get3A_15 : vector<1000x128xf32>
    %add3A_58 = arith.addf %mul3A_56, %mul3A_57 : vector<1000x128xf32>
    %swap3A = arith.constant 0 : index
    %swap3A_59 = arith.constant 0 : index
    %swap3A_60 = vector.load %arg10[%swap3A, %swap3A_59] : memref<1000x128xf32, #tpu.memory_space<vmem>>, vector<1000x128xf32>
    tpu.vector_store %arg10[%swap3A, %swap3A_59], %add3A_58 {strides = array<i32>} : memref<1000x128xf32, #tpu.memory_space<vmem>>, vector<1000x128xf32>,
    return
  }
  func.func @transform_0(%arg0: i32) -> (i32, i32) {
    %c0_i32 = arith.constant 0 : i32
    %c0_i32_0 = arith.constant 0 : i32
    return %arg0, %c0_i32 : i32, i32
  }
  func.func @transform_1(%arg0: i32) -> (i32, i32) {
    %c0_i32 = arith.constant 0 : i32
    %c0_i32_0 = arith.constant 0 : i32
    return %arg0, %c0_i32 : i32, i32
  }
  func.func @transform_2(%arg0: i32) -> (i32, i32) {
    %c0_i32 = arith.constant 0 : i32
    %c0_i32_0 = arith.constant 0 : i32
    return %arg0, %c0_i32 : i32, i32
  }
  func.func @transform_3(%arg0: i32) -> (i32, i32) {
    %c0_i32 = arith.constant 0 : i32
    %c0_i32_0 = arith.constant 0 : i32
    return %arg0, %c0_i32 : i32, i32
  }
  func.func @transform_4(%arg0: i32) -> (i32, i32) {
    %c0_i32 = arith.constant 0 : i32
    %c0_i32_0 = arith.constant 0 : i32
    return %arg0, %c0_i32 : i32, i32
  }
  func.func @transform_5(%arg0: i32) -> (i32, i32) {
    %c0_i32 = arith.constant 0 : i32
    %c0_i32_0 = arith.constant 0 : i32
    %c0_i32_1 = arith.constant 0 : i32
    return %c0_i32, %c0_i32_0 : i32, i32
  }
  func.func @transform_6(%arg0: i32) -> (i32, i32) {
    %c0_i32 = arith.constant 0 : i32
    %c0_i32_0 = arith.constant 0 : i32
    %c0_i32_1 = arith.constant 0 : i32
    return %c0_i32, %c0_i32_0 : i32, i32
  }
  func.func @transform_7(%arg0: i32) -> (i32, i32) {
    %c0_i32 = arith.constant 0 : i32
    %c0_i32_0 = arith.constant 0 : i32
    %c0_i32_1 = arith.constant 0 : i32
    return %c0_i32, %c0_i32_0 : i32, i32
  }
  func.func @transform_8(%arg0: i32) -> (i32, i32) {
    %c0_i32 = arith.constant 0 : i32
    %c0_i32_0 = arith.constant 0 : i32
    %c0_i32_1 = arith.constant 0 : i32
    return %c0_i32, %c0_i32_0 : i32, i32
  }
  func.func @transform_9(%arg0: i32) -> (i32, i32) {
    %c0_i32 = arith.constant 0 : i32
    %c0_i32_0 = arith.constant 0 : i32
    return %arg0, %c0_i32 : i32, i32
  }
}

</mosaic_0001>

<sc_bundles>
// kernel: kernel.12.cloned.1.call-start
scs
__scs_entry_jumppad:
0x0: {  	(pc) =	sbr.rel $0x88, $3  }
0x1: {  	(tag) =	ssettag $0x0;
	lr =	simm.s32 $0x1  }
0x2: {  	[smem:$0x3F92] =	sst lr;
	_ =	strace $0xD0000000  }
0x3: {  	_ = 	snop  }
0x4: {  	_ = 	snop  }
0x5: {  	_ = 	snop  }
0x6: {  	_ = 	snop  }
0x7: {  	_ = 	snop  }
__scs_overlays_trampoline_lowered:
0x8: {  	[smem:$0x3FA1] =	sst s0  }
0x9: {  	[smem:$0x3FA2] =	sst s1  }
0xa: {  	[smem:$0x3FA3] =	sst s2  }
0xb: {  	[smem:$0x3FA4] =	sst s3  }
0xc: {  	[smem:$0x3FA5] =	sst s4  }
0xd: {  	[smem:$0x3FA6] =	sst s5  }
0xe: {  	[smem:$0x3FA7] =	sst s6  }
0xf: {  	[smem:$0x3FA8] =	sst s7  }
0x10: {  	[smem:$0x3FA9] =	sst s8  }
0x11: {  	[smem:$0x3FAA] =	sst s9;
	s0 =	simm.s32 @!p0 $0x0  }
0x12: {  	s1 =	sld [smem:$0x3F90];
	s0 =	simm.s32 @p0 $0x1  }
0x13: {  	[smem:$0x3FAB] =	sst s0;
	s0 =	simm.s32 @!p1 $0x0  }
0x14: {  	s2 =	sld [smem:$0x3F8F];
	s0 =	simm.s32 @p1 $0x1  }
0x15: {  	[smem:$0x3FAC] =	sst s0;
	s0 =	simm.s32 @!p2 $0x0  }
0x16: {  	s3 =	sld [smem:$0x3FDB];
	s0 =	simm.s32 @p2 $0x1  }
0x17: {  	s4 =	simm.s32 $0x1BF5;
	[smem:$0x3FAE] =	sst s0  }
0x18: {  	s0 =	sld [smem:$0x3F91];
	_ =	swait.ge [sflag:s4], $0x0  }
0x19: {  	s7 =	sld [smem:$0x3F92]  }
0x1a: {  	s8 =	sadd.s32 $0xFFFFE003, lr  }
0x1b: {  	s9 =	sadd.s32 $0xFFFFFEF7, lr;
	s5 =	simm.s32 $0xFFFFFFFF;
	p2 =	slt.u32 s8, $0xFFFFF086  }
0x1c: {  	p1 =	slt.u32 s9, $0xF7A;
	s5 =	simm.s32 @!p2 $0x0  }
0x1d: {  	s5 =	simm.s32 @p1 $0x1;
	p0 =	seq.s32 s7, s2  }
0x1e: {  	s7 =	smul.u32 @!p0 $0xF7A, s2;
	p2 =	seq.s32 @!p0 s5, $0x0  }
0x1f: {  	s9 =	smul.u32 $0xF7A, s1;
	s8 =	simm.s32 @!p0 $0x1BF5;
	p2 =	por !p2, p0  }
0x20: {  	[sflag:s8] =	ssyncset.s32 @!p0 $0xFFFFF086;
	s6 =	sadd.s32 @!p0 s3, s7;
	s7 =	simm.s32 @!p0 $0x108  }
0x21: {  	s3 =	sadd.s32 s3, s9;
	s6 =	sadd.s32 @!p0 $0x88, s6;
	s7 =	simm.s32 @p2 $0x1082  }
0x22: {  	[simem:s7], [sflag:s8] =	dma.local @!p0 [hbm:s6], $0xF7A  }
0x23: {  	s9 =	sor.u32 $0xD0000000, s2;
	s6 =	simm.s32 $0x108;
	_ =	swait.ge @!p0 [sflag:s8], $0x0  }
0x24: {  	s3 =	sadd.s32 $0x88, s3;
	s6 =	simm.s32 @!p1 $0x1082;
	[sflag:s4] =	ssyncset.s32 $0xFFFFF086  }
0x25: {  	[simem:s6], [sflag:s4] =	dma.local [hbm:s3], $0xF7A  }
0x26: {  	[smem:$0x3F92] =	sst s1;
	(tag) =	ssettag s2;
	_ =	strace s9  }
0x27: {  	s1 =	sld [smem:$0x3FA2]  }
0x28: {  	s2 =	sld [smem:$0x3FA3]  }
0x29: {  	s4 =	sld [smem:$0x3FA5]  }
0x2a: {  	p0 =	seq.s32 s5, $0x0;
	s5 =	sld [smem:$0x3FA6]  }
0x2b: {  	s6 =	sld [smem:$0x3FA7]  }
0x2c: {  	s7 =	sld [smem:$0x3FA8]  }
0x2d: {  	s3 =	simm.s32 $0x108;
	s8 =	sld [smem:$0x3FA9]  }
0x2e: {  	s3 =	simm.s32 @!p0 $0x1082;
	s9 =	sld [smem:$0x3FAA]  }
0x2f: {  	lr =	sadd.s32 s0, s3;
	s0 =	sld [smem:$0x3FA1]  }
0x30: {  	s3 =	sld [smem:$0x3FA4]  }
0x31: {  	[smem:$0x3FAD] =	sst s10  }
0x32: {  	s10 =	sld [smem:$0x3FAB];
	_ =	sdelay $0x3  }
0x33: {  	p0 =	seq.s32 s10, $0x1;
	s10 =	sld [smem:$0x3FAD];
	_ =	sdelay $0x3  }
0x34: {  	[smem:$0x3FAD] =	sst s10  }
0x35: {  	s10 =	sld [smem:$0x3FAC];
	_ =	sdelay $0x3  }
0x36: {  	p1 =	seq.s32 s10, $0x1;
	s10 =	sld [smem:$0x3FAD];
	_ =	sdelay $0x3  }
0x37: {  	[smem:$0x3FAD] =	sst s10  }
0x38: {  	s10 =	sld [smem:$0x3FAE]  }
0x39: {  	_ = 	snop;
	(pc) =	sbr.ind lr, $3  }
0x3a: {  	_ = 	snop  }
0x3b: {  	_ = 	snop  }
0x3c: {  	p2 =	seq.s32 s10, $0x1;
	s10 =	sld [smem:$0x3FAD]  }
0x3d: {  	_ =	shalt  }
0x3e: {  	_ =	shalt  }
0x3f: {  	_ =	shalt  }
0x40: {  	_ =	shalt  }
0x41: {  	_ =	shalt  }
0x42: {  	_ =	shalt  }
0x43: {  	_ =	shalt  }
0x44: {  	_ =	shalt  }
0x45: {  	_ =	shalt  }
0x46: {  	_ =	shalt  }
0x47: {  	_ =	shalt  }
0x48: {  	_ =	shalt  }
0x49: {  	_ =	shalt  }
0x4a: {  	_ =	shalt  }
0x4b: {  	_ =	shalt  }
0x4c: {  	_ =	shalt  }
0x4d: {  	_ =	shalt  }
0x4e: {  	_ =	shalt  }
0x4f: {  	_ =	shalt  }
0x50: {  	_ =	shalt  }
0x51: {  	_ =	shalt  }
0x52: {  	_ =	shalt  }
0x53: {  	_ =	shalt  }
0x54: {  	_ =	shalt  }
0x55: {  	_ =	shalt  }
0x56: {  	_ =	shalt  }
0x57: {  	_ =	shalt  }
0x58: {  	_ =	shalt  }
0x59: {  	_ =	shalt  }
0x5a: {  	_ =	shalt  }
0x5b: {  	_ =	shalt  }
0x5c: {  	_ =	shalt  }
0x5d: {  	_ =	shalt  }
0x5e: {  	_ =	shalt  }
0x5f: {  	_ =	shalt  }
0x60: {  	_ =	shalt  }
0x61: {  	_ =	shalt  }
0x62: {  	_ =	shalt  }
0x63: {  	_ =	shalt  }
0x64: {  	_ =	shalt  }
0x65: {  	_ =	shalt  }
0x66: {  	_ =	shalt  }
0x67: {  	_ =	shalt  }
0x68: {  	_ =	shalt  }
0x69: {  	_ =	shalt  }
0x6a: {  	_ =	shalt  }
0x6b: {  	_ =	shalt  }
0x6c: {  	_ =	shalt  }
0x6d: {  	_ =	shalt  }
0x6e: {  	_ =	shalt  }
0x6f: {  	_ =	shalt  }
0x70: {  	_ =	shalt  }
0x71: {  	_ =	shalt  }
0x72: {  	_ =	shalt  }
0x73: {  	_ =	shalt  }
0x74: {  	_ =	shalt  }
0x75: {  	_ =	shalt  }
0x76: {  	_ =	shalt  }
0x77: {  	_ =	shalt  }
0x78: {  	_ =	shalt  }
0x79: {  	_ =	shalt  }
0x7a: {  	_ =	shalt  }
0x7b: {  	_ =	shalt  }
0x7c: {  	_ =	shalt  }
0x7d: {  	_ =	shalt  }
0x7e: {  	_ =	shalt  }
0x7f: {  	_ =	shalt  }
0x80: {  	_ =	shalt  }
0x81: {  	_ =	shalt  }
0x82: {  	_ =	shalt  }
0x83: {  	_ =	shalt  }
0x84: {  	_ =	shalt  }
0x85: {  	_ =	shalt  }
0x86: {  	_ =	shalt  }
0x87: {  	_ =	shalt  }
.Lfunc_end0:
.L_simem_size_0:
called_computation.1_lowered:
.L_overlay_start_0:
0x88: {  	s2 =	sld [smem:$0x3FD9]  }
0x89: {  	s3 =	sld [smem:$0x3FFE];
	_ =	sdelay $0x1  }
0x8a: {  	s1 =	srdreg.scid  }
0x8b: {  	s0 =	sand.u32 $0x1, s1  }
0x8c: {  	s17 =	sshll.u32 s0, $0xA;
	s2 =	sadd.s32 s3, s2  }
0x8d: {  	s2 =	sadd.s32 s2, s17  }
0x8e: {  	[smem:$0x3FB9] =	sst s2  }
0x8f: {  	_ = 	snop  }
0x90: {  	s2 =	sld [smem:$0x3FC9];
	(tm) =	ssettm $0x1  }
0x91: {  	s18 =	sld [smem:$0x3FFB];
	_ =	sdelay $0x3  }
0x92: {  	_ =	strace s18  }
0x93: {  	s3 =	sld [smem:$0x3FFC];
	_ =	sdelay $0x3  }
0x94: {  	_ =	strace s3  }
0x95: {  	s3 =	sld [smem:$0x3FFD];
	_ =	sdelay $0x3  }
0x96: {  	_ =	strace s3  }
0x97: {  	_ =	strace $0x8FFFFFFF  }
0x98: {  	s19 =	sld [smem:$0x3FDB];
	_ =	sdelay $0x1  }
0x99: {  	s4 =	simm.s32 $_scs_section_size  }
0x9a: {  	s5 =	simm.s32 $_size__tile_overlayer_lowered;
	s6 =	simm.s32 $_tile_overlayer_lowered  }
0x9b: {  	s22 =	simm.s32 $0x1BFF;
	s21 =	sshll.u32 s6, $0x1;
	s3 =	sadd.s32 s4, s19  }
0x9c: {  	s7 =	simm.s32 $0x0;
	s20 =	sshll.u32 s5, $0x1;
	s5 =	sadd.s32 s21, s3  }
0x9d: {  	[timem:s7], [sflag:s22] =	dma.local [hbm:s5], s20  }
0x9e: {  	_ =	swait.ge [sflag:s22], s20  }
0x9f: {  	s4 =	ssub.s32 $0x0, s20;
	[sflag:s22] =	ssyncset.done $0x0  }
0xa0: {  	[sflag:s22] =	ssyncadd.s32 s4;
	_ =	sdelay $0x1  }
0xa1: {  	s23 =	simm.s32 $0x1B8B  }
0xa2: {  	_ =	swait.ge [sflag:s23], $0x1  }
0xa3: {  	[sflag:s23] =	ssyncset.done $0x0  }
0xa4: {  	s25 =	simm.s32 $0x1B8E;
	s24 =	sld [smem:$0x3FFE];
	[sflag:s23] =	ssyncadd.s32 $0xFFFFFFFF  }
0xa5: {  	s26 =	simm.s32 $execute0_lowered;
	[smem:$0x3FD2] =	sst s25  }
0xa6: {  	s5 =	sshll.u32 s26, $0x1;
	_ =	strace $0x80000046;
	[dreg:$0x1] =	wrdreg $0xFFFFFFFF  }
0xa7: {  	s28 =	simm.s32 $_size_execute0_lowered;
	s3 =	sadd.s32 s3, s5;
	[dreg:$0x0] =	wrdreg $0x0  }
0xa8: {  	s5 =	sshll.u32 s28, $0x1;
	[dreg:$0x2] =	wrdreg s3  }
0xa9: {  	[dreg:$0x3] =	wrdreg s5  }
0xaa: {  	[dreg:$0x4] =	wrdreg $0xC0  }
0xab: {  	_ =	task [dreg:s7], $0x5FFFF  }
0xac: {  	[dreg:$0x1] =	wrdreg $0xFFFFFFFF  }
0xad: {  	[dreg:$0x0] =	wrdreg $0x60  }
0xae: {  	[dreg:$0x2] =	wrdreg s2  }
0xaf: {  	[dreg:$0x3] =	wrdreg s24  }
0xb0: {  	[dreg:$0x4] =	wrdreg $0xA  }
0xb1: {  	_ =	task.clear_ibuf [dreg:s7], $0x5FFFF;
	_ =	strace $0x90000046  }
0xb2: {  	s29 =	simm.s32 $0xA;
	_ =	strace $0x80000048  }
0xb3: {  	_ =	swait.ge [sflag:s29], $0x1  }
0xb4: {  	[sflag:s29] =	ssyncadd.s32 $0xFFFFFFFF  }
0xb5: {  	_ =	strace $0x90000048  }
0xb6: {  	_ =	sfence  }
0xb7: {  	s30 =	sld [smem:$0x0];
	_ =	sdelay $0x2  }
0xb8: {  	s31 =	sshll.u32 s1, $0xD;
	s1 =	sshrl.u32 s1, $0x2  }
0xb9: {  	s3 =	sand.u32 $0x4000, s31;
	s1 =	sadd.s32 s1, s30  }
0xba: {  	s0 =	sor.u32 s3, s0;
	s1 =	sshll.u32 s1, $0x11  }
0xbb: {  	s0 =	sor.u32 s1, s0  }
0xbc: {  	s0 =	sadd.s32 $0x8F2B, s0  }
0xbd: {  	[sflag:s0] =	ssyncadd.remote.s32 $0x1  }
0xbe: {  	_ =	sfence.sel $0xFFFF  }
0xbf: {  	[dreg:$0x0] =	wrdreg $0xFFFFFFFF;
	(pc) =	sbr.abs _section_cstart, $3  }
0xc0: {  	[dreg:$0x1] =	wrdreg $0xFFFFFFFF  }
0xc1: {  	_ =	task.clear_ibuf [dreg:s7], $0x2FFFF;
	_ =	strace $0x9FFFFFFF  }
0xc2: {  	(tm) =	ssettm $0x7FFFFFFF  }
0xc3: {  	_ =	shalt  }
tec
execute0_lowered:
.L_overlay_start_1:
0x0: {  	(tag) =	ssettag $0x1  }
0x1: {  	s2 =	rddreg [dreg:$0x0]  }
0x2: {  	s1 =	srdreg.scid;
	s0 =	stileid.u32  }
0x3: {  	s4 =	rddreg [dreg:$0x1];
	s3 =	simm.s32 $0x0;
	s9 =	simm.s32 $0x7  }
0x4: {  	s10 =	simm.s32 $0x1400;
	s11 =	simm.s32 $0x80;
	s12 =	simm.s32 $0x2800  }
0x5: {  	s13 =	simm.s32 $0xA800;
	s14 =	simm.s32 $0x1;
	s15 =	simm.s32 $0x3  }
0x6: {  	s16 =	simm.s32 $0x12800;
	s17 =	simm.s32 $0x2;
	s18 =	simm.s32 $0x4  }
0x7: {  	s19 =	simm.s32 $0x16800;
	s20 =	simm.s32 $0x5;
	s21 =	simm.s32 $0x6  }
0x8: {  	s22 =	simm.s32 $0x0;
	s5 =	sand.u32 $0x1, s1;
	s6 =	sshll.u32 s0, $0x1  }
.Ltmp0:
0x9: {  	s1 =	rddreg [dreg:$0x2];
	s7 =	sor.u32 s5, s6;
	(pc) =	sbr.rel .LBB2_1-.Ltmp0, $4  }
0xa: {  	[smem:$0x7FF] =	sst s3;
	s5 =	ssub.s32 $0x2, s5;
	s6 =	smul.u32 $0x280, s7  }
0xb: {  	_ =	strace $0x80000047;
	s8 =	sshrl.u32 s5, $0x1;
	s7 =	smul.u32 $0x28, s7  }
0xc: {  	s8 =	ssub.s32 s5, s8;
	s6 =	sadd.s32 s6, s4;
	s4 =	sadd.s32 $0x12A00, s4  }
0xd: {  	s8 =	smax.u32 s8, $0x1;
	s5 =	sadd.s32 $0xDA00, s6;
	s6 =	sadd.s32 $0x8A00, s6  }
.LBB2_11:
0xe: {  	s22 =	sadd.s32 $0x1, s22  }
0xf: {  	_ =	swait.ge [sflag:s20], $0x4000;
	p0 =	sne.s32 s22, s8  }
.Ltmp1:
0x10: {  	[sflag:s20] =	ssyncset.done $0x0;
	(pc) =	sbr.rel @!p0 .LBB2_12-.Ltmp1, $4  }
0x11: {  	[sflag:s20] =	ssyncadd.s32 $0xFFFFC000  }
0x12: {  	_ =	swait.ge [sflag:s21], $0x4000  }
0x13: {  	[sflag:s21] =	ssyncset.done $0x0  }
0x14: {  	[sflag:s21] =	ssyncadd.s32 $0xFFFFC000  }
.LBB2_1:
0x15: {  	[tilespmem:s3], [sflag:$0x7] =	stream.linear.gather [hbm4b:s5+s3], $0x1400, $0x38;
	[tilespmem:$0x1A800] =	vst v63  }
0x16: {  	_ =	swait.ge [sflag:s9], $0x1400  }
0x17: {  	[sflag:s9] =	ssyncset.done $0x0  }
0x18: {  	[sflag:s9] =	ssyncadd.s32 $0xFFFFEC00  }
0x19: {  	[tilespmem:s10], [sflag:$0x7] =	stream.linear.gather [hbm4b:s6+s3], $0x1400, $0x38;
	[tilespmem:$0x1A800] =	vst v63  }
0x1a: {  	_ =	swait.ge [sflag:s9], $0x1400  }
.Ltmp2:
0x1b: {  	[sflag:s9] =	ssyncset.done $0x0;
	(pc) =	sbr.rel .LBB2_2-.Ltmp2, $4  }
0x1c: {  	[sflag:s9] =	ssyncadd.s32 $0xFFFFEC00  }
0x1d: {  	[tilespmem:s12], [sflag:$0x1] =	stream.indirect.gather [hbm4b:s2+s11], $0x80, s3, s11, $0xb8;
	[tilespmem:$0x1A800] =	vst v63  }
0x1e: {  	s23 =	simm.s32 $0x0  }
0x1f: {  	[tilespmem:s13], [sflag:$0x3] =	stream.indirect.gather [hbm4b:s2+s11], $0x80, s10, s11, $0xb8;
	[tilespmem:$0x1A800] =	vst v63  }
.LBB2_10:
0x20: {  	s23 =	sadd.s32 $0x1, s23  }
0x21: {  	p0 =	sne.s32 s23, $0x15  }
.Ltmp3:
0x22: {  	_ = 	snop;
	(pc) =	sbr.rel @!p0 .LBB2_11-.Ltmp3, $1  }
0x23: {  	_ =	sdelay $0x3  }
.LBB2_2:
0x24: {  	s25 =	sshllo.u32 s23, $0x1  }
0x25: {  	s24 =	sadd.s32 s7, s25  }
0x26: {  	p0 =	sne.s32 s23, $0x14;
	p1 =	slt.u32 s24, $0x4E2  }
0x27: {  	p0 =	por !p0, !p1  }
0x28: {  	p0 =	por !p0, !p0  }
0x29: {  	s26 =	sshll.u32 @p0 s25, $0x7;
	s28 =	simm.s32 @p0 $0x80;
	s25 =	simm.s32 @p0 $0x6800  }
0x2a: {  	[tilespmem:s25], [sflag:$0x2] =	stream.indirect.gather @p0 [hbm4b:s2+s28], $0x80, s26, s28, $0xb8;
	[tilespmem:$0x1A800] =	vst v63  }
0x2b: {  	s29 =	simm.s32 @p0 $0xE800;
	s25 =	sshll.u32 s23, $0x1;
	s26 =	sadd.s32 @p0 $0x1400, s26  }
0x2c: {  	[tilespmem:s29], [sflag:$0x4] =	stream.indirect.gather @p0 [hbm4b:s2+s28], $0x80, s26, s28, $0xb8;
	[tilespmem:$0x1A800] =	vst v63  }
0x2d: {  	p1 =	seq.s32 s23, $0x14;
	s26 =	sadd.s32 s7, s25  }
0x2e: {  	p2 =	sgt.u32 @!p1 s26, $0x4E1  }
0x2f: {  	p1 =	por p1, p2  }
.Ltmp4:
0x30: {  	_ = 	snop;
	(pc) =	sbr.rel @p1 .LBB2_6-.Ltmp4, $1  }
0x31: {  	_ =	sdelay $0x3  }
0x32: {  	_ =	swait.ge [sflag:s14], $0x4000  }
0x33: {  	[sflag:s14] =	ssyncset.done $0x0  }
0x34: {  	[sflag:s14] =	ssyncadd.s32 $0xFFFFC000  }
0x35: {  	_ =	swait.ge [sflag:s15], $0x4000  }
0x36: {  	p1 =	seq.s32 s23, $0x0;
	[sflag:s15] =	ssyncset.done $0x0  }
0x37: {  	s28 =	simm.s32 @!p1 $0x5;
	[sflag:s15] =	ssyncadd.s32 $0xFFFFC000  }
0x38: {  	_ =	swait.ge @!p1 [sflag:s28], $0x4000  }
0x39: {  	[sflag:s28] =	ssyncset.done @!p1 $0x0  }
0x3a: {  	[sflag:s28] =	ssyncadd.s32 @!p1 $0xFFFFC000;
	s28 =	simm.s32 $0x0  }
0x3b: {  	v0 =	vld [tilespmem:s28+$0x2870]  }
0x3c: {  	v1 =	vld [tilespmem:s28+$0xA870]  }
0x3d: {  	v2 =	vld [tilespmem:s28+$0x2800]  }
0x3e: {  	v3 =	vld [tilespmem:s28+$0xA800]  }
0x3f: {  	v4 =	vld [tilespmem:s28+$0x2810]  }
0x40: {  	v5 =	vld [tilespmem:s28+$0xA810]  }
0x41: {  	v6 =	vld [tilespmem:s28+$0x2820]  }
0x42: {  	v7 =	vld [tilespmem:s28+$0x2830]  }
0x43: {  	v0 =	vsub.f32 v0, v1;
	v1 =	vld [tilespmem:s28+$0xA820]  }
0x44: {  	v8 =	vld [tilespmem:s28+$0xA830]  }
0x45: {  	v9 =	vld [tilespmem:s28+$0xA840];
	v2 =	vsub.f32 v2, v3  }
0x46: {  	[tilespmem:s28+$0x12870] =	vst v0;
	v0 =	vsub.f32 v4, v5;
	v5 =	vld [tilespmem:s28+$0x2840]  }
0x47: {  	v3 =	vld [tilespmem:s28+$0xA850];
	[tilespmem:s28+$0x12800] =	vst v2  }
0x48: {  	v2 =	vld [tilespmem:s28+$0x2850];
	[tilespmem:s28+$0x12810] =	vst v0;
	v0 =	vsub.f32 v6, v1  }
0x49: {  	v4 =	vld [tilespmem:s28+$0xA860];
	v6 =	vsub.f32 v7, v8  }
0x4a: {  	s29 =	simm.s32 $0x80;
	[tilespmem:s28+$0x12820] =	vst v0;
	v0 =	vld [tilespmem:s28+$0x2860]  }
0x4b: {  	s30 =	simm.s32 $0x400;
	v5 =	vsub.f32 v5, v9;
	v1 =	vld [tilespmem:s29+$0x2870];
	[tilespmem:s28+$0x12830] =	vst v6  }
.LBB2_4:
0x4c: {  	p1 =	sne.s32 s30, $0xFE00;
	v6 =	vld [tilespmem:s29+$0xA870]  }
0x4d: {  	v7 =	vld [tilespmem:s29+$0x2800];
	[tilespmem:s28+$0x12840] =	vst v5;
	v2 =	vsub.f32 v2, v3  }
0x4e: {  	v3 =	vld [tilespmem:s29+$0xA800]  }
0x4f: {  	v5 =	vld [tilespmem:s29+$0x2810];
	[tilespmem:s28+$0x12850] =	vst v2;
	v0 =	vsub.f32 v0, v4  }
0x50: {  	v2 =	vld [tilespmem:s29+$0xA810]  }
0x51: {  	v4 =	vld [tilespmem:s29+$0x2820];
	v1 =	vsub.f32 v1, v6;
	[tilespmem:s28+$0x12860] =	vst v0;
	s28 =	smov.u32 s29  }
0x52: {  	v0 =	vld [tilespmem:s28+$0xA820]  }
0x53: {  	v3 =	vsub.f32 v7, v3;
	v6 =	vld [tilespmem:s28+$0x2830];
	[tilespmem:s28+$0x12870] =	vst v1  }
0x54: {  	v1 =	vld [tilespmem:s28+$0xA830]  }
0x55: {  	[tilespmem:s28+$0x12800] =	vst v3;
	v2 =	vsub.f32 v5, v2;
	v5 =	vld [tilespmem:s28+$0x2840]  }
0x56: {  	v7 =	vld [tilespmem:s28+$0xA840]  }
.Ltmp5:
0x57: {  	[tilespmem:s28+$0x12810] =	vst v2;
	v0 =	vsub.f32 v4, v0;
	v2 =	vld [tilespmem:s28+$0x2850];
	(pc) =	sbr.rel @p1 .LBB2_4-.Ltmp5, $4  }
0x58: {  	v3 =	vld [tilespmem:s28+$0xA850]  }
0x59: {  	[tilespmem:s28+$0x12820] =	vst v0;
	v6 =	vsub.f32 v6, v1;
	v0 =	vld [tilespmem:s28+$0x2860]  }
0x5a: {  	s29 =	sshra.s32 s30, $0x2;
	v4 =	vld [tilespmem:s28+$0xA860]  }
0x5b: {  	s30 =	sadd.s32 $0x200, s30;
	v1 =	vld [tilespmem:s29+$0x2870];
	[tilespmem:s28+$0x12830] =	vst v6;
	v5 =	vsub.f32 v5, v7  }
0x5c: {  	v6 =	vld [tilespmem:s29+$0xA870]  }
0x5d: {  	v7 =	vld [tilespmem:s29+$0x2800];
	[tilespmem:s28+$0x12840] =	vst v5;
	v2 =	vsub.f32 v2, v3  }
0x5e: {  	v51 =	vld [tilespmem:s29+$0xA800]  }
0x5f: {  	v5 =	vld [tilespmem:s29+$0x2810];
	[tilespmem:s28+$0x12850] =	vst v2;
	v0 =	vsub.f32 v0, v4  }
0x60: {  	v2 =	vld [tilespmem:s29+$0xA810]  }
0x61: {  	v52 =	vld [tilespmem:s29+$0x2820];
	[tilespmem:s28+$0x12860] =	vst v0  }
0x62: {  	v54 =	vld [tilespmem:s29+$0xA820]  }
0x63: {  	v55 =	vld [tilespmem:s29+$0x2830]  }
0x64: {  	v56 =	vld [tilespmem:s29+$0xA830]  }
0x65: {  	v57 =	vld [tilespmem:s29+$0x2840]  }
0x66: {  	v58 =	vld [tilespmem:s29+$0xA840]  }
0x67: {  	v59 =	vld [tilespmem:s29+$0x2850]  }
0x68: {  	v53 =	vsub.f32 v1, v6;
	v60 =	vld [tilespmem:s29+$0xA850]  }
0x69: {  	v61 =	vld [tilespmem:s29+$0x2860];
	v3 =	vsub.f32 v7, v51  }
0x6a: {  	v62 =	vld [tilespmem:s29+$0xA860];
	[tilespmem:s29+$0x12870] =	vst v53;
	v2 =	vsub.f32 v5, v2  }
0x6b: {  	[tilespmem:s29+$0x12800] =	vst v3;
	v1 =	vsub.f32 v52, v54  }
0x6c: {  	[tilespmem:s29+$0x12810] =	vst v2;
	v0 =	vsub.f32 v55, v56  }
0x6d: {  	v3 =	vsub.f32 v57, v58;
	[tilespmem:s29+$0x12820] =	vst v1  }
0x6e: {  	v63 =	vsub.f32 v59, v60;
	[tilespmem:s29+$0x12830] =	vst v0  }
0x6f: {  	[tilespmem:s29+$0x12840] =	vst v3;
	v1 =	vsub.f32 v61, v62  }
0x70: {  	s26 =	sshll.u32 s26, $0xB;
	[tilespmem:s29+$0x12850] =	vst v63  }
0x71: {  	s26 =	sadd.s32 s4, s26;
	[tilespmem:s29+$0x12860] =	vst v1  }
0x72: {  	[hbm4b:s26+s3] =	stream.linear.scatter [tilespmem:s16], [sflag:$0x5], $0x4000, $0x38;
	[tilespmem:$0x1A800] =	vst v63  }
.LBB2_6:
0x73: {  	s25 =	sadd.s32 $0x2, s25  }
0x74: {  	p1 =	sgt.u32 s23, $0x12;
	s26 =	sadd.s32 s7, s25  }
0x75: {  	p2 =	sgt.u32 @!p1 s26, $0x4E1  }
.Ltmp6:
0x76: {  	p1 =	por p2, p1;
	(pc) =	sbr.rel @!p0 .LBB2_10-.Ltmp6, $4  }
0x77: {  	s25 =	sshll.u32 @!p1 s25, $0x7;
	s26 =	simm.s32 @!p1 $0x80;
	s28 =	simm.s32 @!p1 $0x2800  }
0x78: {  	[tilespmem:s28], [sflag:$0x1] =	stream.indirect.gather @!p1 [hbm4b:s2+s26], $0x80, s25, s26, $0xb8;
	[tilespmem:$0x1A800] =	vst v63  }
0x79: {  	s25 =	sadd.s32 @!p1 $0x1400, s25;
	s28 =	simm.s32 @!p1 $0xA800  }
0x7a: {  	[tilespmem:s28], [sflag:$0x3] =	stream.indirect.gather @!p1 [hbm4b:s2+s26], $0x80, s25, s26, $0xb8;
	[tilespmem:$0x1A800] =	vst v63  }
0x7b: {  	_ =	swait.ge [sflag:s17], $0x4000  }
0x7c: {  	[sflag:s17] =	ssyncset.done $0x0  }
0x7d: {  	[sflag:s17] =	ssyncadd.s32 $0xFFFFC000  }
0x7e: {  	_ =	swait.ge [sflag:s18], $0x4000  }
0x7f: {  	p0 =	seq.s32 s23, $0x0;
	[sflag:s18] =	ssyncset.done $0x0  }
0x80: {  	s25 =	simm.s32 @!p0 $0x6;
	[sflag:s18] =	ssyncadd.s32 $0xFFFFC000  }
0x81: {  	_ =	swait.ge @!p0 [sflag:s25], $0x4000  }
0x82: {  	[sflag:s25] =	ssyncset.done @!p0 $0x0  }
0x83: {  	[sflag:s25] =	ssyncadd.s32 @!p0 $0xFFFFC000;
	s25 =	simm.s32 $0x0  }
0x84: {  	v0 =	vld [tilespmem:s25+$0x6870]  }
0x85: {  	v1 =	vld [tilespmem:s25+$0xE870]  }
0x86: {  	v2 =	vld [tilespmem:s25+$0x6800]  }
0x87: {  	v3 =	vld [tilespmem:s25+$0xE800]  }
0x88: {  	v4 =	vld [tilespmem:s25+$0x6810]  }
0x89: {  	v5 =	vld [tilespmem:s25+$0xE810]  }
0x8a: {  	v6 =	vld [tilespmem:s25+$0x6820]  }
0x8b: {  	v7 =	vld [tilespmem:s25+$0x6830]  }
0x8c: {  	v0 =	vsub.f32 v0, v1;
	v1 =	vld [tilespmem:s25+$0xE820]  }
0x8d: {  	v8 =	vld [tilespmem:s25+$0xE830]  }
0x8e: {  	v9 =	vld [tilespmem:s25+$0xE840];
	v2 =	vsub.f32 v2, v3  }
0x8f: {  	[tilespmem:s25+$0x16870] =	vst v0;
	v0 =	vsub.f32 v4, v5;
	v5 =	vld [tilespmem:s25+$0x6840]  }
0x90: {  	v3 =	vld [tilespmem:s25+$0xE850];
	[tilespmem:s25+$0x16800] =	vst v2  }
0x91: {  	v2 =	vld [tilespmem:s25+$0x6850];
	[tilespmem:s25+$0x16810] =	vst v0;
	v0 =	vsub.f32 v6, v1  }
0x92: {  	v4 =	vld [tilespmem:s25+$0xE860];
	v6 =	vsub.f32 v7, v8  }
0x93: {  	s26 =	simm.s32 $0x80;
	[tilespmem:s25+$0x16820] =	vst v0;
	v0 =	vld [tilespmem:s25+$0x6860]  }
0x94: {  	s28 =	simm.s32 $0x400;
	v5 =	vsub.f32 v5, v9;
	v1 =	vld [tilespmem:s26+$0x6870];
	[tilespmem:s25+$0x16830] =	vst v6  }
.LBB2_8:
0x95: {  	p0 =	sne.s32 s28, $0xFE00;
	v6 =	vld [tilespmem:s26+$0xE870]  }
0x96: {  	v7 =	vld [tilespmem:s26+$0x6800];
	[tilespmem:s25+$0x16840] =	vst v5;
	v2 =	vsub.f32 v2, v3  }
0x97: {  	v3 =	vld [tilespmem:s26+$0xE800]  }
0x98: {  	v5 =	vld [tilespmem:s26+$0x6810];
	[tilespmem:s25+$0x16850] =	vst v2;
	v0 =	vsub.f32 v0, v4  }
0x99: {  	v2 =	vld [tilespmem:s26+$0xE810]  }
0x9a: {  	v4 =	vld [tilespmem:s26+$0x6820];
	v1 =	vsub.f32 v1, v6;
	[tilespmem:s25+$0x16860] =	vst v0;
	s25 =	smov.u32 s26  }
0x9b: {  	v0 =	vld [tilespmem:s25+$0xE820]  }
0x9c: {  	v3 =	vsub.f32 v7, v3;
	v6 =	vld [tilespmem:s25+$0x6830];
	[tilespmem:s25+$0x16870] =	vst v1  }
0x9d: {  	v1 =	vld [tilespmem:s25+$0xE830]  }
0x9e: {  	[tilespmem:s25+$0x16800] =	vst v3;
	v2 =	vsub.f32 v5, v2;
	v5 =	vld [tilespmem:s25+$0x6840]  }
0x9f: {  	v7 =	vld [tilespmem:s25+$0xE840]  }
.Ltmp7:
0xa0: {  	[tilespmem:s25+$0x16810] =	vst v2;
	v0 =	vsub.f32 v4, v0;
	v2 =	vld [tilespmem:s25+$0x6850];
	(pc) =	sbr.rel @p0 .LBB2_8-.Ltmp7, $4  }
0xa1: {  	v3 =	vld [tilespmem:s25+$0xE850]  }
0xa2: {  	[tilespmem:s25+$0x16820] =	vst v0;
	v6 =	vsub.f32 v6, v1;
	v0 =	vld [tilespmem:s25+$0x6860]  }
0xa3: {  	s26 =	sshra.s32 s28, $0x2;
	v4 =	vld [tilespmem:s25+$0xE860]  }
0xa4: {  	s28 =	sadd.s32 $0x200, s28;
	v1 =	vld [tilespmem:s26+$0x6870];
	[tilespmem:s25+$0x16830] =	vst v6;
	v5 =	vsub.f32 v5, v7  }
0xa5: {  	v6 =	vld [tilespmem:s26+$0xE870]  }
0xa6: {  	v7 =	vld [tilespmem:s26+$0x6800];
	[tilespmem:s25+$0x16840] =	vst v5;
	v2 =	vsub.f32 v2, v3  }
0xa7: {  	v51 =	vld [tilespmem:s26+$0xE800]  }
0xa8: {  	v5 =	vld [tilespmem:s26+$0x6810];
	[tilespmem:s25+$0x16850] =	vst v2;
	v0 =	vsub.f32 v0, v4  }
0xa9: {  	v2 =	vld [tilespmem:s26+$0xE810]  }
0xaa: {  	v52 =	vld [tilespmem:s26+$0x6820];
	[tilespmem:s25+$0x16860] =	vst v0  }
0xab: {  	v54 =	vld [tilespmem:s26+$0xE820]  }
0xac: {  	v55 =	vld [tilespmem:s26+$0x6830]  }
0xad: {  	v56 =	vld [tilespmem:s26+$0xE830]  }
0xae: {  	v57 =	vld [tilespmem:s26+$0x6840]  }
0xaf: {  	v58 =	vld [tilespmem:s26+$0xE840]  }
0xb0: {  	v59 =	vld [tilespmem:s26+$0x6850]  }
0xb1: {  	v53 =	vsub.f32 v1, v6;
	v60 =	vld [tilespmem:s26+$0xE850]  }
0xb2: {  	v61 =	vld [tilespmem:s26+$0x6860];
	v3 =	vsub.f32 v7, v51  }
0xb3: {  	v62 =	vld [tilespmem:s26+$0xE860];
	[tilespmem:s26+$0x16870] =	vst v53;
	v2 =	vsub.f32 v5, v2  }
0xb4: {  	[tilespmem:s26+$0x16800] =	vst v3;
	v1 =	vsub.f32 v52, v54  }
0xb5: {  	[tilespmem:s26+$0x16810] =	vst v2;
	v0 =	vsub.f32 v55, v56  }
0xb6: {  	v3 =	vsub.f32 v57, v58;
	[tilespmem:s26+$0x16820] =	vst v1  }
.Ltmp8:
0xb7: {  	v63 =	vsub.f32 v59, v60;
	[tilespmem:s26+$0x16830] =	vst v0;
	(pc) =	sbr.rel .LBB2_10-.Ltmp8, $4  }
0xb8: {  	[tilespmem:s26+$0x16840] =	vst v3;
	v1 =	vsub.f32 v61, v62  }
0xb9: {  	s24 =	sshll.u32 s24, $0xB;
	[tilespmem:s26+$0x16850] =	vst v63  }
0xba: {  	s24 =	sadd.s32 s4, s24;
	[tilespmem:s26+$0x16860] =	vst v1  }
0xbb: {  	[hbm4b:s24+s3] =	stream.linear.scatter [tilespmem:s19], [sflag:$0x6], $0x4000, $0x38;
	[tilespmem:$0x1A800] =	vst v63  }
.LBB2_12:
0xbc: {  	_ =	sfence.sel $0x180000  }
0xbd: {  	[bflag:$0x0] =	sbarrier.arrive $0xFFFF  }
0xbe: {  	p0 =	sne.s32 s0, $0x0;
	_ =	strace $0x90000047  }
0xbf: {  	s0 =	sadd.s32 @!p0 $0x100000, s1;
	[bflag:$0x2] =	sbarrier.arrive $0xFFFF  }
0xc0: {  	[sflag:s0] =	ssyncadd.tile.s32 @!p0 $0x1;
	_ =	shalt  }
.Lfunc_end2:
_tile_overlayer_lowered:
.L_overlay_start_2:
0xc1: {  	(tag) =	ssettag $0x2  }
0xc2: {  	s0 =	rddreg [dreg:$0x0];
	s2 =	stileid.u32  }
0xc3: {  	s1 =	rddreg [dreg:$0x1];
	p0 =	sne.s32 s2, $0x0  }
0xc4: {  	s3 =	rddreg [dreg:$0x2];
	[bflag:$0x3] =	sbarrier.arrive $0xFFFF;
	s2 =	simm.s32 @!p0 $0x1C07  }
0xc5: {  	[timem:s3], [sflag:s2] =	dma.local @!p0 [hbm:s0], s1  }
0xc6: {  	s0 =	simm.s32 @!p0 $0x7  }
0xc7: {  	_ =	swait.ge @!p0 [sflag:s0], s1  }
0xc8: {  	s1 =	ssub.s32 @!p0 $0x0, s1;
	[sflag:s0] =	ssyncset.done @!p0 $0x0  }
0xc9: {  	[sflag:s0] =	ssyncadd.s32 @!p0 s1  }
0xca: {  	[bflag:$0x3] =	sbarrier.arrive $0xFFFF  }
0xcb: {  	_ =	shalt  }

// kernel: kernel.15.cloned.1.call-start
scs
__scs_entry_jumppad:
0x0: {  	(pc) =	sbr.rel $0x88, $3  }
0x1: {  	(tag) =	ssettag $0x0;
	lr =	simm.s32 $0x1  }
0x2: {  	[smem:$0x3F92] =	sst lr;
	_ =	strace $0xD0000000  }
0x3: {  	_ = 	snop  }
0x4: {  	_ = 	snop  }
0x5: {  	_ = 	snop  }
0x6: {  	_ = 	snop  }
0x7: {  	_ = 	snop  }
__scs_overlays_trampoline_lowered:
0x8: {  	[smem:$0x3FA1] =	sst s0  }
0x9: {  	[smem:$0x3FA2] =	sst s1  }
0xa: {  	[smem:$0x3FA3] =	sst s2  }
0xb: {  	[smem:$0x3FA4] =	sst s3  }
0xc: {  	[smem:$0x3FA5] =	sst s4  }
0xd: {  	[smem:$0x3FA6] =	sst s5  }
0xe: {  	[smem:$0x3FA7] =	sst s6  }
0xf: {  	[smem:$0x3FA8] =	sst s7  }
0x10: {  	[smem:$0x3FA9] =	sst s8  }
0x11: {  	[smem:$0x3FAA] =	sst s9;
	s0 =	simm.s32 @!p0 $0x0  }
0x12: {  	s1 =	sld [smem:$0x3F90];
	s0 =	simm.s32 @p0 $0x1  }
0x13: {  	[smem:$0x3FAB] =	sst s0;
	s0 =	simm.s32 @!p1 $0x0  }
0x14: {  	s2 =	sld [smem:$0x3F8F];
	s0 =	simm.s32 @p1 $0x1  }
0x15: {  	[smem:$0x3FAC] =	sst s0;
	s0 =	simm.s32 @!p2 $0x0  }
0x16: {  	s3 =	sld [smem:$0x3FDB];
	s0 =	simm.s32 @p2 $0x1  }
0x17: {  	s4 =	simm.s32 $0x1BF5;
	[smem:$0x3FAE] =	sst s0  }
0x18: {  	s0 =	sld [smem:$0x3F91];
	_ =	swait.ge [sflag:s4], $0x0  }
0x19: {  	s7 =	sld [smem:$0x3F92]  }
0x1a: {  	s8 =	sadd.s32 $0xFFFFE003, lr  }
0x1b: {  	s9 =	sadd.s32 $0xFFFFFEF7, lr;
	s5 =	simm.s32 $0xFFFFFFFF;
	p2 =	slt.u32 s8, $0xFFFFF086  }
0x1c: {  	p1 =	slt.u32 s9, $0xF7A;
	s5 =	simm.s32 @!p2 $0x0  }
0x1d: {  	s5 =	simm.s32 @p1 $0x1;
	p0 =	seq.s32 s7, s2  }
0x1e: {  	s7 =	smul.u32 @!p0 $0xF7A, s2;
	p2 =	seq.s32 @!p0 s5, $0x0  }
0x1f: {  	s9 =	smul.u32 $0xF7A, s1;
	s8 =	simm.s32 @!p0 $0x1BF5;
	p2 =	por !p2, p0  }
0x20: {  	[sflag:s8] =	ssyncset.s32 @!p0 $0xFFFFF086;
	s6 =	sadd.s32 @!p0 s3, s7;
	s7 =	simm.s32 @!p0 $0x108  }
0x21: {  	s3 =	sadd.s32 s3, s9;
	s6 =	sadd.s32 @!p0 $0x88, s6;
	s7 =	simm.s32 @p2 $0x1082  }
0x22: {  	[simem:s7], [sflag:s8] =	dma.local @!p0 [hbm:s6], $0xF7A  }
0x23: {  	s9 =	sor.u32 $0xD0000000, s2;
	s6 =	simm.s32 $0x108;
	_ =	swait.ge @!p0 [sflag:s8], $0x0  }
0x24: {  	s3 =	sadd.s32 $0x88, s3;
	s6 =	simm.s32 @!p1 $0x1082;
	[sflag:s4] =	ssyncset.s32 $0xFFFFF086  }
0x25: {  	[simem:s6], [sflag:s4] =	dma.local [hbm:s3], $0xF7A  }
0x26: {  	[smem:$0x3F92] =	sst s1;
	(tag) =	ssettag s2;
	_ =	strace s9  }
0x27: {  	s1 =	sld [smem:$0x3FA2]  }
0x28: {  	s2 =	sld [smem:$0x3FA3]  }
0x29: {  	s4 =	sld [smem:$0x3FA5]  }
0x2a: {  	p0 =	seq.s32 s5, $0x0;
	s5 =	sld [smem:$0x3FA6]  }
0x2b: {  	s6 =	sld [smem:$0x3FA7]  }
0x2c: {  	s7 =	sld [smem:$0x3FA8]  }
0x2d: {  	s3 =	simm.s32 $0x108;
	s8 =	sld [smem:$0x3FA9]  }
0x2e: {  	s3 =	simm.s32 @!p0 $0x1082;
	s9 =	sld [smem:$0x3FAA]  }
0x2f: {  	lr =	sadd.s32 s0, s3;
	s0 =	sld [smem:$0x3FA1]  }
0x30: {  	s3 =	sld [smem:$0x3FA4]  }
0x31: {  	[smem:$0x3FAD] =	sst s10  }
0x32: {  	s10 =	sld [smem:$0x3FAB];
	_ =	sdelay $0x3  }
0x33: {  	p0 =	seq.s32 s10, $0x1;
	s10 =	sld [smem:$0x3FAD];
	_ =	sdelay $0x3  }
0x34: {  	[smem:$0x3FAD] =	sst s10  }
0x35: {  	s10 =	sld [smem:$0x3FAC];
	_ =	sdelay $0x3  }
0x36: {  	p1 =	seq.s32 s10, $0x1;
	s10 =	sld [smem:$0x3FAD];
	_ =	sdelay $0x3  }
0x37: {  	[smem:$0x3FAD] =	sst s10  }
0x38: {  	s10 =	sld [smem:$0x3FAE]  }
0x39: {  	_ = 	snop;
	(pc) =	sbr.ind lr, $3  }
0x3a: {  	_ = 	snop  }
0x3b: {  	_ = 	snop  }
0x3c: {  	p2 =	seq.s32 s10, $0x1;
	s10 =	sld [smem:$0x3FAD]  }
0x3d: {  	_ =	shalt  }
0x3e: {  	_ =	shalt  }
0x3f: {  	_ =	shalt  }
0x40: {  	_ =	shalt  }
0x41: {  	_ =	shalt  }
0x42: {  	_ =	shalt  }
0x43: {  	_ =	shalt  }
0x44: {  	_ =	shalt  }
0x45: {  	_ =	shalt  }
0x46: {  	_ =	shalt  }
0x47: {  	_ =	shalt  }
0x48: {  	_ =	shalt  }
0x49: {  	_ =	shalt  }
0x4a: {  	_ =	shalt  }
0x4b: {  	_ =	shalt  }
0x4c: {  	_ =	shalt  }
0x4d: {  	_ =	shalt  }
0x4e: {  	_ =	shalt  }
0x4f: {  	_ =	shalt  }
0x50: {  	_ =	shalt  }
0x51: {  	_ =	shalt  }
0x52: {  	_ =	shalt  }
0x53: {  	_ =	shalt  }
0x54: {  	_ =	shalt  }
0x55: {  	_ =	shalt  }
0x56: {  	_ =	shalt  }
0x57: {  	_ =	shalt  }
0x58: {  	_ =	shalt  }
0x59: {  	_ =	shalt  }
0x5a: {  	_ =	shalt  }
0x5b: {  	_ =	shalt  }
0x5c: {  	_ =	shalt  }
0x5d: {  	_ =	shalt  }
0x5e: {  	_ =	shalt  }
0x5f: {  	_ =	shalt  }
0x60: {  	_ =	shalt  }
0x61: {  	_ =	shalt  }
0x62: {  	_ =	shalt  }
0x63: {  	_ =	shalt  }
0x64: {  	_ =	shalt  }
0x65: {  	_ =	shalt  }
0x66: {  	_ =	shalt  }
0x67: {  	_ =	shalt  }
0x68: {  	_ =	shalt  }
0x69: {  	_ =	shalt  }
0x6a: {  	_ =	shalt  }
0x6b: {  	_ =	shalt  }
0x6c: {  	_ =	shalt  }
0x6d: {  	_ =	shalt  }
0x6e: {  	_ =	shalt  }
0x6f: {  	_ =	shalt  }
0x70: {  	_ =	shalt  }
0x71: {  	_ =	shalt  }
0x72: {  	_ =	shalt  }
0x73: {  	_ =	shalt  }
0x74: {  	_ =	shalt  }
0x75: {  	_ =	shalt  }
0x76: {  	_ =	shalt  }
0x77: {  	_ =	shalt  }
0x78: {  	_ =	shalt  }
0x79: {  	_ =	shalt  }
0x7a: {  	_ =	shalt  }
0x7b: {  	_ =	shalt  }
0x7c: {  	_ =	shalt  }
0x7d: {  	_ =	shalt  }
0x7e: {  	_ =	shalt  }
0x7f: {  	_ =	shalt  }
0x80: {  	_ =	shalt  }
0x81: {  	_ =	shalt  }
0x82: {  	_ =	shalt  }
0x83: {  	_ =	shalt  }
0x84: {  	_ =	shalt  }
0x85: {  	_ =	shalt  }
0x86: {  	_ =	shalt  }
0x87: {  	_ =	shalt  }
.Lfunc_end0:
.L_simem_size_0:
called_computation.2_lowered:
.L_overlay_start_0:
0x88: {  	s2 =	sld [smem:$0x3FD9]  }
0x89: {  	s3 =	sld [smem:$0x3FFE];
	_ =	sdelay $0x1  }
0x8a: {  	s1 =	srdreg.scid  }
0x8b: {  	s0 =	sand.u32 $0x1, s1  }
0x8c: {  	s17 =	sshll.u32 s0, $0xA;
	s2 =	sadd.s32 s3, s2  }
0x8d: {  	s2 =	sadd.s32 s2, s17  }
0x8e: {  	[smem:$0x3FB9] =	sst s2  }
0x8f: {  	_ = 	snop  }
0x90: {  	(tm) =	ssettm $0x1  }
0x91: {  	s18 =	sld [smem:$0x3FFB];
	_ =	sdelay $0x3  }
0x92: {  	_ =	strace s18  }
0x93: {  	s2 =	sld [smem:$0x3FFC];
	_ =	sdelay $0x3  }
0x94: {  	_ =	strace s2  }
0x95: {  	s2 =	sld [smem:$0x3FFD];
	_ =	sdelay $0x3  }
0x96: {  	_ =	strace s2  }
0x97: {  	_ =	strace $0x8FFFFFFF  }
0x98: {  	s19 =	sld [smem:$0x3FDB];
	_ =	sdelay $0x1  }
0x99: {  	s20 =	simm.s32 $_scs_section_size  }
0x9a: {  	s4 =	simm.s32 $_size__tile_overlayer_lowered;
	s5 =	simm.s32 $_tile_overlayer_lowered  }
0x9b: {  	s6 =	simm.s32 $0x1BFF;
	s21 =	sshll.u32 s5, $0x1;
	s3 =	sadd.s32 s20, s19  }
0x9c: {  	s22 =	simm.s32 $0x0;
	s4 =	sshll.u32 s4, $0x1;
	s5 =	sadd.s32 s21, s3  }
0x9d: {  	[timem:s22], [sflag:s6] =	dma.local [hbm:s5], s4  }
0x9e: {  	_ =	swait.ge [sflag:s6], s4  }
0x9f: {  	s4 =	ssub.s32 $0x0, s4;
	[sflag:s6] =	ssyncset.done $0x0  }
0xa0: {  	[sflag:s6] =	ssyncadd.s32 s4;
	_ =	sdelay $0x1  }
0xa1: {  	s23 =	simm.s32 $0x1B8B  }
0xa2: {  	_ =	swait.ge [sflag:s23], $0x1  }
0xa3: {  	[sflag:s23] =	ssyncset.done $0x0  }
0xa4: {  	[sflag:s23] =	ssyncadd.s32 $0xFFFFFFFF  }
0xa5: {  	s4 =	sld [smem:$0x0]  }
0xa6: {  	s5 =	sand.u32 $0xFFFFFFFE, s1  }
0xa7: {  	p0 =	sne.s32 s1, s5  }
0xa8: {  	s5 =	sshll.u32 @p0 s5, $0xE  }
0xa9: {  	s5 =	sadd.s32 @p0 $0x11B8D, s5;
	s6 =	sshll.u32 @p0 s4, $0x11  }
0xaa: {  	s5 =	sor.u32 @p0 s6, s5  }
0xab: {  	[sflag:s5] =	ssyncadd.remote.s32 @p0 $0x1;
	_ =	sdelay $0x1  }
0xac: {  	s5 =	simm.s32 @p0 $0x1B8D  }
0xad: {  	_ =	swait.eq @p0 [sflag:s5], $0x1  }
0xae: {  	[sflag:s5] =	ssyncadd.s32 @p0 $0xFFFFFFFF  }
0xaf: {  	s6 =	sshll.u32 @!p0 s1, $0xE  }
0xb0: {  	s6 =	sor.u32 @!p0 $0x4000, s6;
	s5 =	simm.s32 @!p0 $0x1B8D  }
0xb1: {  	s4 =	sshll.u32 @!p0 s4, $0x11;
	s6 =	sadd.s32 @!p0 $0x11B8D, s6;
	_ =	swait.eq @!p0 [sflag:s5], $0x1  }
0xb2: {  	s4 =	sor.u32 @!p0 s4, s6;
	[sflag:s5] =	ssyncadd.s32 @!p0 $0xFFFFFFFF  }
0xb3: {  	s25 =	simm.s32 $0x1B8E;
	s24 =	sld [smem:$0x3FFE];
	[sflag:s4] =	ssyncadd.remote.s32 @!p0 $0x1  }
0xb4: {  	s26 =	simm.s32 $execute0_lowered;
	[smem:$0x3FD2] =	sst s25  }
0xb5: {  	s5 =	sshll.u32 s26, $0x1;
	_ =	strace $0x8000004F;
	[dreg:$0x1] =	wrdreg $0xFFFFFFFF  }
0xb6: {  	s28 =	simm.s32 $_size_execute0_lowered;
	s3 =	sadd.s32 s3, s5;
	[dreg:$0x0] =	wrdreg $0x0  }
0xb7: {  	s5 =	sshll.u32 s28, $0x1;
	[dreg:$0x2] =	wrdreg s3  }
0xb8: {  	[dreg:$0x3] =	wrdreg s5  }
0xb9: {  	[dreg:$0x4] =	wrdreg $0xC0  }
0xba: {  	_ =	task [dreg:s22], $0x5FFFF  }
0xbb: {  	[dreg:$0x1] =	wrdreg $0xFFFFFFFF  }
0xbc: {  	[dreg:$0x0] =	wrdreg $0x60  }
0xbd: {  	[dreg:$0x2] =	wrdreg s24  }
0xbe: {  	[dreg:$0x3] =	wrdreg $0x81000  }
0xbf: {  	[dreg:$0x4] =	wrdreg $0x9  }
0xc0: {  	_ =	task.clear_ibuf [dreg:s22], $0x5FFFF;
	_ =	strace $0x9000004F  }
0xc1: {  	s29 =	simm.s32 $0x9;
	_ =	strace $0x80000051  }
0xc2: {  	_ =	swait.ge [sflag:s29], $0x1  }
0xc3: {  	[sflag:s29] =	ssyncadd.s32 $0xFFFFFFFF  }
0xc4: {  	_ =	strace $0x90000051  }
0xc5: {  	_ =	sfence  }
0xc6: {  	s30 =	sld [smem:$0x0];
	_ =	sdelay $0x2  }
0xc7: {  	s31 =	sshll.u32 s1, $0xD;
	s1 =	sshrl.u32 s1, $0x2  }
0xc8: {  	s4 =	sand.u32 $0x4000, s31;
	s1 =	sadd.s32 s1, s30  }
0xc9: {  	s0 =	sor.u32 s4, s0;
	s1 =	sshll.u32 s1, $0x11  }
0xca: {  	s0 =	sor.u32 s1, s0  }
0xcb: {  	s0 =	sadd.s32 $0x8F2B, s0  }
0xcc: {  	[sflag:s0] =	ssyncadd.remote.s32 $0x1  }
0xcd: {  	_ =	sfence.sel $0xFFFF  }
0xce: {  	[dreg:$0x0] =	wrdreg $0xFFFFFFFF;
	(pc) =	sbr.abs _section_cstart, $3  }
0xcf: {  	[dreg:$0x1] =	wrdreg $0xFFFFFFFF  }
0xd0: {  	_ =	task.clear_ibuf [dreg:s22], $0x2FFFF;
	_ =	strace $0x9FFFFFFF  }
0xd1: {  	(tm) =	ssettm $0x7FFFFFFF  }
tec
execute0_lowered:
.L_overlay_start_1:
0x0: {  	(tag) =	ssettag $0x1  }
0x1: {  	s5 =	rddreg [dreg:$0x0]  }
0x2: {  	s1 =	rddreg [dreg:$0x1];
	s2 =	srdreg.scid  }
0x3: {  	s0 =	rddreg [dreg:$0x2];
	s3 =	simm.s32 $0x0;
	s11 =	sand.u32 $0x1, s2  }
0x4: {  	s2 =	stileid.u32;
	[smem:$0x7FF] =	sst s3;
	s12 =	sadd.s32 $0x76FA00, s5  }
0x5: {  	s13 =	sadd.s32 $0x283A00, s5;
	s4 =	sadd.s32 $0x8A00, s5;
	s6 =	smul.u32 $0x140000, s11  }
0x6: {  	s7 =	smul.u32 $0x14000, s2;
	_ =	strace $0x80000050;
	s23 =	ssub.s32 $0x2, s11  }
0x7: {  	s8 =	smul.u32 $0x50000, s2;
	s9 =	sshll.u32 s2, $0x1;
	s26 =	sshll.u32 s2, $0x6  }
0x8: {  	s16 =	sshll.u32 s2, $0xC;
	s30 =	sshll.u32 s2, $0x5;
	s17 =	sshll.u32 s11, $0xB  }
0x9: {  	s31 =	sshll.u32 s11, $0x4;
	s24 =	sshrl.u32 s23, $0x1;
	s6 =	sadd.s32 s7, s6  }
0xa: {  	s14 =	ssub.s32 s23, s24;
	s25 =	sshrl.u32 s8, $0x2;
	s6 =	sshrl.u32 s6, $0x3  }
0xb: {  	s15 =	sadd.s32 s25, s1;
	s10 =	sadd.s32 s6, s5;
	s5 =	sor.u32 s11, s9  }
0xc: {  	s6 =	sor.u32 $0x1C05, s26;
	s9 =	ssub.s32 $0x4E2, s9;
	s11 =	smax.u32 s14, $0x1  }
0xd: {  	s14 =	sshrl.u32 s15, $0x3;
	s15 =	simm.s32 $0x5;
	s28 =	sshll.u32 s5, $0x4  }
0xe: {  	s29 =	sshll.u32 s5, $0xB;
	s10 =	sadd.s32 $0x5B200, s10;
	s7 =	sadd.s32 s13, s28  }
0xf: {  	s8 =	sadd.s32 s12, s29;
	s12 =	sadd.s32 s16, s12;
	s13 =	sadd.s32 s30, s13  }
0x10: {  	s16 =	simm.s32 $0x100;
	s12 =	sadd.s32 s17, s12;
	s13 =	sadd.s32 s31, s13  }
0x11: {  	s17 =	simm.s32 $0x0;
	s12 =	sadd.s32 $0x10000, s12;
	s13 =	sadd.s32 $0x200, s13  }
.LBB2_1:
0x12: {  	[spmem:s14], [sflag:s6] =	dma.local [hbm:s4], $0x2800  }
0x13: {  	_ =	swait.ge [sflag:s15], $0x2800  }
0x14: {  	[sflag:s15] =	ssyncset.done $0x0  }
0x15: {  	s18 =	sadd.s32 $0x0, s5;
	[sflag:s15] =	ssyncadd.s32 $0xFFFFD800  }
0x16: {  	s19 =	sadd.s32 $0x20, s18;
	[bflag:$0x0] =	sbarrier.arrive $0xFFFF  }
0x17: {  	[tilespmem:s3], [sflag:$0x1] =	stream.linear.gather [hbm4b:s7+s3], $0x80, $0x38;
	[tilespmem:$0x1C100] =	vst v63  }
0x18: {  	p0 =	sgt.u32 s19, $0x4E1  }
0x19: {  	[tilespmem:s16], [sflag:$0x3] =	stream.linear.gather [hbm4b:s8+s3], $0x4000, $0x38;
	[tilespmem:$0x1C100] =	vst v63  }
0x1a: {  	s19 =	simm.s32 @!p0 $0x0;
	s22 =	simm.s32 @!p0 $0x80  }
0x1b: {  	[tilespmem:s22], [sflag:$0x2] =	stream.linear.gather @!p0 [hbm4b:s13+s19], $0x80, $0x38;
	[tilespmem:$0x1C100] =	vst v63  }
0x1c: {  	p1 =	sle.u32 s9, $0x0;
	s23 =	simm.s32 @!p0 $0x4100  }
0x1d: {  	[tilespmem:s23], [sflag:$0x4] =	stream.linear.gather @!p0 [hbm4b:s12+s19], $0x4000, $0x38;
	[tilespmem:$0x1C100] =	vst v63  }
0x1e: {  	s19 =	simm.s32 @!p1 $0x1  }
0x1f: {  	_ =	swait.ge @!p1 [sflag:s19], $0x80  }
0x20: {  	[sflag:s19] =	ssyncset.done @!p1 $0x0  }
0x21: {  	s20 =	simm.s32 @!p1 $0x3;
	[sflag:s19] =	ssyncadd.s32 @!p1 $0xFFFFFF80  }
0x22: {  	s21 =	simm.s32 @!p1 $0x80;
	_ =	swait.ge @!p1 [sflag:s20], $0x4000  }
0x23: {  	s24 =	simm.s32 @!p1 $0x0;
	s18 =	sadd.s32 $0x40, s18;
	[sflag:s20] =	ssyncset.done @!p1 $0x0  }
0x24: {  	s19 =	simm.s32 @!p1 $0x100;
	[sflag:s20] =	ssyncadd.s32 @!p1 $0xFFFFC000;
	s20 =	simm.s32 @!p1 $0x6  }
0x25: {  	[spmem:s1] =	stream.indirect.scatter.add.f32 @!p1 [tilespmem:s19], [sflag:$0x6], $0x80, s24, s21, $0xb8;
	[tilespmem:$0x1C100] =	vst v63  }
0x26: {  	p2 =	sgt.u32 s18, $0x4E1;
	_ =	swait.ge @!p1 [sflag:s20], $0x4000  }
0x27: {  	s18 =	sadd.s32 @!p2 $0x200, s13;
	[sflag:s20] =	ssyncset.done @!p1 $0x0  }
0x28: {  	p0 =	por p0, p0;
	s19 =	simm.s32 @!p2 $0x0;
	[sflag:s20] =	ssyncadd.s32 @!p1 $0xFFFFC000  }
0x29: {  	[tilespmem:s19], [sflag:$0x1] =	stream.linear.gather @!p2 [hbm4b:s18+s19], $0x80, $0x38;
	[tilespmem:$0x1C100] =	vst v63  }
0x2a: {  	s21 =	simm.s32 @!p0 $0x2;
	s20 =	simm.s32 @!p2 $0x100;
	s18 =	sadd.s32 @!p2 $0x10000, s12  }
0x2b: {  	[tilespmem:s20], [sflag:$0x3] =	stream.linear.gather @!p2 [hbm4b:s18+s19], $0x4000, $0x38;
	[tilespmem:$0x1C100] =	vst v63  }
0x2c: {  	_ =	swait.ge @!p0 [sflag:s21], $0x80  }
0x2d: {  	[sflag:s21] =	ssyncset.done @!p0 $0x0  }
0x2e: {  	s18 =	simm.s32 @!p0 $0x4;
	[sflag:s21] =	ssyncadd.s32 @!p0 $0xFFFFFF80  }
0x2f: {  	s31 =	sadd.s32 $0x40, s5;
	s24 =	simm.s32 @!p0 $0x5;
	_ =	swait.ge @!p0 [sflag:s18], $0x4000  }
0x30: {  	s20 =	simm.s32 $0x40;
	s19 =	sadd.s32 $0x400, s13;
	[sflag:s18] =	ssyncset.done @!p0 $0x0  }
0x31: {  	s21 =	simm.s32 $0x80;
	[sflag:s18] =	ssyncadd.s32 @!p0 $0xFFFFC000;
	s18 =	sadd.s32 $0x20000, s12  }
0x32: {  	[spmem:s1] =	stream.indirect.scatter.add.f32 @!p0 [tilespmem:s23], [sflag:$0x5], $0x80, s22, s22, $0xb8;
	[tilespmem:$0x1C100] =	vst v63  }
0x33: {  	s23 =	sadd.s32 $0x20, s31;
	s22 =	sadd.s32 $0x40, s31;
	_ =	swait.ge @!p0 [sflag:s24], $0x4000  }
.LBB2_2:
0x34: {  	p3 =	sgt.u32 s23, $0x4E1  }
0x35: {  	[sflag:s24] =	ssyncset.done @!p0 $0x0;
	s25 =	smov.u32 s21;
	s21 =	sadd.s32 $0x40, s21  }
0x36: {  	s26 =	simm.s32 @!p3 $0x0;
	s23 =	simm.s32 @!p3 $0x80;
	[sflag:s24] =	ssyncadd.s32 @!p0 $0xFFFFC000  }
0x37: {  	[tilespmem:s23], [sflag:$0x2] =	stream.linear.gather @!p3 [hbm4b:s19+s26], $0x80, $0x38;
	[tilespmem:$0x1C100] =	vst v63  }
0x38: {  	p2 =	sge.u32 s20, s9;
	p1 =	sne.s32 s21, $0x540;
	s28 =	simm.s32 @!p3 $0x4100  }
0x39: {  	[tilespmem:s28], [sflag:$0x4] =	stream.linear.gather @!p3 [hbm4b:s18+s26], $0x4000, $0x38;
	[tilespmem:$0x1C100] =	vst v63  }
0x3a: {  	s24 =	simm.s32 @!p2 $0x1;
	s20 =	smov.u32 s25;
	p0 =	por p3, p3  }
0x3b: {  	_ =	swait.ge @!p2 [sflag:s24], $0x80  }
0x3c: {  	s25 =	simm.s32 @!p2 $0x3;
	[sflag:s24] =	ssyncset.done @!p2 $0x0  }
0x3d: {  	[sflag:s24] =	ssyncadd.s32 @!p2 $0xFFFFFF80  }
0x3e: {  	s24 =	simm.s32 @!p2 $0x100;
	_ =	swait.ge @!p2 [sflag:s25], $0x4000  }
0x3f: {  	s29 =	simm.s32 @!p2 $0x0;
	s26 =	simm.s32 @!p2 $0x80;
	[sflag:s25] =	ssyncset.done @!p2 $0x0  }
0x40: {  	[sflag:s25] =	ssyncadd.s32 @!p2 $0xFFFFC000;
	s25 =	simm.s32 @!p2 $0x6  }
0x41: {  	[spmem:s1] =	stream.indirect.scatter.add.f32 @!p2 [tilespmem:s24], [sflag:$0x6], $0x80, s29, s26, $0xb8;
	[tilespmem:$0x1C100] =	vst v63  }
0x42: {  	p3 =	sgt.u32 s22, $0x4E1;
	_ =	swait.ge @!p2 [sflag:s25], $0x4000  }
0x43: {  	s22 =	sadd.s32 @!p3 $0x200, s19;
	s24 =	simm.s32 @!p3 $0x0;
	[sflag:s25] =	ssyncset.done @!p2 $0x0  }
0x44: {  	[sflag:s25] =	ssyncadd.s32 @!p2 $0xFFFFC000  }
0x45: {  	[tilespmem:s24], [sflag:$0x1] =	stream.linear.gather @!p3 [hbm4b:s22+s24], $0x80, $0x38;
	[tilespmem:$0x1C100] =	vst v63  }
0x46: {  	s26 =	simm.s32 @!p0 $0x2;
	s25 =	simm.s32 @!p3 $0x100;
	s22 =	sadd.s32 @!p3 $0x10000, s18  }
0x47: {  	[tilespmem:s25], [sflag:$0x3] =	stream.linear.gather @!p3 [hbm4b:s22+s24], $0x4000, $0x38;
	[tilespmem:$0x1C100] =	vst v63  }
0x48: {  	_ =	swait.ge @!p0 [sflag:s26], $0x80  }
0x49: {  	s22 =	simm.s32 @!p0 $0x4;
	[sflag:s26] =	ssyncset.done @!p0 $0x0  }
0x4a: {  	[sflag:s26] =	ssyncadd.s32 @!p0 $0xFFFFFF80  }
.Ltmp0:
0x4b: {  	_ =	swait.ge @!p0 [sflag:s22], $0x4000;
	(pc) =	sbr.rel @p1 .LBB2_2-.Ltmp0, $4  }
0x4c: {  	s19 =	sadd.s32 $0x400, s19;
	s24 =	simm.s32 @!p0 $0x5;
	[sflag:s22] =	ssyncset.done @!p0 $0x0  }
0x4d: {  	s18 =	sadd.s32 $0x20000, s18;
	s25 =	sadd.s32 s20, s5;
	[sflag:s22] =	ssyncadd.s32 @!p0 $0xFFFFC000  }
0x4e: {  	[spmem:s1] =	stream.indirect.scatter.add.f32 @!p0 [tilespmem:s28], [sflag:$0x5], $0x80, s23, s23, $0xb8;
	[tilespmem:$0x1C100] =	vst v63  }
0x4f: {  	s22 =	sadd.s32 $0x40, s25;
	s23 =	sadd.s32 $0x20, s25;
	_ =	swait.ge @!p0 [sflag:s24], $0x4000  }
0x50: {  	p1 =	sgt.u32 s23, $0x4E1;
	[sflag:s24] =	ssyncset.done @!p0 $0x0;
	p2 =	sge.u32 s20, s9  }
0x51: {  	s21 =	simm.s32 @!p1 $0x0;
	s23 =	simm.s32 @!p1 $0x80;
	[sflag:s24] =	ssyncadd.s32 @!p0 $0xFFFFC000  }
0x52: {  	[tilespmem:s23], [sflag:$0x2] =	stream.linear.gather @!p1 [hbm4b:s19+s21], $0x80, $0x38;
	[tilespmem:$0x1C100] =	vst v63  }
0x53: {  	s24 =	simm.s32 @!p1 $0x4100;
	s20 =	simm.s32 @!p2 $0x1  }
0x54: {  	[tilespmem:s24], [sflag:$0x4] =	stream.linear.gather @!p1 [hbm4b:s18+s21], $0x4000, $0x38;
	[tilespmem:$0x1C100] =	vst v63  }
0x55: {  	_ =	swait.ge @!p2 [sflag:s20], $0x80  }
0x56: {  	[sflag:s20] =	ssyncset.done @!p2 $0x0  }
0x57: {  	s21 =	simm.s32 @!p2 $0x3;
	[sflag:s20] =	ssyncadd.s32 @!p2 $0xFFFFFF80  }
0x58: {  	_ =	swait.ge @!p2 [sflag:s21], $0x4000  }
0x59: {  	s25 =	simm.s32 @!p2 $0x80;
	s26 =	simm.s32 @!p2 $0x0;
	[sflag:s21] =	ssyncset.done @!p2 $0x0  }
0x5a: {  	s20 =	simm.s32 @!p2 $0x100;
	[sflag:s21] =	ssyncadd.s32 @!p2 $0xFFFFC000;
	s21 =	simm.s32 @!p2 $0x6  }
0x5b: {  	[spmem:s1] =	stream.indirect.scatter.add.f32 @!p2 [tilespmem:s20], [sflag:$0x6], $0x80, s26, s25, $0xb8;
	[tilespmem:$0x1C100] =	vst v63  }
0x5c: {  	_ =	swait.ge @!p2 [sflag:s21], $0x4000  }
0x5d: {  	p0 =	por p1, p1;
	p1 =	sgt.u32 s22, $0x4E1;
	[sflag:s21] =	ssyncset.done @!p2 $0x0  }
0x5e: {  	s19 =	sadd.s32 @!p1 $0x200, s19;
	s20 =	simm.s32 @!p1 $0x0;
	[sflag:s21] =	ssyncadd.s32 @!p2 $0xFFFFC000  }
0x5f: {  	[tilespmem:s20], [sflag:$0x1] =	stream.linear.gather @!p1 [hbm4b:s19+s20], $0x80, $0x38;
	[tilespmem:$0x1C100] =	vst v63  }
0x60: {  	s18 =	sadd.s32 @!p1 $0x10000, s18;
	s21 =	simm.s32 @!p0 $0x2;
	s19 =	simm.s32 @!p1 $0x100  }
0x61: {  	[tilespmem:s19], [sflag:$0x3] =	stream.linear.gather @!p1 [hbm4b:s18+s20], $0x4000, $0x38;
	[tilespmem:$0x1C100] =	vst v63  }
0x62: {  	_ =	swait.ge @!p0 [sflag:s21], $0x80  }
0x63: {  	[sflag:s21] =	ssyncset.done @!p0 $0x0  }
0x64: {  	s18 =	simm.s32 @!p0 $0x4;
	[sflag:s21] =	ssyncadd.s32 @!p0 $0xFFFFFF80  }
0x65: {  	_ =	swait.ge @!p0 [sflag:s18], $0x4000  }
0x66: {  	[sflag:s18] =	ssyncset.done @!p0 $0x0  }
0x67: {  	s19 =	simm.s32 @!p0 $0x5;
	[sflag:s18] =	ssyncadd.s32 @!p0 $0xFFFFC000  }
0x68: {  	[spmem:s1] =	stream.indirect.scatter.add.f32 @!p0 [tilespmem:s24], [sflag:$0x5], $0x80, s23, s23, $0xb8;
	[tilespmem:$0x1C100] =	vst v63  }
0x69: {  	_ =	swait.ge @!p0 [sflag:s19], $0x4000  }
0x6a: {  	s17 =	sadd.s32 $0x1, s17;
	[sflag:s19] =	ssyncset.done @!p0 $0x0  }
0x6b: {  	[sflag:s19] =	ssyncadd.s32 @!p0 $0xFFFFC000;
	p0 =	sne.s32 s17, s11  }
.Ltmp1:
0x6c: {  	[bflag:$0x0] =	sbarrier.arrive $0xFFFF;
	(pc) =	sbr.rel @p0 .LBB2_1-.Ltmp1, $4  }
0x6d: {  	[hbm:s10], [sflag:s6] =	dma.local [spmem:s14], $0x2800  }
0x6e: {  	_ =	swait.ge [sflag:s15], $0x2800  }
0x6f: {  	[sflag:s15] =	ssyncset.done $0x0  }
0x70: {  	[sflag:s15] =	ssyncadd.s32 $0xFFFFD800  }
0x71: {  	_ =	sfence.sel $0x180000  }
0x72: {  	[bflag:$0x0] =	sbarrier.arrive $0xFFFF  }
0x73: {  	p0 =	sne.s32 s2, $0x0;
	_ =	strace $0x90000050  }
0x74: {  	s0 =	sadd.s32 @!p0 $0x100000, s0;
	[bflag:$0x2] =	sbarrier.arrive $0xFFFF  }
0x75: {  	[sflag:s0] =	ssyncadd.tile.s32 @!p0 $0x1;
	_ =	shalt  }
.Lfunc_end2:
_tile_overlayer_lowered:
.L_overlay_start_2:
0x76: {  	(tag) =	ssettag $0x2  }
0x77: {  	s0 =	rddreg [dreg:$0x0];
	s2 =	stileid.u32  }
0x78: {  	s1 =	rddreg [dreg:$0x1];
	p0 =	sne.s32 s2, $0x0  }
0x79: {  	s3 =	rddreg [dreg:$0x2];
	[bflag:$0x3] =	sbarrier.arrive $0xFFFF;
	s2 =	simm.s32 @!p0 $0x1C05  }
0x7a: {  	[timem:s3], [sflag:s2] =	dma.local @!p0 [hbm:s0], s1  }
0x7b: {  	s0 =	simm.s32 @!p0 $0x5  }
0x7c: {  	_ =	swait.ge @!p0 [sflag:s0], s1  }
0x7d: {  	s1 =	ssub.s32 @!p0 $0x0, s1;
	[sflag:s0] =	ssyncset.done @!p0 $0x0  }
0x7e: {  	[sflag:s0] =	ssyncadd.s32 @!p0 s1  }
0x7f: {  	[bflag:$0x3] =	sbarrier.arrive $0xFFFF  }
0x80: {  	_ =	shalt  }

// kernel: kernel.18.cloned.1.call-start
scs
__scs_entry_jumppad:
0x0: {  	(pc) =	sbr.rel $0x88, $3  }
0x1: {  	(tag) =	ssettag $0x0;
	lr =	simm.s32 $0x1  }
0x2: {  	[smem:$0x3F92] =	sst lr;
	_ =	strace $0xD0000000  }
0x3: {  	_ = 	snop  }
0x4: {  	_ = 	snop  }
0x5: {  	_ = 	snop  }
0x6: {  	_ = 	snop  }
0x7: {  	_ = 	snop  }
__scs_overlays_trampoline_lowered:
0x8: {  	[smem:$0x3FA1] =	sst s0  }
0x9: {  	[smem:$0x3FA2] =	sst s1  }
0xa: {  	[smem:$0x3FA3] =	sst s2  }
0xb: {  	[smem:$0x3FA4] =	sst s3  }
0xc: {  	[smem:$0x3FA5] =	sst s4  }
0xd: {  	[smem:$0x3FA6] =	sst s5  }
0xe: {  	[smem:$0x3FA7] =	sst s6  }
0xf: {  	[smem:$0x3FA8] =	sst s7  }
0x10: {  	[smem:$0x3FA9] =	sst s8  }
0x11: {  	[smem:$0x3FAA] =	sst s9;
	s0 =	simm.s32 @!p0 $0x0  }
0x12: {  	s1 =	sld [smem:$0x3F90];
	s0 =	simm.s32 @p0 $0x1  }
0x13: {  	[smem:$0x3FAB] =	sst s0;
	s0 =	simm.s32 @!p1 $0x0  }
0x14: {  	s2 =	sld [smem:$0x3F8F];
	s0 =	simm.s32 @p1 $0x1  }
0x15: {  	[smem:$0x3FAC] =	sst s0;
	s0 =	simm.s32 @!p2 $0x0  }
0x16: {  	s3 =	sld [smem:$0x3FDB];
	s0 =	simm.s32 @p2 $0x1  }
0x17: {  	s4 =	simm.s32 $0x1BF5;
	[smem:$0x3FAE] =	sst s0  }
0x18: {  	s0 =	sld [smem:$0x3F91];
	_ =	swait.ge [sflag:s4], $0x0  }
0x19: {  	s7 =	sld [smem:$0x3F92]  }
0x1a: {  	s8 =	sadd.s32 $0xFFFFE003, lr  }
0x1b: {  	s9 =	sadd.s32 $0xFFFFFEF7, lr;
	s5 =	simm.s32 $0xFFFFFFFF;
	p2 =	slt.u32 s8, $0xFFFFF086  }
0x1c: {  	p1 =	slt.u32 s9, $0xF7A;
	s5 =	simm.s32 @!p2 $0x0  }
0x1d: {  	s5 =	simm.s32 @p1 $0x1;
	p0 =	seq.s32 s7, s2  }
0x1e: {  	s7 =	smul.u32 @!p0 $0xF7A, s2;
	p2 =	seq.s32 @!p0 s5, $0x0  }
0x1f: {  	s9 =	smul.u32 $0xF7A, s1;
	s8 =	simm.s32 @!p0 $0x1BF5;
	p2 =	por !p2, p0  }
0x20: {  	[sflag:s8] =	ssyncset.s32 @!p0 $0xFFFFF086;
	s6 =	sadd.s32 @!p0 s3, s7;
	s7 =	simm.s32 @!p0 $0x108  }
0x21: {  	s3 =	sadd.s32 s3, s9;
	s6 =	sadd.s32 @!p0 $0x88, s6;
	s7 =	simm.s32 @p2 $0x1082  }
0x22: {  	[simem:s7], [sflag:s8] =	dma.local @!p0 [hbm:s6], $0xF7A  }
0x23: {  	s9 =	sor.u32 $0xD0000000, s2;
	s6 =	simm.s32 $0x108;
	_ =	swait.ge @!p0 [sflag:s8], $0x0  }
0x24: {  	s3 =	sadd.s32 $0x88, s3;
	s6 =	simm.s32 @!p1 $0x1082;
	[sflag:s4] =	ssyncset.s32 $0xFFFFF086  }
0x25: {  	[simem:s6], [sflag:s4] =	dma.local [hbm:s3], $0xF7A  }
0x26: {  	[smem:$0x3F92] =	sst s1;
	(tag) =	ssettag s2;
	_ =	strace s9  }
0x27: {  	s1 =	sld [smem:$0x3FA2]  }
0x28: {  	s2 =	sld [smem:$0x3FA3]  }
0x29: {  	s4 =	sld [smem:$0x3FA5]  }
0x2a: {  	p0 =	seq.s32 s5, $0x0;
	s5 =	sld [smem:$0x3FA6]  }
0x2b: {  	s6 =	sld [smem:$0x3FA7]  }
0x2c: {  	s7 =	sld [smem:$0x3FA8]  }
0x2d: {  	s3 =	simm.s32 $0x108;
	s8 =	sld [smem:$0x3FA9]  }
0x2e: {  	s3 =	simm.s32 @!p0 $0x1082;
	s9 =	sld [smem:$0x3FAA]  }
0x2f: {  	lr =	sadd.s32 s0, s3;
	s0 =	sld [smem:$0x3FA1]  }
0x30: {  	s3 =	sld [smem:$0x3FA4]  }
0x31: {  	[smem:$0x3FAD] =	sst s10  }
0x32: {  	s10 =	sld [smem:$0x3FAB];
	_ =	sdelay $0x3  }
0x33: {  	p0 =	seq.s32 s10, $0x1;
	s10 =	sld [smem:$0x3FAD];
	_ =	sdelay $0x3  }
0x34: {  	[smem:$0x3FAD] =	sst s10  }
0x35: {  	s10 =	sld [smem:$0x3FAC];
	_ =	sdelay $0x3  }
0x36: {  	p1 =	seq.s32 s10, $0x1;
	s10 =	sld [smem:$0x3FAD];
	_ =	sdelay $0x3  }
0x37: {  	[smem:$0x3FAD] =	sst s10  }
0x38: {  	s10 =	sld [smem:$0x3FAE]  }
0x39: {  	_ = 	snop;
	(pc) =	sbr.ind lr, $3  }
0x3a: {  	_ = 	snop  }
0x3b: {  	_ = 	snop  }
0x3c: {  	p2 =	seq.s32 s10, $0x1;
	s10 =	sld [smem:$0x3FAD]  }
0x3d: {  	_ =	shalt  }
0x3e: {  	_ =	shalt  }
0x3f: {  	_ =	shalt  }
0x40: {  	_ =	shalt  }
0x41: {  	_ =	shalt  }
0x42: {  	_ =	shalt  }
0x43: {  	_ =	shalt  }
0x44: {  	_ =	shalt  }
0x45: {  	_ =	shalt  }
0x46: {  	_ =	shalt  }
0x47: {  	_ =	shalt  }
0x48: {  	_ =	shalt  }
0x49: {  	_ =	shalt  }
0x4a: {  	_ =	shalt  }
0x4b: {  	_ =	shalt  }
0x4c: {  	_ =	shalt  }
0x4d: {  	_ =	shalt  }
0x4e: {  	_ =	shalt  }
0x4f: {  	_ =	shalt  }
0x50: {  	_ =	shalt  }
0x51: {  	_ =	shalt  }
0x52: {  	_ =	shalt  }
0x53: {  	_ =	shalt  }
0x54: {  	_ =	shalt  }
0x55: {  	_ =	shalt  }
0x56: {  	_ =	shalt  }
0x57: {  	_ =	shalt  }
0x58: {  	_ =	shalt  }
0x59: {  	_ =	shalt  }
0x5a: {  	_ =	shalt  }
0x5b: {  	_ =	shalt  }
0x5c: {  	_ =	shalt  }
0x5d: {  	_ =	shalt  }
0x5e: {  	_ =	shalt  }
0x5f: {  	_ =	shalt  }
0x60: {  	_ =	shalt  }
0x61: {  	_ =	shalt  }
0x62: {  	_ =	shalt  }
0x63: {  	_ =	shalt  }
0x64: {  	_ =	shalt  }
0x65: {  	_ =	shalt  }
0x66: {  	_ =	shalt  }
0x67: {  	_ =	shalt  }
0x68: {  	_ =	shalt  }
0x69: {  	_ =	shalt  }
0x6a: {  	_ =	shalt  }
0x6b: {  	_ =	shalt  }
0x6c: {  	_ =	shalt  }
0x6d: {  	_ =	shalt  }
0x6e: {  	_ =	shalt  }
0x6f: {  	_ =	shalt  }
0x70: {  	_ =	shalt  }
0x71: {  	_ =	shalt  }
0x72: {  	_ =	shalt  }
0x73: {  	_ =	shalt  }
0x74: {  	_ =	shalt  }
0x75: {  	_ =	shalt  }
0x76: {  	_ =	shalt  }
0x77: {  	_ =	shalt  }
0x78: {  	_ =	shalt  }
0x79: {  	_ =	shalt  }
0x7a: {  	_ =	shalt  }
0x7b: {  	_ =	shalt  }
0x7c: {  	_ =	shalt  }
0x7d: {  	_ =	shalt  }
0x7e: {  	_ =	shalt  }
0x7f: {  	_ =	shalt  }
0x80: {  	_ =	shalt  }
0x81: {  	_ =	shalt  }
0x82: {  	_ =	shalt  }
0x83: {  	_ =	shalt  }
0x84: {  	_ =	shalt  }
0x85: {  	_ =	shalt  }
0x86: {  	_ =	shalt  }
0x87: {  	_ =	shalt  }
.Lfunc_end0:
.L_simem_size_0:
called_computation.3_lowered:
.L_overlay_start_0:
0x88: {  	s2 =	sld [smem:$0x3FD9]  }
0x89: {  	s3 =	sld [smem:$0x3FFE];
	_ =	sdelay $0x1  }
0x8a: {  	s1 =	srdreg.scid  }
0x8b: {  	s0 =	sand.u32 $0x1, s1  }
0x8c: {  	s17 =	sshll.u32 s0, $0xA;
	s2 =	sadd.s32 s3, s2  }
0x8d: {  	s2 =	sadd.s32 s2, s17  }
0x8e: {  	[smem:$0x3FB9] =	sst s2  }
0x8f: {  	_ = 	snop  }
0x90: {  	(tm) =	ssettm $0x1  }
0x91: {  	s18 =	sld [smem:$0x3FFB];
	_ =	sdelay $0x3  }
0x92: {  	_ =	strace s18  }
0x93: {  	s2 =	sld [smem:$0x3FFC];
	_ =	sdelay $0x3  }
0x94: {  	_ =	strace s2  }
0x95: {  	s2 =	sld [smem:$0x3FFD];
	_ =	sdelay $0x3  }
0x96: {  	_ =	strace s2  }
0x97: {  	_ =	strace $0x8FFFFFFF  }
0x98: {  	s19 =	sld [smem:$0x3FDB];
	_ =	sdelay $0x1  }
0x99: {  	s20 =	simm.s32 $_scs_section_size  }
0x9a: {  	s4 =	simm.s32 $_size__tile_overlayer_lowered;
	s5 =	simm.s32 $_tile_overlayer_lowered  }
0x9b: {  	s6 =	simm.s32 $0x1BFF;
	s21 =	sshll.u32 s5, $0x1;
	s3 =	sadd.s32 s20, s19  }
0x9c: {  	s22 =	simm.s32 $0x0;
	s4 =	sshll.u32 s4, $0x1;
	s5 =	sadd.s32 s21, s3  }
0x9d: {  	[timem:s22], [sflag:s6] =	dma.local [hbm:s5], s4  }
0x9e: {  	_ =	swait.ge [sflag:s6], s4  }
0x9f: {  	s4 =	ssub.s32 $0x0, s4;
	[sflag:s6] =	ssyncset.done $0x0  }
0xa0: {  	[sflag:s6] =	ssyncadd.s32 s4;
	_ =	sdelay $0x1  }
0xa1: {  	s23 =	simm.s32 $0x1B8B  }
0xa2: {  	_ =	swait.ge [sflag:s23], $0x1  }
0xa3: {  	[sflag:s23] =	ssyncset.done $0x0  }
0xa4: {  	[sflag:s23] =	ssyncadd.s32 $0xFFFFFFFF  }
0xa5: {  	s4 =	sld [smem:$0x0]  }
0xa6: {  	s5 =	sand.u32 $0xFFFFFFFE, s1  }
0xa7: {  	p0 =	sne.s32 s1, s5  }
0xa8: {  	s5 =	sshll.u32 @p0 s5, $0xE  }
0xa9: {  	s5 =	sadd.s32 @p0 $0x11B8D, s5;
	s6 =	sshll.u32 @p0 s4, $0x11  }
0xaa: {  	s5 =	sor.u32 @p0 s6, s5  }
0xab: {  	[sflag:s5] =	ssyncadd.remote.s32 @p0 $0x1;
	_ =	sdelay $0x1  }
0xac: {  	s5 =	simm.s32 @p0 $0x1B8D  }
0xad: {  	_ =	swait.eq @p0 [sflag:s5], $0x1  }
0xae: {  	[sflag:s5] =	ssyncadd.s32 @p0 $0xFFFFFFFF  }
0xaf: {  	s6 =	sshll.u32 @!p0 s1, $0xE  }
0xb0: {  	s6 =	sor.u32 @!p0 $0x4000, s6;
	s5 =	simm.s32 @!p0 $0x1B8D  }
0xb1: {  	s4 =	sshll.u32 @!p0 s4, $0x11;
	s6 =	sadd.s32 @!p0 $0x11B8D, s6;
	_ =	swait.eq @!p0 [sflag:s5], $0x1  }
0xb2: {  	s4 =	sor.u32 @!p0 s4, s6;
	[sflag:s5] =	ssyncadd.s32 @!p0 $0xFFFFFFFF  }
0xb3: {  	s25 =	simm.s32 $0x1B8E;
	s24 =	sld [smem:$0x3FFE];
	[sflag:s4] =	ssyncadd.remote.s32 @!p0 $0x1  }
0xb4: {  	s26 =	simm.s32 $execute0_lowered;
	[smem:$0x3FD2] =	sst s25  }
0xb5: {  	s5 =	sshll.u32 s26, $0x1;
	_ =	strace $0x8000004C;
	[dreg:$0x1] =	wrdreg $0xFFFFFFFF  }
0xb6: {  	s28 =	simm.s32 $_size_execute0_lowered;
	s3 =	sadd.s32 s3, s5;
	[dreg:$0x0] =	wrdreg $0x0  }
0xb7: {  	s5 =	sshll.u32 s28, $0x1;
	[dreg:$0x2] =	wrdreg s3  }
0xb8: {  	[dreg:$0x3] =	wrdreg s5  }
0xb9: {  	[dreg:$0x4] =	wrdreg $0xC0  }
0xba: {  	_ =	task [dreg:s22], $0x5FFFF  }
0xbb: {  	[dreg:$0x1] =	wrdreg $0xFFFFFFFF  }
0xbc: {  	[dreg:$0x0] =	wrdreg $0x60  }
0xbd: {  	[dreg:$0x2] =	wrdreg s24  }
0xbe: {  	[dreg:$0x3] =	wrdreg $0x81000  }
0xbf: {  	[dreg:$0x4] =	wrdreg $0xA  }
0xc0: {  	_ =	task.clear_ibuf [dreg:s22], $0x5FFFF;
	_ =	strace $0x9000004C  }
0xc1: {  	s29 =	simm.s32 $0xA;
	_ =	strace $0x8000004E  }
0xc2: {  	_ =	swait.ge [sflag:s29], $0x1  }
0xc3: {  	[sflag:s29] =	ssyncadd.s32 $0xFFFFFFFF  }
0xc4: {  	_ =	strace $0x9000004E  }
0xc5: {  	_ =	sfence  }
0xc6: {  	s30 =	sld [smem:$0x0];
	_ =	sdelay $0x2  }
0xc7: {  	s31 =	sshll.u32 s1, $0xD;
	s1 =	sshrl.u32 s1, $0x2  }
0xc8: {  	s4 =	sand.u32 $0x4000, s31;
	s1 =	sadd.s32 s1, s30  }
0xc9: {  	s0 =	sor.u32 s4, s0;
	s1 =	sshll.u32 s1, $0x11  }
0xca: {  	s0 =	sor.u32 s1, s0  }
0xcb: {  	s0 =	sadd.s32 $0x8F2B, s0  }
0xcc: {  	[sflag:s0] =	ssyncadd.remote.s32 $0x1  }
0xcd: {  	_ =	sfence.sel $0xFFFF  }
0xce: {  	[dreg:$0x0] =	wrdreg $0xFFFFFFFF;
	(pc) =	sbr.abs _section_cstart, $3  }
0xcf: {  	[dreg:$0x1] =	wrdreg $0xFFFFFFFF  }
0xd0: {  	_ =	task.clear_ibuf [dreg:s22], $0x2FFFF;
	_ =	strace $0x9FFFFFFF  }
0xd1: {  	(tm) =	ssettm $0x7FFFFFFF  }
tec
execute0_lowered:
.L_overlay_start_1:
0x0: {  	(tag) =	ssettag $0x1  }
0x1: {  	s5 =	rddreg [dreg:$0x0]  }
0x2: {  	s1 =	rddreg [dreg:$0x1];
	s2 =	srdreg.scid  }
0x3: {  	s0 =	rddreg [dreg:$0x2];
	s3 =	simm.s32 $0x0;
	s11 =	sand.u32 $0x1, s2  }
0x4: {  	s2 =	stileid.u32;
	[smem:$0x7FF] =	sst s3;
	s12 =	sadd.s32 $0x4FEA00, s5  }
0x5: {  	s13 =	sadd.s32 $0x3A00, s5;
	s4 =	sadd.s32 $0x8A00, s5;
	s6 =	smul.u32 $0x140000, s11  }
0x6: {  	s7 =	smul.u32 $0x14000, s2;
	_ =	strace $0x8000004D;
	s23 =	ssub.s32 $0x2, s11  }
0x7: {  	s8 =	smul.u32 $0x50000, s2;
	s9 =	sshll.u32 s2, $0x1;
	s26 =	sshll.u32 s2, $0x6  }
0x8: {  	s16 =	sshll.u32 s2, $0xC;
	s30 =	sshll.u32 s2, $0x5;
	s17 =	sshll.u32 s11, $0xB  }
0x9: {  	s31 =	sshll.u32 s11, $0x4;
	s24 =	sshrl.u32 s23, $0x1;
	s6 =	sadd.s32 s7, s6  }
0xa: {  	s14 =	ssub.s32 s23, s24;
	s25 =	sshrl.u32 s8, $0x2;
	s6 =	sshrl.u32 s6, $0x3  }
0xb: {  	s15 =	sadd.s32 s25, s1;
	s10 =	sadd.s32 s6, s5;
	s5 =	sor.u32 s11, s9  }
0xc: {  	s6 =	sor.u32 $0x1C05, s26;
	s9 =	ssub.s32 $0x4E2, s9;
	s11 =	smax.u32 s14, $0x1  }
0xd: {  	s14 =	sshrl.u32 s15, $0x3;
	s15 =	simm.s32 $0x5;
	s28 =	sshll.u32 s5, $0x4  }
0xe: {  	s29 =	sshll.u32 s5, $0xB;
	s10 =	sadd.s32 $0xB200, s10;
	s7 =	sadd.s32 s13, s28  }
0xf: {  	s8 =	sadd.s32 s12, s29;
	s12 =	sadd.s32 s16, s12;
	s13 =	sadd.s32 s30, s13  }
0x10: {  	s16 =	simm.s32 $0x100;
	s12 =	sadd.s32 s17, s12;
	s13 =	sadd.s32 s31, s13  }
0x11: {  	s17 =	simm.s32 $0x0;
	s12 =	sadd.s32 $0x10000, s12;
	s13 =	sadd.s32 $0x200, s13  }
.LBB2_1:
0x12: {  	[spmem:s14], [sflag:s6] =	dma.local [hbm:s4], $0x2800  }
0x13: {  	_ =	swait.ge [sflag:s15], $0x2800  }
0x14: {  	[sflag:s15] =	ssyncset.done $0x0  }
0x15: {  	s18 =	sadd.s32 $0x0, s5;
	[sflag:s15] =	ssyncadd.s32 $0xFFFFD800  }
0x16: {  	s19 =	sadd.s32 $0x20, s18;
	[bflag:$0x0] =	sbarrier.arrive $0xFFFF  }
0x17: {  	[tilespmem:s3], [sflag:$0x1] =	stream.linear.gather [hbm4b:s7+s3], $0x80, $0x38;
	[tilespmem:$0x1C100] =	vst v63  }
0x18: {  	p0 =	sgt.u32 s19, $0x4E1  }
0x19: {  	[tilespmem:s16], [sflag:$0x3] =	stream.linear.gather [hbm4b:s8+s3], $0x4000, $0x38;
	[tilespmem:$0x1C100] =	vst v63  }
0x1a: {  	s19 =	simm.s32 @!p0 $0x0;
	s22 =	simm.s32 @!p0 $0x80  }
0x1b: {  	[tilespmem:s22], [sflag:$0x2] =	stream.linear.gather @!p0 [hbm4b:s13+s19], $0x80, $0x38;
	[tilespmem:$0x1C100] =	vst v63  }
0x1c: {  	p1 =	sle.u32 s9, $0x0;
	s23 =	simm.s32 @!p0 $0x4100  }
0x1d: {  	[tilespmem:s23], [sflag:$0x4] =	stream.linear.gather @!p0 [hbm4b:s12+s19], $0x4000, $0x38;
	[tilespmem:$0x1C100] =	vst v63  }
0x1e: {  	s19 =	simm.s32 @!p1 $0x1  }
0x1f: {  	_ =	swait.ge @!p1 [sflag:s19], $0x80  }
0x20: {  	[sflag:s19] =	ssyncset.done @!p1 $0x0  }
0x21: {  	s20 =	simm.s32 @!p1 $0x3;
	[sflag:s19] =	ssyncadd.s32 @!p1 $0xFFFFFF80  }
0x22: {  	s21 =	simm.s32 @!p1 $0x80;
	_ =	swait.ge @!p1 [sflag:s20], $0x4000  }
0x23: {  	s24 =	simm.s32 @!p1 $0x0;
	s18 =	sadd.s32 $0x40, s18;
	[sflag:s20] =	ssyncset.done @!p1 $0x0  }
0x24: {  	s19 =	simm.s32 @!p1 $0x100;
	[sflag:s20] =	ssyncadd.s32 @!p1 $0xFFFFC000;
	s20 =	simm.s32 @!p1 $0x6  }
0x25: {  	[spmem:s1] =	stream.indirect.scatter.add.f32 @!p1 [tilespmem:s19], [sflag:$0x6], $0x80, s24, s21, $0xb8;
	[tilespmem:$0x1C100] =	vst v63  }
0x26: {  	p2 =	sgt.u32 s18, $0x4E1;
	_ =	swait.ge @!p1 [sflag:s20], $0x4000  }
0x27: {  	s18 =	sadd.s32 @!p2 $0x200, s13;
	[sflag:s20] =	ssyncset.done @!p1 $0x0  }
0x28: {  	p0 =	por p0, p0;
	s19 =	simm.s32 @!p2 $0x0;
	[sflag:s20] =	ssyncadd.s32 @!p1 $0xFFFFC000  }
0x29: {  	[tilespmem:s19], [sflag:$0x1] =	stream.linear.gather @!p2 [hbm4b:s18+s19], $0x80, $0x38;
	[tilespmem:$0x1C100] =	vst v63  }
0x2a: {  	s21 =	simm.s32 @!p0 $0x2;
	s20 =	simm.s32 @!p2 $0x100;
	s18 =	sadd.s32 @!p2 $0x10000, s12  }
0x2b: {  	[tilespmem:s20], [sflag:$0x3] =	stream.linear.gather @!p2 [hbm4b:s18+s19], $0x4000, $0x38;
	[tilespmem:$0x1C100] =	vst v63  }
0x2c: {  	_ =	swait.ge @!p0 [sflag:s21], $0x80  }
0x2d: {  	[sflag:s21] =	ssyncset.done @!p0 $0x0  }
0x2e: {  	s18 =	simm.s32 @!p0 $0x4;
	[sflag:s21] =	ssyncadd.s32 @!p0 $0xFFFFFF80  }
0x2f: {  	s31 =	sadd.s32 $0x40, s5;
	s24 =	simm.s32 @!p0 $0x5;
	_ =	swait.ge @!p0 [sflag:s18], $0x4000  }
0x30: {  	s20 =	simm.s32 $0x40;
	s19 =	sadd.s32 $0x400, s13;
	[sflag:s18] =	ssyncset.done @!p0 $0x0  }
0x31: {  	s21 =	simm.s32 $0x80;
	[sflag:s18] =	ssyncadd.s32 @!p0 $0xFFFFC000;
	s18 =	sadd.s32 $0x20000, s12  }
0x32: {  	[spmem:s1] =	stream.indirect.scatter.add.f32 @!p0 [tilespmem:s23], [sflag:$0x5], $0x80, s22, s22, $0xb8;
	[tilespmem:$0x1C100] =	vst v63  }
0x33: {  	s23 =	sadd.s32 $0x20, s31;
	s22 =	sadd.s32 $0x40, s31;
	_ =	swait.ge @!p0 [sflag:s24], $0x4000  }
.LBB2_2:
0x34: {  	p3 =	sgt.u32 s23, $0x4E1  }
0x35: {  	[sflag:s24] =	ssyncset.done @!p0 $0x0;
	s25 =	smov.u32 s21;
	s21 =	sadd.s32 $0x40, s21  }
0x36: {  	s26 =	simm.s32 @!p3 $0x0;
	s23 =	simm.s32 @!p3 $0x80;
	[sflag:s24] =	ssyncadd.s32 @!p0 $0xFFFFC000  }
0x37: {  	[tilespmem:s23], [sflag:$0x2] =	stream.linear.gather @!p3 [hbm4b:s19+s26], $0x80, $0x38;
	[tilespmem:$0x1C100] =	vst v63  }
0x38: {  	p2 =	sge.u32 s20, s9;
	p1 =	sne.s32 s21, $0x540;
	s28 =	simm.s32 @!p3 $0x4100  }
0x39: {  	[tilespmem:s28], [sflag:$0x4] =	stream.linear.gather @!p3 [hbm4b:s18+s26], $0x4000, $0x38;
	[tilespmem:$0x1C100] =	vst v63  }
0x3a: {  	s24 =	simm.s32 @!p2 $0x1;
	s20 =	smov.u32 s25;
	p0 =	por p3, p3  }
0x3b: {  	_ =	swait.ge @!p2 [sflag:s24], $0x80  }
0x3c: {  	s25 =	simm.s32 @!p2 $0x3;
	[sflag:s24] =	ssyncset.done @!p2 $0x0  }
0x3d: {  	[sflag:s24] =	ssyncadd.s32 @!p2 $0xFFFFFF80  }
0x3e: {  	s24 =	simm.s32 @!p2 $0x100;
	_ =	swait.ge @!p2 [sflag:s25], $0x4000  }
0x3f: {  	s29 =	simm.s32 @!p2 $0x0;
	s26 =	simm.s32 @!p2 $0x80;
	[sflag:s25] =	ssyncset.done @!p2 $0x0  }
0x40: {  	[sflag:s25] =	ssyncadd.s32 @!p2 $0xFFFFC000;
	s25 =	simm.s32 @!p2 $0x6  }
0x41: {  	[spmem:s1] =	stream.indirect.scatter.add.f32 @!p2 [tilespmem:s24], [sflag:$0x6], $0x80, s29, s26, $0xb8;
	[tilespmem:$0x1C100] =	vst v63  }
0x42: {  	p3 =	sgt.u32 s22, $0x4E1;
	_ =	swait.ge @!p2 [sflag:s25], $0x4000  }
0x43: {  	s22 =	sadd.s32 @!p3 $0x200, s19;
	s24 =	simm.s32 @!p3 $0x0;
	[sflag:s25] =	ssyncset.done @!p2 $0x0  }
0x44: {  	[sflag:s25] =	ssyncadd.s32 @!p2 $0xFFFFC000  }
0x45: {  	[tilespmem:s24], [sflag:$0x1] =	stream.linear.gather @!p3 [hbm4b:s22+s24], $0x80, $0x38;
	[tilespmem:$0x1C100] =	vst v63  }
0x46: {  	s26 =	simm.s32 @!p0 $0x2;
	s25 =	simm.s32 @!p3 $0x100;
	s22 =	sadd.s32 @!p3 $0x10000, s18  }
0x47: {  	[tilespmem:s25], [sflag:$0x3] =	stream.linear.gather @!p3 [hbm4b:s22+s24], $0x4000, $0x38;
	[tilespmem:$0x1C100] =	vst v63  }
0x48: {  	_ =	swait.ge @!p0 [sflag:s26], $0x80  }
0x49: {  	s22 =	simm.s32 @!p0 $0x4;
	[sflag:s26] =	ssyncset.done @!p0 $0x0  }
0x4a: {  	[sflag:s26] =	ssyncadd.s32 @!p0 $0xFFFFFF80  }
.Ltmp0:
0x4b: {  	_ =	swait.ge @!p0 [sflag:s22], $0x4000;
	(pc) =	sbr.rel @p1 .LBB2_2-.Ltmp0, $4  }
0x4c: {  	s19 =	sadd.s32 $0x400, s19;
	s24 =	simm.s32 @!p0 $0x5;
	[sflag:s22] =	ssyncset.done @!p0 $0x0  }
0x4d: {  	s18 =	sadd.s32 $0x20000, s18;
	s25 =	sadd.s32 s20, s5;
	[sflag:s22] =	ssyncadd.s32 @!p0 $0xFFFFC000  }
0x4e: {  	[spmem:s1] =	stream.indirect.scatter.add.f32 @!p0 [tilespmem:s28], [sflag:$0x5], $0x80, s23, s23, $0xb8;
	[tilespmem:$0x1C100] =	vst v63  }
0x4f: {  	s22 =	sadd.s32 $0x40, s25;
	s23 =	sadd.s32 $0x20, s25;
	_ =	swait.ge @!p0 [sflag:s24], $0x4000  }
0x50: {  	p1 =	sgt.u32 s23, $0x4E1;
	[sflag:s24] =	ssyncset.done @!p0 $0x0;
	p2 =	sge.u32 s20, s9  }
0x51: {  	s21 =	simm.s32 @!p1 $0x0;
	s23 =	simm.s32 @!p1 $0x80;
	[sflag:s24] =	ssyncadd.s32 @!p0 $0xFFFFC000  }
0x52: {  	[tilespmem:s23], [sflag:$0x2] =	stream.linear.gather @!p1 [hbm4b:s19+s21], $0x80, $0x38;
	[tilespmem:$0x1C100] =	vst v63  }
0x53: {  	s24 =	simm.s32 @!p1 $0x4100;
	s20 =	simm.s32 @!p2 $0x1  }
0x54: {  	[tilespmem:s24], [sflag:$0x4] =	stream.linear.gather @!p1 [hbm4b:s18+s21], $0x4000, $0x38;
	[tilespmem:$0x1C100] =	vst v63  }
0x55: {  	_ =	swait.ge @!p2 [sflag:s20], $0x80  }
0x56: {  	[sflag:s20] =	ssyncset.done @!p2 $0x0  }
0x57: {  	s21 =	simm.s32 @!p2 $0x3;
	[sflag:s20] =	ssyncadd.s32 @!p2 $0xFFFFFF80  }
0x58: {  	_ =	swait.ge @!p2 [sflag:s21], $0x4000  }
0x59: {  	s25 =	simm.s32 @!p2 $0x80;
	s26 =	simm.s32 @!p2 $0x0;
	[sflag:s21] =	ssyncset.done @!p2 $0x0  }
0x5a: {  	s20 =	simm.s32 @!p2 $0x100;
	[sflag:s21] =	ssyncadd.s32 @!p2 $0xFFFFC000;
	s21 =	simm.s32 @!p2 $0x6  }
0x5b: {  	[spmem:s1] =	stream.indirect.scatter.add.f32 @!p2 [tilespmem:s20], [sflag:$0x6], $0x80, s26, s25, $0xb8;
	[tilespmem:$0x1C100] =	vst v63  }
0x5c: {  	_ =	swait.ge @!p2 [sflag:s21], $0x4000  }
0x5d: {  	p0 =	por p1, p1;
	p1 =	sgt.u32 s22, $0x4E1;
	[sflag:s21] =	ssyncset.done @!p2 $0x0  }
0x5e: {  	s19 =	sadd.s32 @!p1 $0x200, s19;
	s20 =	simm.s32 @!p1 $0x0;
	[sflag:s21] =	ssyncadd.s32 @!p2 $0xFFFFC000  }
0x5f: {  	[tilespmem:s20], [sflag:$0x1] =	stream.linear.gather @!p1 [hbm4b:s19+s20], $0x80, $0x38;
	[tilespmem:$0x1C100] =	vst v63  }
0x60: {  	s18 =	sadd.s32 @!p1 $0x10000, s18;
	s21 =	simm.s32 @!p0 $0x2;
	s19 =	simm.s32 @!p1 $0x100  }
0x61: {  	[tilespmem:s19], [sflag:$0x3] =	stream.linear.gather @!p1 [hbm4b:s18+s20], $0x4000, $0x38;
	[tilespmem:$0x1C100] =	vst v63  }
0x62: {  	_ =	swait.ge @!p0 [sflag:s21], $0x80  }
0x63: {  	[sflag:s21] =	ssyncset.done @!p0 $0x0  }
0x64: {  	s18 =	simm.s32 @!p0 $0x4;
	[sflag:s21] =	ssyncadd.s32 @!p0 $0xFFFFFF80  }
0x65: {  	_ =	swait.ge @!p0 [sflag:s18], $0x4000  }
0x66: {  	[sflag:s18] =	ssyncset.done @!p0 $0x0  }
0x67: {  	s19 =	simm.s32 @!p0 $0x5;
	[sflag:s18] =	ssyncadd.s32 @!p0 $0xFFFFC000  }
0x68: {  	[spmem:s1] =	stream.indirect.scatter.add.f32 @!p0 [tilespmem:s24], [sflag:$0x5], $0x80, s23, s23, $0xb8;
	[tilespmem:$0x1C100] =	vst v63  }
0x69: {  	_ =	swait.ge @!p0 [sflag:s19], $0x4000  }
0x6a: {  	s17 =	sadd.s32 $0x1, s17;
	[sflag:s19] =	ssyncset.done @!p0 $0x0  }
0x6b: {  	[sflag:s19] =	ssyncadd.s32 @!p0 $0xFFFFC000;
	p0 =	sne.s32 s17, s11  }
.Ltmp1:
0x6c: {  	[bflag:$0x0] =	sbarrier.arrive $0xFFFF;
	(pc) =	sbr.rel @p0 .LBB2_1-.Ltmp1, $4  }
0x6d: {  	[hbm:s10], [sflag:s6] =	dma.local [spmem:s14], $0x2800  }
0x6e: {  	_ =	swait.ge [sflag:s15], $0x2800  }
0x6f: {  	[sflag:s15] =	ssyncset.done $0x0  }
0x70: {  	[sflag:s15] =	ssyncadd.s32 $0xFFFFD800  }
0x71: {  	_ =	sfence.sel $0x180000  }
0x72: {  	[bflag:$0x0] =	sbarrier.arrive $0xFFFF  }
0x73: {  	p0 =	sne.s32 s2, $0x0;
	_ =	strace $0x9000004D  }
0x74: {  	s0 =	sadd.s32 @!p0 $0x100000, s0;
	[bflag:$0x2] =	sbarrier.arrive $0xFFFF  }
0x75: {  	[sflag:s0] =	ssyncadd.tile.s32 @!p0 $0x1;
	_ =	shalt  }
.Lfunc_end2:
_tile_overlayer_lowered:
.L_overlay_start_2:
0x76: {  	(tag) =	ssettag $0x2  }
0x77: {  	s0 =	rddreg [dreg:$0x0];
	s2 =	stileid.u32  }
0x78: {  	s1 =	rddreg [dreg:$0x1];
	p0 =	sne.s32 s2, $0x0  }
0x79: {  	s3 =	rddreg [dreg:$0x2];
	[bflag:$0x3] =	sbarrier.arrive $0xFFFF;
	s2 =	simm.s32 @!p0 $0x1C05  }
0x7a: {  	[timem:s3], [sflag:s2] =	dma.local @!p0 [hbm:s0], s1  }
0x7b: {  	s0 =	simm.s32 @!p0 $0x5  }
0x7c: {  	_ =	swait.ge @!p0 [sflag:s0], s1  }
0x7d: {  	s1 =	ssub.s32 @!p0 $0x0, s1;
	[sflag:s0] =	ssyncset.done @!p0 $0x0  }
0x7e: {  	[sflag:s0] =	ssyncadd.s32 @!p0 s1  }
0x7f: {  	[bflag:$0x3] =	sbarrier.arrive $0xFFFF  }
0x80: {  	_ =	shalt  }

// kernel: kernel.9.cloned.1.call-start
scs
__scs_entry_jumppad:
0x0: {  	(pc) =	sbr.rel $0x88, $3  }
0x1: {  	(tag) =	ssettag $0x0;
	lr =	simm.s32 $0x1  }
0x2: {  	[smem:$0x3F92] =	sst lr;
	_ =	strace $0xD0000000  }
0x3: {  	_ = 	snop  }
0x4: {  	_ = 	snop  }
0x5: {  	_ = 	snop  }
0x6: {  	_ = 	snop  }
0x7: {  	_ = 	snop  }
__scs_overlays_trampoline_lowered:
0x8: {  	[smem:$0x3FA1] =	sst s0  }
0x9: {  	[smem:$0x3FA2] =	sst s1  }
0xa: {  	[smem:$0x3FA3] =	sst s2  }
0xb: {  	[smem:$0x3FA4] =	sst s3  }
0xc: {  	[smem:$0x3FA5] =	sst s4  }
0xd: {  	[smem:$0x3FA6] =	sst s5  }
0xe: {  	[smem:$0x3FA7] =	sst s6  }
0xf: {  	[smem:$0x3FA8] =	sst s7  }
0x10: {  	[smem:$0x3FA9] =	sst s8  }
0x11: {  	[smem:$0x3FAA] =	sst s9;
	s0 =	simm.s32 @!p0 $0x0  }
0x12: {  	s1 =	sld [smem:$0x3F90];
	s0 =	simm.s32 @p0 $0x1  }
0x13: {  	[smem:$0x3FAB] =	sst s0;
	s0 =	simm.s32 @!p1 $0x0  }
0x14: {  	s2 =	sld [smem:$0x3F8F];
	s0 =	simm.s32 @p1 $0x1  }
0x15: {  	[smem:$0x3FAC] =	sst s0;
	s0 =	simm.s32 @!p2 $0x0  }
0x16: {  	s3 =	sld [smem:$0x3FDB];
	s0 =	simm.s32 @p2 $0x1  }
0x17: {  	s4 =	simm.s32 $0x1BF5;
	[smem:$0x3FAE] =	sst s0  }
0x18: {  	s0 =	sld [smem:$0x3F91];
	_ =	swait.ge [sflag:s4], $0x0  }
0x19: {  	s7 =	sld [smem:$0x3F92]  }
0x1a: {  	s8 =	sadd.s32 $0xFFFFE003, lr  }
0x1b: {  	s9 =	sadd.s32 $0xFFFFFEF7, lr;
	s5 =	simm.s32 $0xFFFFFFFF;
	p2 =	slt.u32 s8, $0xFFFFF086  }
0x1c: {  	p1 =	slt.u32 s9, $0xF7A;
	s5 =	simm.s32 @!p2 $0x0  }
0x1d: {  	s5 =	simm.s32 @p1 $0x1;
	p0 =	seq.s32 s7, s2  }
0x1e: {  	s7 =	smul.u32 @!p0 $0xF7A, s2;
	p2 =	seq.s32 @!p0 s5, $0x0  }
0x1f: {  	s9 =	smul.u32 $0xF7A, s1;
	s8 =	simm.s32 @!p0 $0x1BF5;
	p2 =	por !p2, p0  }
0x20: {  	[sflag:s8] =	ssyncset.s32 @!p0 $0xFFFFF086;
	s6 =	sadd.s32 @!p0 s3, s7;
	s7 =	simm.s32 @!p0 $0x108  }
0x21: {  	s3 =	sadd.s32 s3, s9;
	s6 =	sadd.s32 @!p0 $0x88, s6;
	s7 =	simm.s32 @p2 $0x1082  }
0x22: {  	[simem:s7], [sflag:s8] =	dma.local @!p0 [hbm:s6], $0xF7A  }
0x23: {  	s9 =	sor.u32 $0xD0000000, s2;
	s6 =	simm.s32 $0x108;
	_ =	swait.ge @!p0 [sflag:s8], $0x0  }
0x24: {  	s3 =	sadd.s32 $0x88, s3;
	s6 =	simm.s32 @!p1 $0x1082;
	[sflag:s4] =	ssyncset.s32 $0xFFFFF086  }
0x25: {  	[simem:s6], [sflag:s4] =	dma.local [hbm:s3], $0xF7A  }
0x26: {  	[smem:$0x3F92] =	sst s1;
	(tag) =	ssettag s2;
	_ =	strace s9  }
0x27: {  	s1 =	sld [smem:$0x3FA2]  }
0x28: {  	s2 =	sld [smem:$0x3FA3]  }
0x29: {  	s4 =	sld [smem:$0x3FA5]  }
0x2a: {  	p0 =	seq.s32 s5, $0x0;
	s5 =	sld [smem:$0x3FA6]  }
0x2b: {  	s6 =	sld [smem:$0x3FA7]  }
0x2c: {  	s7 =	sld [smem:$0x3FA8]  }
0x2d: {  	s3 =	simm.s32 $0x108;
	s8 =	sld [smem:$0x3FA9]  }
0x2e: {  	s3 =	simm.s32 @!p0 $0x1082;
	s9 =	sld [smem:$0x3FAA]  }
0x2f: {  	lr =	sadd.s32 s0, s3;
	s0 =	sld [smem:$0x3FA1]  }
0x30: {  	s3 =	sld [smem:$0x3FA4]  }
0x31: {  	[smem:$0x3FAD] =	sst s10  }
0x32: {  	s10 =	sld [smem:$0x3FAB];
	_ =	sdelay $0x3  }
0x33: {  	p0 =	seq.s32 s10, $0x1;
	s10 =	sld [smem:$0x3FAD];
	_ =	sdelay $0x3  }
0x34: {  	[smem:$0x3FAD] =	sst s10  }
0x35: {  	s10 =	sld [smem:$0x3FAC];
	_ =	sdelay $0x3  }
0x36: {  	p1 =	seq.s32 s10, $0x1;
	s10 =	sld [smem:$0x3FAD];
	_ =	sdelay $0x3  }
0x37: {  	[smem:$0x3FAD] =	sst s10  }
0x38: {  	s10 =	sld [smem:$0x3FAE]  }
0x39: {  	_ = 	snop;
	(pc) =	sbr.ind lr, $3  }
0x3a: {  	_ = 	snop  }
0x3b: {  	_ = 	snop  }
0x3c: {  	p2 =	seq.s32 s10, $0x1;
	s10 =	sld [smem:$0x3FAD]  }
0x3d: {  	_ =	shalt  }
0x3e: {  	_ =	shalt  }
0x3f: {  	_ =	shalt  }
0x40: {  	_ =	shalt  }
0x41: {  	_ =	shalt  }
0x42: {  	_ =	shalt  }
0x43: {  	_ =	shalt  }
0x44: {  	_ =	shalt  }
0x45: {  	_ =	shalt  }
0x46: {  	_ =	shalt  }
0x47: {  	_ =	shalt  }
0x48: {  	_ =	shalt  }
0x49: {  	_ =	shalt  }
0x4a: {  	_ =	shalt  }
0x4b: {  	_ =	shalt  }
0x4c: {  	_ =	shalt  }
0x4d: {  	_ =	shalt  }
0x4e: {  	_ =	shalt  }
0x4f: {  	_ =	shalt  }
0x50: {  	_ =	shalt  }
0x51: {  	_ =	shalt  }
0x52: {  	_ =	shalt  }
0x53: {  	_ =	shalt  }
0x54: {  	_ =	shalt  }
0x55: {  	_ =	shalt  }
0x56: {  	_ =	shalt  }
0x57: {  	_ =	shalt  }
0x58: {  	_ =	shalt  }
0x59: {  	_ =	shalt  }
0x5a: {  	_ =	shalt  }
0x5b: {  	_ =	shalt  }
0x5c: {  	_ =	shalt  }
0x5d: {  	_ =	shalt  }
0x5e: {  	_ =	shalt  }
0x5f: {  	_ =	shalt  }
0x60: {  	_ =	shalt  }
0x61: {  	_ =	shalt  }
0x62: {  	_ =	shalt  }
0x63: {  	_ =	shalt  }
0x64: {  	_ =	shalt  }
0x65: {  	_ =	shalt  }
0x66: {  	_ =	shalt  }
0x67: {  	_ =	shalt  }
0x68: {  	_ =	shalt  }
0x69: {  	_ =	shalt  }
0x6a: {  	_ =	shalt  }
0x6b: {  	_ =	shalt  }
0x6c: {  	_ =	shalt  }
0x6d: {  	_ =	shalt  }
0x6e: {  	_ =	shalt  }
0x6f: {  	_ =	shalt  }
0x70: {  	_ =	shalt  }
0x71: {  	_ =	shalt  }
0x72: {  	_ =	shalt  }
0x73: {  	_ =	shalt  }
0x74: {  	_ =	shalt  }
0x75: {  	_ =	shalt  }
0x76: {  	_ =	shalt  }
0x77: {  	_ =	shalt  }
0x78: {  	_ =	shalt  }
0x79: {  	_ =	shalt  }
0x7a: {  	_ =	shalt  }
0x7b: {  	_ =	shalt  }
0x7c: {  	_ =	shalt  }
0x7d: {  	_ =	shalt  }
0x7e: {  	_ =	shalt  }
0x7f: {  	_ =	shalt  }
0x80: {  	_ =	shalt  }
0x81: {  	_ =	shalt  }
0x82: {  	_ =	shalt  }
0x83: {  	_ =	shalt  }
0x84: {  	_ =	shalt  }
0x85: {  	_ =	shalt  }
0x86: {  	_ =	shalt  }
0x87: {  	_ =	shalt  }
.Lfunc_end0:
.L_simem_size_0:
called_computation_lowered:
.L_overlay_start_0:
0x88: {  	s2 =	sld [smem:$0x3FD9]  }
0x89: {  	s3 =	sld [smem:$0x3FFE];
	_ =	sdelay $0x1  }
0x8a: {  	s1 =	srdreg.scid  }
0x8b: {  	s0 =	sand.u32 $0x1, s1  }
0x8c: {  	s17 =	sshll.u32 s0, $0xA;
	s2 =	sadd.s32 s3, s2  }
0x8d: {  	s2 =	sadd.s32 s2, s17  }
0x8e: {  	[smem:$0x3FB9] =	sst s2  }
0x8f: {  	_ = 	snop  }
0x90: {  	s18 =	sld [smem:$0x3FC9]  }
0x91: {  	s4 =	sld [smem:$0x3FD0];
	(tm) =	ssettm $0x1  }
0x92: {  	s19 =	sld [smem:$0x3FFB];
	_ =	sdelay $0x3  }
0x93: {  	_ =	strace s19  }
0x94: {  	s2 =	sld [smem:$0x3FFC];
	_ =	sdelay $0x3  }
0x95: {  	_ =	strace s2  }
0x96: {  	s2 =	sld [smem:$0x3FFD];
	_ =	sdelay $0x3  }
0x97: {  	_ =	strace s2  }
0x98: {  	_ =	strace $0x8FFFFFFF  }
0x99: {  	s20 =	sld [smem:$0x3FDB];
	_ =	sdelay $0x1  }
0x9a: {  	s5 =	simm.s32 $_scs_section_size  }
0x9b: {  	s6 =	simm.s32 $_size__tile_overlayer_lowered;
	s7 =	simm.s32 $_tile_overlayer_lowered  }
0x9c: {  	s8 =	simm.s32 $0x1BFF;
	s21 =	sshll.u32 s7, $0x1;
	s5 =	sadd.s32 s5, s20  }
0x9d: {  	s22 =	simm.s32 $0x0;
	s6 =	sshll.u32 s6, $0x1;
	s7 =	sadd.s32 s21, s5  }
0x9e: {  	[timem:s22], [sflag:s8] =	dma.local [hbm:s7], s6  }
0x9f: {  	_ =	swait.ge [sflag:s8], s6  }
0xa0: {  	s6 =	ssub.s32 $0x0, s6;
	[sflag:s8] =	ssyncset.done $0x0  }
0xa1: {  	[sflag:s8] =	ssyncadd.s32 s6;
	_ =	sdelay $0x1  }
0xa2: {  	s23 =	simm.s32 $0x1B8B  }
0xa3: {  	_ =	swait.ge [sflag:s23], $0x1  }
0xa4: {  	[sflag:s23] =	ssyncset.done $0x0  }
0xa5: {  	[sflag:s23] =	ssyncadd.s32 $0xFFFFFFFF  }
0xa6: {  	s6 =	sld [smem:$0x0]  }
0xa7: {  	s7 =	sand.u32 $0xFFFFFFFE, s1  }
0xa8: {  	p0 =	sne.s32 s1, s7  }
0xa9: {  	s7 =	sshll.u32 @p0 s7, $0xE  }
0xaa: {  	s7 =	sadd.s32 @p0 $0x11B8D, s7;
	s8 =	sshll.u32 @p0 s6, $0x11  }
0xab: {  	s7 =	sor.u32 @p0 s8, s7  }
0xac: {  	[sflag:s7] =	ssyncadd.remote.s32 @p0 $0x1;
	_ =	sdelay $0x1  }
0xad: {  	s7 =	simm.s32 @p0 $0x1B8D  }
0xae: {  	_ =	swait.eq @p0 [sflag:s7], $0x1  }
0xaf: {  	[sflag:s7] =	ssyncadd.s32 @p0 $0xFFFFFFFF  }
0xb0: {  	s8 =	sshll.u32 @!p0 s1, $0xE  }
0xb1: {  	s8 =	sor.u32 @!p0 $0x4000, s8;
	s7 =	simm.s32 @!p0 $0x1B8D  }
0xb2: {  	s6 =	sshll.u32 @!p0 s6, $0x11;
	s8 =	sadd.s32 @!p0 $0x11B8D, s8;
	_ =	swait.eq @!p0 [sflag:s7], $0x1  }
0xb3: {  	s6 =	sor.u32 @!p0 s6, s8;
	[sflag:s7] =	ssyncadd.s32 @!p0 $0xFFFFFFFF  }
0xb4: {  	s25 =	simm.s32 $0x1B8E;
	s24 =	sld [smem:$0x3FFE];
	[sflag:s6] =	ssyncadd.remote.s32 @!p0 $0x1  }
0xb5: {  	s26 =	simm.s32 $execute0_lowered;
	[smem:$0x3FD2] =	sst s25  }
0xb6: {  	s7 =	sshll.u32 s26, $0x1;
	_ =	strace $0x80000049;
	[dreg:$0x1] =	wrdreg $0xFFFFFFFF  }
0xb7: {  	s28 =	simm.s32 $_size_execute0_lowered;
	s5 =	sadd.s32 s5, s7;
	[dreg:$0x0] =	wrdreg $0x0  }
0xb8: {  	s7 =	sshll.u32 s28, $0x1;
	[dreg:$0x2] =	wrdreg s5  }
0xb9: {  	[dreg:$0x3] =	wrdreg s7  }
0xba: {  	[dreg:$0x4] =	wrdreg $0xC0  }
0xbb: {  	_ =	task [dreg:s22], $0x5FFFF  }
0xbc: {  	[dreg:$0x1] =	wrdreg $0xFFFFFFFF  }
0xbd: {  	[dreg:$0x0] =	wrdreg $0x60  }
0xbe: {  	[dreg:$0x2] =	wrdreg s18  }
0xbf: {  	[dreg:$0x3] =	wrdreg s4  }
0xc0: {  	[dreg:$0x4] =	wrdreg s24  }
0xc1: {  	[dreg:$0x5] =	wrdreg $0x9  }
0xc2: {  	_ =	task.clear_ibuf [dreg:s22], $0x6FFFF;
	_ =	strace $0x90000049  }
0xc3: {  	s29 =	simm.s32 $0x9;
	_ =	strace $0x8000004B  }
0xc4: {  	_ =	swait.ge [sflag:s29], $0x1  }
0xc5: {  	[sflag:s29] =	ssyncadd.s32 $0xFFFFFFFF  }
0xc6: {  	_ =	strace $0x9000004B  }
0xc7: {  	_ =	sfence  }
0xc8: {  	s30 =	sld [smem:$0x0];
	_ =	sdelay $0x2  }
0xc9: {  	s31 =	sshll.u32 s1, $0xD;
	s1 =	sshrl.u32 s1, $0x2  }
0xca: {  	s4 =	sand.u32 $0x4000, s31;
	s1 =	sadd.s32 s1, s30  }
0xcb: {  	s0 =	sor.u32 s4, s0;
	s1 =	sshll.u32 s1, $0x11  }
0xcc: {  	s0 =	sor.u32 s1, s0  }
0xcd: {  	s0 =	sadd.s32 $0x8F2B, s0  }
0xce: {  	[sflag:s0] =	ssyncadd.remote.s32 $0x1  }
0xcf: {  	_ =	sfence.sel $0xFFFF  }
0xd0: {  	[dreg:$0x0] =	wrdreg $0xFFFFFFFF;
	(pc) =	sbr.abs _section_cstart, $3  }
0xd1: {  	[dreg:$0x1] =	wrdreg $0xFFFFFFFF  }
0xd2: {  	_ =	task.clear_ibuf [dreg:s22], $0x2FFFF;
	_ =	strace $0x9FFFFFFF  }
0xd3: {  	(tm) =	ssettm $0x7FFFFFFF  }
tec
execute0_lowered:
.L_overlay_start_1:
0x0: {  	(tag) =	ssettag $0x1  }
0x1: {  	s1 =	rddreg [dreg:$0x0]  }
0x2: {  	s5 =	rddreg [dreg:$0x1]  }
0x3: {  	s2 =	srdreg.scid;
	s0 =	stileid.u32  }
0x4: {  	s4 =	rddreg [dreg:$0x2];
	s3 =	simm.s32 $0x0;
	s11 =	simm.s32 $0x80  }
0x5: {  	s12 =	simm.s32 $0x2800;
	s13 =	simm.s32 $0xA800;
	s14 =	simm.s32 $0x1  }
0x6: {  	s15 =	simm.s32 $0x3;
	s16 =	simm.s32 $0x12800;
	s17 =	simm.s32 $0x2  }
0x7: {  	s18 =	simm.s32 $0x4;
	s6 =	sand.u32 $0x1, s2;
	s7 =	sshll.u32 s0, $0x1  }
0x8: {  	s19 =	simm.s32 $0x16800;
	s20 =	simm.s32 $0x5;
	s7 =	sor.u32 s6, s7  }
0x9: {  	s21 =	simm.s32 $0x6;
	s22 =	simm.s32 $0x0;
	s8 =	smul.u32 $0x280, s7  }
.Ltmp0:
0xa: {  	[smem:$0x7FF] =	sst s3;
	s6 =	ssub.s32 $0x2, s6;
	(pc) =	sbr.rel .LBB2_1-.Ltmp0, $4  }
0xb: {  	s2 =	rddreg [dreg:$0x3];
	_ =	strace $0x8000004A;
	s9 =	sshrl.u32 s6, $0x1  }
0xc: {  	s7 =	smul.u32 $0x28, s7;
	s9 =	ssub.s32 s6, s9;
	s10 =	sadd.s32 s8, s4  }
0xd: {  	s4 =	sadd.s32 $0x28DA00, s4;
	s5 =	sadd.s32 s5, s8;
	s8 =	smax.u32 s9, $0x1  }
0xe: {  	s9 =	simm.s32 $0x7;
	s6 =	sadd.s32 $0x288A00, s10;
	s10 =	simm.s32 $0x1400  }
.LBB2_11:
0xf: {  	s22 =	sadd.s32 $0x1, s22  }
0x10: {  	_ =	swait.ge [sflag:s20], $0x4000;
	p0 =	sne.s32 s22, s8  }
.Ltmp1:
0x11: {  	[sflag:s20] =	ssyncset.done $0x0;
	(pc) =	sbr.rel @!p0 .LBB2_12-.Ltmp1, $4  }
0x12: {  	[sflag:s20] =	ssyncadd.s32 $0xFFFFC000  }
0x13: {  	_ =	swait.ge [sflag:s21], $0x4000  }
0x14: {  	[sflag:s21] =	ssyncset.done $0x0  }
0x15: {  	[sflag:s21] =	ssyncadd.s32 $0xFFFFC000  }
.LBB2_1:
0x16: {  	[tilespmem:s3], [sflag:$0x7] =	stream.linear.gather [hbm4b:s5+s3], $0x1400, $0x38;
	[tilespmem:$0x1A800] =	vst v63  }
0x17: {  	_ =	swait.ge [sflag:s9], $0x1400  }
0x18: {  	[sflag:s9] =	ssyncset.done $0x0  }
0x19: {  	[sflag:s9] =	ssyncadd.s32 $0xFFFFEC00  }
0x1a: {  	[tilespmem:s10], [sflag:$0x7] =	stream.linear.gather [hbm4b:s6+s3], $0x1400, $0x38;
	[tilespmem:$0x1A800] =	vst v63  }
0x1b: {  	_ =	swait.ge [sflag:s9], $0x1400  }
.Ltmp2:
0x1c: {  	[sflag:s9] =	ssyncset.done $0x0;
	(pc) =	sbr.rel .LBB2_2-.Ltmp2, $4  }
0x1d: {  	[sflag:s9] =	ssyncadd.s32 $0xFFFFEC00  }
0x1e: {  	[tilespmem:s12], [sflag:$0x1] =	stream.indirect.gather [hbm4b:s1+s11], $0x80, s3, s11, $0xb8;
	[tilespmem:$0x1A800] =	vst v63  }
0x1f: {  	s23 =	simm.s32 $0x0  }
0x20: {  	[tilespmem:s13], [sflag:$0x3] =	stream.indirect.gather [hbm4b:s1+s11], $0x80, s10, s11, $0xb8;
	[tilespmem:$0x1A800] =	vst v63  }
.LBB2_10:
0x21: {  	s23 =	sadd.s32 $0x1, s23  }
0x22: {  	p0 =	sne.s32 s23, $0x15  }
.Ltmp3:
0x23: {  	_ = 	snop;
	(pc) =	sbr.rel @!p0 .LBB2_11-.Ltmp3, $1  }
0x24: {  	_ =	sdelay $0x3  }
.LBB2_2:
0x25: {  	s25 =	sshllo.u32 s23, $0x1  }
0x26: {  	s24 =	sadd.s32 s7, s25  }
0x27: {  	p0 =	sne.s32 s23, $0x14;
	p1 =	slt.u32 s24, $0x4E2  }
0x28: {  	p0 =	por !p0, !p1  }
0x29: {  	p0 =	por !p0, !p0  }
0x2a: {  	s26 =	sshll.u32 @p0 s25, $0x7;
	s28 =	simm.s32 @p0 $0x80;
	s25 =	simm.s32 @p0 $0x6800  }
0x2b: {  	[tilespmem:s25], [sflag:$0x2] =	stream.indirect.gather @p0 [hbm4b:s1+s28], $0x80, s26, s28, $0xb8;
	[tilespmem:$0x1A800] =	vst v63  }
0x2c: {  	s29 =	simm.s32 @p0 $0xE800;
	s25 =	sshll.u32 s23, $0x1;
	s26 =	sadd.s32 @p0 $0x1400, s26  }
0x2d: {  	[tilespmem:s29], [sflag:$0x4] =	stream.indirect.gather @p0 [hbm4b:s1+s28], $0x80, s26, s28, $0xb8;
	[tilespmem:$0x1A800] =	vst v63  }
0x2e: {  	p1 =	seq.s32 s23, $0x14;
	s26 =	sadd.s32 s7, s25  }
0x2f: {  	p2 =	sgt.u32 @!p1 s26, $0x4E1  }
0x30: {  	p1 =	por p1, p2  }
.Ltmp4:
0x31: {  	_ = 	snop;
	(pc) =	sbr.rel @p1 .LBB2_6-.Ltmp4, $1  }
0x32: {  	_ =	sdelay $0x3  }
0x33: {  	_ =	swait.ge [sflag:s14], $0x4000  }
0x34: {  	[sflag:s14] =	ssyncset.done $0x0  }
0x35: {  	[sflag:s14] =	ssyncadd.s32 $0xFFFFC000  }
0x36: {  	_ =	swait.ge [sflag:s15], $0x4000  }
0x37: {  	p1 =	seq.s32 s23, $0x0;
	[sflag:s15] =	ssyncset.done $0x0  }
0x38: {  	s28 =	simm.s32 @!p1 $0x5;
	[sflag:s15] =	ssyncadd.s32 $0xFFFFC000  }
0x39: {  	_ =	swait.ge @!p1 [sflag:s28], $0x4000  }
0x3a: {  	[sflag:s28] =	ssyncset.done @!p1 $0x0  }
0x3b: {  	[sflag:s28] =	ssyncadd.s32 @!p1 $0xFFFFC000;
	s28 =	simm.s32 $0x0  }
0x3c: {  	v0 =	vld [tilespmem:s28+$0x2870]  }
0x3d: {  	v1 =	vld [tilespmem:s28+$0xA870]  }
0x3e: {  	v2 =	vld [tilespmem:s28+$0x2800]  }
0x3f: {  	v3 =	vld [tilespmem:s28+$0xA800]  }
0x40: {  	v4 =	vld [tilespmem:s28+$0x2810]  }
0x41: {  	v5 =	vld [tilespmem:s28+$0xA810]  }
0x42: {  	v6 =	vld [tilespmem:s28+$0x2820]  }
0x43: {  	v7 =	vld [tilespmem:s28+$0x2830]  }
0x44: {  	v0 =	vsub.f32 v0, v1;
	v1 =	vld [tilespmem:s28+$0xA820]  }
0x45: {  	v8 =	vld [tilespmem:s28+$0xA830]  }
0x46: {  	v9 =	vld [tilespmem:s28+$0xA840];
	v2 =	vsub.f32 v2, v3  }
0x47: {  	[tilespmem:s28+$0x12870] =	vst v0;
	v0 =	vsub.f32 v4, v5;
	v5 =	vld [tilespmem:s28+$0x2840]  }
0x48: {  	v3 =	vld [tilespmem:s28+$0xA850];
	[tilespmem:s28+$0x12800] =	vst v2  }
0x49: {  	v2 =	vld [tilespmem:s28+$0x2850];
	[tilespmem:s28+$0x12810] =	vst v0;
	v0 =	vsub.f32 v6, v1  }
0x4a: {  	v4 =	vld [tilespmem:s28+$0xA860];
	v6 =	vsub.f32 v7, v8  }
0x4b: {  	s29 =	simm.s32 $0x80;
	[tilespmem:s28+$0x12820] =	vst v0;
	v0 =	vld [tilespmem:s28+$0x2860]  }
0x4c: {  	s30 =	simm.s32 $0x400;
	v5 =	vsub.f32 v5, v9;
	v1 =	vld [tilespmem:s29+$0x2870];
	[tilespmem:s28+$0x12830] =	vst v6  }
.LBB2_4:
0x4d: {  	p1 =	sne.s32 s30, $0xFE00;
	v6 =	vld [tilespmem:s29+$0xA870]  }
0x4e: {  	v7 =	vld [tilespmem:s29+$0x2800];
	[tilespmem:s28+$0x12840] =	vst v5;
	v2 =	vsub.f32 v2, v3  }
0x4f: {  	v3 =	vld [tilespmem:s29+$0xA800]  }
0x50: {  	v5 =	vld [tilespmem:s29+$0x2810];
	[tilespmem:s28+$0x12850] =	vst v2;
	v0 =	vsub.f32 v0, v4  }
0x51: {  	v2 =	vld [tilespmem:s29+$0xA810]  }
0x52: {  	v4 =	vld [tilespmem:s29+$0x2820];
	v1 =	vsub.f32 v1, v6;
	[tilespmem:s28+$0x12860] =	vst v0;
	s28 =	smov.u32 s29  }
0x53: {  	v0 =	vld [tilespmem:s28+$0xA820]  }
0x54: {  	v3 =	vsub.f32 v7, v3;
	v6 =	vld [tilespmem:s28+$0x2830];
	[tilespmem:s28+$0x12870] =	vst v1  }
0x55: {  	v1 =	vld [tilespmem:s28+$0xA830]  }
0x56: {  	[tilespmem:s28+$0x12800] =	vst v3;
	v2 =	vsub.f32 v5, v2;
	v5 =	vld [tilespmem:s28+$0x2840]  }
0x57: {  	v7 =	vld [tilespmem:s28+$0xA840]  }
.Ltmp5:
0x58: {  	[tilespmem:s28+$0x12810] =	vst v2;
	v0 =	vsub.f32 v4, v0;
	v2 =	vld [tilespmem:s28+$0x2850];
	(pc) =	sbr.rel @p1 .LBB2_4-.Ltmp5, $4  }
0x59: {  	v3 =	vld [tilespmem:s28+$0xA850]  }
0x5a: {  	[tilespmem:s28+$0x12820] =	vst v0;
	v6 =	vsub.f32 v6, v1;
	v0 =	vld [tilespmem:s28+$0x2860]  }
0x5b: {  	s29 =	sshra.s32 s30, $0x2;
	v4 =	vld [tilespmem:s28+$0xA860]  }
0x5c: {  	s30 =	sadd.s32 $0x200, s30;
	v1 =	vld [tilespmem:s29+$0x2870];
	[tilespmem:s28+$0x12830] =	vst v6;
	v5 =	vsub.f32 v5, v7  }
0x5d: {  	v6 =	vld [tilespmem:s29+$0xA870]  }
0x5e: {  	v7 =	vld [tilespmem:s29+$0x2800];
	[tilespmem:s28+$0x12840] =	vst v5;
	v2 =	vsub.f32 v2, v3  }
0x5f: {  	v51 =	vld [tilespmem:s29+$0xA800]  }
0x60: {  	v5 =	vld [tilespmem:s29+$0x2810];
	[tilespmem:s28+$0x12850] =	vst v2;
	v0 =	vsub.f32 v0, v4  }
0x61: {  	v2 =	vld [tilespmem:s29+$0xA810]  }
0x62: {  	v52 =	vld [tilespmem:s29+$0x2820];
	[tilespmem:s28+$0x12860] =	vst v0  }
0x63: {  	v54 =	vld [tilespmem:s29+$0xA820]  }
0x64: {  	v55 =	vld [tilespmem:s29+$0x2830]  }
0x65: {  	v56 =	vld [tilespmem:s29+$0xA830]  }
0x66: {  	v57 =	vld [tilespmem:s29+$0x2840]  }
0x67: {  	v58 =	vld [tilespmem:s29+$0xA840]  }
0x68: {  	v59 =	vld [tilespmem:s29+$0x2850]  }
0x69: {  	v53 =	vsub.f32 v1, v6;
	v60 =	vld [tilespmem:s29+$0xA850]  }
0x6a: {  	v61 =	vld [tilespmem:s29+$0x2860];
	v3 =	vsub.f32 v7, v51  }
0x6b: {  	v62 =	vld [tilespmem:s29+$0xA860];
	[tilespmem:s29+$0x12870] =	vst v53;
	v2 =	vsub.f32 v5, v2  }
0x6c: {  	[tilespmem:s29+$0x12800] =	vst v3;
	v1 =	vsub.f32 v52, v54  }
0x6d: {  	[tilespmem:s29+$0x12810] =	vst v2;
	v0 =	vsub.f32 v55, v56  }
0x6e: {  	v3 =	vsub.f32 v57, v58;
	[tilespmem:s29+$0x12820] =	vst v1  }
0x6f: {  	v63 =	vsub.f32 v59, v60;
	[tilespmem:s29+$0x12830] =	vst v0  }
0x70: {  	[tilespmem:s29+$0x12840] =	vst v3;
	v1 =	vsub.f32 v61, v62  }
0x71: {  	s26 =	sshll.u32 s26, $0xB;
	[tilespmem:s29+$0x12850] =	vst v63  }
0x72: {  	s26 =	sadd.s32 s4, s26;
	[tilespmem:s29+$0x12860] =	vst v1  }
0x73: {  	[hbm4b:s26+s3] =	stream.linear.scatter [tilespmem:s16], [sflag:$0x5], $0x4000, $0x38;
	[tilespmem:$0x1A800] =	vst v63  }
.LBB2_6:
0x74: {  	s25 =	sadd.s32 $0x2, s25  }
0x75: {  	p1 =	sgt.u32 s23, $0x12;
	s26 =	sadd.s32 s7, s25  }
0x76: {  	p2 =	sgt.u32 @!p1 s26, $0x4E1  }
.Ltmp6:
0x77: {  	p1 =	por p2, p1;
	(pc) =	sbr.rel @!p0 .LBB2_10-.Ltmp6, $4  }
0x78: {  	s25 =	sshll.u32 @!p1 s25, $0x7;
	s26 =	simm.s32 @!p1 $0x80;
	s28 =	simm.s32 @!p1 $0x2800  }
0x79: {  	[tilespmem:s28], [sflag:$0x1] =	stream.indirect.gather @!p1 [hbm4b:s1+s26], $0x80, s25, s26, $0xb8;
	[tilespmem:$0x1A800] =	vst v63  }
0x7a: {  	s25 =	sadd.s32 @!p1 $0x1400, s25;
	s28 =	simm.s32 @!p1 $0xA800  }
0x7b: {  	[tilespmem:s28], [sflag:$0x3] =	stream.indirect.gather @!p1 [hbm4b:s1+s26], $0x80, s25, s26, $0xb8;
	[tilespmem:$0x1A800] =	vst v63  }
0x7c: {  	_ =	swait.ge [sflag:s17], $0x4000  }
0x7d: {  	[sflag:s17] =	ssyncset.done $0x0  }
0x7e: {  	[sflag:s17] =	ssyncadd.s32 $0xFFFFC000  }
0x7f: {  	_ =	swait.ge [sflag:s18], $0x4000  }
0x80: {  	p0 =	seq.s32 s23, $0x0;
	[sflag:s18] =	ssyncset.done $0x0  }
0x81: {  	s25 =	simm.s32 @!p0 $0x6;
	[sflag:s18] =	ssyncadd.s32 $0xFFFFC000  }
0x82: {  	_ =	swait.ge @!p0 [sflag:s25], $0x4000  }
0x83: {  	[sflag:s25] =	ssyncset.done @!p0 $0x0  }
0x84: {  	[sflag:s25] =	ssyncadd.s32 @!p0 $0xFFFFC000;
	s25 =	simm.s32 $0x0  }
0x85: {  	v0 =	vld [tilespmem:s25+$0x6870]  }
0x86: {  	v1 =	vld [tilespmem:s25+$0xE870]  }
0x87: {  	v2 =	vld [tilespmem:s25+$0x6800]  }
0x88: {  	v3 =	vld [tilespmem:s25+$0xE800]  }
0x89: {  	v4 =	vld [tilespmem:s25+$0x6810]  }
0x8a: {  	v5 =	vld [tilespmem:s25+$0xE810]  }
0x8b: {  	v6 =	vld [tilespmem:s25+$0x6820]  }
0x8c: {  	v7 =	vld [tilespmem:s25+$0x6830]  }
0x8d: {  	v0 =	vsub.f32 v0, v1;
	v1 =	vld [tilespmem:s25+$0xE820]  }
0x8e: {  	v8 =	vld [tilespmem:s25+$0xE830]  }
0x8f: {  	v9 =	vld [tilespmem:s25+$0xE840];
	v2 =	vsub.f32 v2, v3  }
0x90: {  	[tilespmem:s25+$0x16870] =	vst v0;
	v0 =	vsub.f32 v4, v5;
	v5 =	vld [tilespmem:s25+$0x6840]  }
0x91: {  	v3 =	vld [tilespmem:s25+$0xE850];
	[tilespmem:s25+$0x16800] =	vst v2  }
0x92: {  	v2 =	vld [tilespmem:s25+$0x6850];
	[tilespmem:s25+$0x16810] =	vst v0;
	v0 =	vsub.f32 v6, v1  }
0x93: {  	v4 =	vld [tilespmem:s25+$0xE860];
	v6 =	vsub.f32 v7, v8  }
0x94: {  	s26 =	simm.s32 $0x80;
	[tilespmem:s25+$0x16820] =	vst v0;
	v0 =	vld [tilespmem:s25+$0x6860]  }
0x95: {  	s28 =	simm.s32 $0x400;
	v5 =	vsub.f32 v5, v9;
	v1 =	vld [tilespmem:s26+$0x6870];
	[tilespmem:s25+$0x16830] =	vst v6  }
.LBB2_8:
0x96: {  	p0 =	sne.s32 s28, $0xFE00;
	v6 =	vld [tilespmem:s26+$0xE870]  }
0x97: {  	v7 =	vld [tilespmem:s26+$0x6800];
	[tilespmem:s25+$0x16840] =	vst v5;
	v2 =	vsub.f32 v2, v3  }
0x98: {  	v3 =	vld [tilespmem:s26+$0xE800]  }
0x99: {  	v5 =	vld [tilespmem:s26+$0x6810];
	[tilespmem:s25+$0x16850] =	vst v2;
	v0 =	vsub.f32 v0, v4  }
0x9a: {  	v2 =	vld [tilespmem:s26+$0xE810]  }
0x9b: {  	v4 =	vld [tilespmem:s26+$0x6820];
	v1 =	vsub.f32 v1, v6;
	[tilespmem:s25+$0x16860] =	vst v0;
	s25 =	smov.u32 s26  }
0x9c: {  	v0 =	vld [tilespmem:s25+$0xE820]  }
0x9d: {  	v3 =	vsub.f32 v7, v3;
	v6 =	vld [tilespmem:s25+$0x6830];
	[tilespmem:s25+$0x16870] =	vst v1  }
0x9e: {  	v1 =	vld [tilespmem:s25+$0xE830]  }
0x9f: {  	[tilespmem:s25+$0x16800] =	vst v3;
	v2 =	vsub.f32 v5, v2;
	v5 =	vld [tilespmem:s25+$0x6840]  }
0xa0: {  	v7 =	vld [tilespmem:s25+$0xE840]  }
.Ltmp7:
0xa1: {  	[tilespmem:s25+$0x16810] =	vst v2;
	v0 =	vsub.f32 v4, v0;
	v2 =	vld [tilespmem:s25+$0x6850];
	(pc) =	sbr.rel @p0 .LBB2_8-.Ltmp7, $4  }
0xa2: {  	v3 =	vld [tilespmem:s25+$0xE850]  }
0xa3: {  	[tilespmem:s25+$0x16820] =	vst v0;
	v6 =	vsub.f32 v6, v1;
	v0 =	vld [tilespmem:s25+$0x6860]  }
0xa4: {  	s26 =	sshra.s32 s28, $0x2;
	v4 =	vld [tilespmem:s25+$0xE860]  }
0xa5: {  	s28 =	sadd.s32 $0x200, s28;
	v1 =	vld [tilespmem:s26+$0x6870];
	[tilespmem:s25+$0x16830] =	vst v6;
	v5 =	vsub.f32 v5, v7  }
0xa6: {  	v6 =	vld [tilespmem:s26+$0xE870]  }
0xa7: {  	v7 =	vld [tilespmem:s26+$0x6800];
	[tilespmem:s25+$0x16840] =	vst v5;
	v2 =	vsub.f32 v2, v3  }
0xa8: {  	v51 =	vld [tilespmem:s26+$0xE800]  }
0xa9: {  	v5 =	vld [tilespmem:s26+$0x6810];
	[tilespmem:s25+$0x16850] =	vst v2;
	v0 =	vsub.f32 v0, v4  }
0xaa: {  	v2 =	vld [tilespmem:s26+$0xE810]  }
0xab: {  	v52 =	vld [tilespmem:s26+$0x6820];
	[tilespmem:s25+$0x16860] =	vst v0  }
0xac: {  	v54 =	vld [tilespmem:s26+$0xE820]  }
0xad: {  	v55 =	vld [tilespmem:s26+$0x6830]  }
0xae: {  	v56 =	vld [tilespmem:s26+$0xE830]  }
0xaf: {  	v57 =	vld [tilespmem:s26+$0x6840]  }
0xb0: {  	v58 =	vld [tilespmem:s26+$0xE840]  }
0xb1: {  	v59 =	vld [tilespmem:s26+$0x6850]  }
0xb2: {  	v53 =	vsub.f32 v1, v6;
	v60 =	vld [tilespmem:s26+$0xE850]  }
0xb3: {  	v61 =	vld [tilespmem:s26+$0x6860];
	v3 =	vsub.f32 v7, v51  }
0xb4: {  	v62 =	vld [tilespmem:s26+$0xE860];
	[tilespmem:s26+$0x16870] =	vst v53;
	v2 =	vsub.f32 v5, v2  }
0xb5: {  	[tilespmem:s26+$0x16800] =	vst v3;
	v1 =	vsub.f32 v52, v54  }
0xb6: {  	[tilespmem:s26+$0x16810] =	vst v2;
	v0 =	vsub.f32 v55, v56  }
0xb7: {  	v3 =	vsub.f32 v57, v58;
	[tilespmem:s26+$0x16820] =	vst v1  }
.Ltmp8:
0xb8: {  	v63 =	vsub.f32 v59, v60;
	[tilespmem:s26+$0x16830] =	vst v0;
	(pc) =	sbr.rel .LBB2_10-.Ltmp8, $4  }
0xb9: {  	[tilespmem:s26+$0x16840] =	vst v3;
	v1 =	vsub.f32 v61, v62  }
0xba: {  	s24 =	sshll.u32 s24, $0xB;
	[tilespmem:s26+$0x16850] =	vst v63  }
0xbb: {  	s24 =	sadd.s32 s4, s24;
	[tilespmem:s26+$0x16860] =	vst v1  }
0xbc: {  	[hbm4b:s24+s3] =	stream.linear.scatter [tilespmem:s19], [sflag:$0x6], $0x4000, $0x38;
	[tilespmem:$0x1A800] =	vst v63  }
.LBB2_12:
0xbd: {  	_ =	sfence.sel $0x180000  }
0xbe: {  	[bflag:$0x0] =	sbarrier.arrive $0xFFFF  }
0xbf: {  	p0 =	sne.s32 s0, $0x0;
	_ =	strace $0x9000004A  }
0xc0: {  	s0 =	sadd.s32 @!p0 $0x100000, s2;
	[bflag:$0x2] =	sbarrier.arrive $0xFFFF  }
0xc1: {  	[sflag:s0] =	ssyncadd.tile.s32 @!p0 $0x1;
	_ =	shalt  }
.Lfunc_end2:
_tile_overlayer_lowered:
.L_overlay_start_2:
0xc2: {  	(tag) =	ssettag $0x2  }
0xc3: {  	s0 =	rddreg [dreg:$0x0];
	s2 =	stileid.u32  }
0xc4: {  	s1 =	rddreg [dreg:$0x1];
	p0 =	sne.s32 s2, $0x0  }
0xc5: {  	s3 =	rddreg [dreg:$0x2];
	[bflag:$0x3] =	sbarrier.arrive $0xFFFF;
	s2 =	simm.s32 @!p0 $0x1C07  }
0xc6: {  	[timem:s3], [sflag:s2] =	dma.local @!p0 [hbm:s0], s1  }
0xc7: {  	s0 =	simm.s32 @!p0 $0x7  }
0xc8: {  	_ =	swait.ge @!p0 [sflag:s0], s1  }
0xc9: {  	s1 =	ssub.s32 @!p0 $0x0, s1;
	[sflag:s0] =	ssyncset.done @!p0 $0x0  }
0xca: {  	[sflag:s0] =	ssyncadd.s32 @!p0 s1  }
0xcb: {  	[bflag:$0x3] =	sbarrier.arrive $0xFFFF  }
0xcc: {  	_ =	shalt  }

</sc_bundles>
